<compile_context>
chip_gen: v7x
topology: tpu7x:2x2x1
jax: 0.10.2.dev20260603
libtpu: 0.0.44.dev20260713+nightly
codegen_flags: <defaults>
</compile_context>

<pallas_src>
import functools

import jax
import jax.numpy as jnp
from jax import lax
from jax.experimental import pallas as pl
from jax.experimental.pallas import tpu as pltpu
from jax.experimental.pallas import tpu_sc as plsc

D = 128
G = 512
NC = 2
NS = 16
NW = NC * NS
CH = 128

_HI = lax.Precision.HIGHEST


def _agg_body(h_hbm, src_hbm, dst_hbm, zero_hbm, out_hbm,
              agg_sp, sidx, didx, rows, sem0, sem1, *, nch, rpt, npad):
    c = lax.axis_index("c")
    s = lax.axis_index("s")
    wid = c * NS + s
    pltpu.sync_copy(zero_hbm, agg_sp.at[pl.ds(s * rpt, rpt)])
    plsc.subcore_barrier()

    hh = nch // 2
    sems = (sem0, sem1)

    def gissue(r, b):
        pltpu.async_copy(h_hbm.at[sidx.at[r]], rows.at[b], sems[b])

    def gdrain(r, b):
        pltpu.make_async_copy(h_hbm.at[sidx.at[r]], rows.at[b],
                              sems[b]).wait()

    def scat(r, b):
        pltpu.sync_copy(rows.at[b], agg_sp.at[didx.at[r]], add=True)

    for half in range(2):
        pltpu.sync_copy(src_hbm.at[pl.ds(wid * nch + half * hh, hh)], sidx)
        pltpu.sync_copy(dst_hbm.at[pl.ds(wid * nch + half * hh, hh)], didx)
        gissue(0, 0)

        def pair(p, carry):
            r = p * 2
            gissue(r + 1, 1)
            gdrain(r, 0)
            scat(r, 0)

            @pl.when(r + 2 < hh)
            def _():
                gissue(r + 2, 0)

            gdrain(r + 1, 1)
            scat(r + 1, 1)
            return carry

        lax.fori_loop(0, hh // 2, pair, 0)
    plsc.subcore_barrier()
    pltpu.sync_copy(agg_sp.at[pl.ds(s * rpt, rpt)],
                    out_hbm.at[pl.ds(c * npad + s * rpt, rpt)])


def _make_agg(n_nodes, e_pad):
    nch = e_pad // (NW * CH)
    rpt = (-(-n_nodes // NS) + 15) // 8 * 8
    npad = NS * rpt
    body = functools.partial(_agg_body, nch=nch, rpt=rpt, npad=npad)
    kern = pl.kernel(
        body,
        out_type=jax.ShapeDtypeStruct((NC * npad, D), jnp.float32),
        mesh=plsc.VectorSubcoreMesh(core_axis_name="c", subcore_axis_name="s",
                                    num_cores=NC, num_subcores=NS),
        scratch_types=[
            pltpu.VMEM_SHARED((npad, D), jnp.float32),
            pltpu.VMEM((nch // 2, CH), jnp.int32),
            pltpu.VMEM((nch // 2, CH), jnp.int32),
            pltpu.VMEM((2, CH, D), jnp.float32),
            pltpu.SemaphoreType.DMA,
            pltpu.SemaphoreType.DMA,
        ],
    )
    return kern, rpt, npad


def _mlp_body(h_ref, agg_ref, b_ref, w0_ref, b0_ref, s0_ref, t0_ref,
              w1_ref, b1_ref, s1_ref, t1_ref,
              *out_refs, br, with_pin, with_h):
    g = pl.program_id(0)
    h = h_ref[...]
    t = h + agg_ref[0] + agg_ref[1]
    y = jnp.dot(t, w0_ref[...],
                preferred_element_type=jnp.float32) + b0_ref[...]
    y = y * s0_ref[...] + t0_ref[...]
    y = jnp.maximum(y, 0.0)
    y = jnp.dot(y, w1_ref[...],
                preferred_element_type=jnp.float32) + b1_ref[...]
    y = y * s1_ref[...] + t1_ref[...]
    y = jnp.maximum(y, 0.0)
    refs = list(out_refs)
    if with_h:
        refs.pop(0)[...] = y
    bat = b_ref[0, 0, :]
    oh = (bat[:, None] == lax.broadcasted_iota(jnp.int32, (br, G), 1)
          ).astype(jnp.float32)
    dn = (((0,), (0,)), ((), ()))
    pools = [lax.dot_general(oh, y, dn, precision=_HI,
                             preferred_element_type=jnp.float32)]
    if with_pin:
        pools.insert(0, lax.dot_general(oh, h, dn, precision=_HI,
                                        preferred_element_type=jnp.float32))

    @pl.when(g == 0)
    def _():
        for ref, val in zip(refs, pools):
            ref[...] = val

    @pl.when(g > 0)
    def _():
        for ref, val in zip(refs, pools):
            ref[...] += val


def _make_mlp(n_nodes, npad, br, with_pin, with_h):
    nb = n_nodes // br
    grid = (nb,)
    pool_spec = pl.BlockSpec((G, D), lambda g: (0, 0))
    pool_shape = jax.ShapeDtypeStruct((G, D), jnp.float32)
    out_specs = [pool_spec] * (2 if with_pin else 1)
    out_shape = [pool_shape] * (2 if with_pin else 1)
    if with_h:
        out_specs.insert(0, pl.BlockSpec((br, D), lambda g: (g, 0)))
        out_shape.insert(0, jax.ShapeDtypeStruct((n_nodes, D), jnp.float32))
    return pl.pallas_call(
        functools.partial(_mlp_body, br=br, with_pin=with_pin,
                          with_h=with_h),
        grid=grid,
        in_specs=[
            pl.BlockSpec((br, D), lambda g: (g, 0)),
            pl.BlockSpec((NC, br, D), lambda g: (0, g, 0)),
            pl.BlockSpec((1, 1, br), lambda g: (g, 0, 0)),
            pl.BlockSpec((D, D), lambda g: (0, 0)),
            pl.BlockSpec((1, D), lambda g: (0, 0)),
            pl.BlockSpec((1, D), lambda g: (0, 0)),
            pl.BlockSpec((1, D), lambda g: (0, 0)),
            pl.BlockSpec((D, D), lambda g: (0, 0)),
            pl.BlockSpec((1, D), lambda g: (0, 0)),
            pl.BlockSpec((1, D), lambda g: (0, 0)),
            pl.BlockSpec((1, D), lambda g: (0, 0)),
        ],
        out_specs=out_specs,
        out_shape=out_shape,
        compiler_params=pltpu.CompilerParams(
            dimension_semantics=("arbitrary",)),
    )


def _mlp_head_body(h_ref, agg_ref, b_ref, w0_ref, b0_ref, s0_ref, t0_ref,
                   w1_ref, b1_ref, s1_ref, t1_ref,
                   p0_ref, p1_ref, p2_ref, lw0_ref, lb0_ref, lw1_ref,
                   lb1_ref, pout_ref, z_ref, *, br, nb):
    g = pl.program_id(0)
    h = h_ref[...]
    t = h + agg_ref[0] + agg_ref[1]
    y = jnp.dot(t, w0_ref[...],
                preferred_element_type=jnp.float32) + b0_ref[...]
    y = y * s0_ref[...] + t0_ref[...]
    y = jnp.maximum(y, 0.0)
    y = jnp.dot(y, w1_ref[...],
                preferred_element_type=jnp.float32) + b1_ref[...]
    y = y * s1_ref[...] + t1_ref[...]
    y = jnp.maximum(y, 0.0)
    bat = b_ref[0, 0, :]
    oh = (bat[:, None] == lax.broadcasted_iota(jnp.int32, (br, G), 1)
          ).astype(jnp.float32)
    dn = (((0,), (0,)), ((), ()))
    pout = lax.dot_general(oh, y, dn, precision=_HI,
                           preferred_element_type=jnp.float32)

    @pl.when(g == 0)
    def _():
        pout_ref[...] = pout

    @pl.when(g > 0)
    def _():
        pout_ref[...] += pout

    @pl.when(g == nb - 1)
    def _():
        lw = lw0_ref[...]
        z = (jnp.dot(p0_ref[...], lw[0 * D:1 * D],
                     preferred_element_type=jnp.float32)
             + jnp.dot(p1_ref[...], lw[1 * D:2 * D],
                       preferred_element_type=jnp.float32)
             + jnp.dot(p2_ref[...], lw[2 * D:3 * D],
                       preferred_element_type=jnp.float32)
             + jnp.dot(pout_ref[...], lw[3 * D:4 * D],
                       preferred_element_type=jnp.float32)
             + lb0_ref[...])
        z = jnp.maximum(z, 0.0)
        z_ref[...] = jnp.dot(z, lw1_ref[...],
                             preferred_element_type=jnp.float32) + lb1_ref[...]


def _make_mlp_head(n_nodes, npad, br, lin_dim, hid):
    nb = n_nodes // br
    full = lambda g: (0, 0)
    return pl.pallas_call(
        functools.partial(_mlp_head_body, br=br, nb=nb),
        grid=(nb,),
        in_specs=[
            pl.BlockSpec((br, D), lambda g: (g, 0)),
            pl.BlockSpec((NC, br, D), lambda g: (0, g, 0)),
            pl.BlockSpec((1, 1, br), lambda g: (g, 0, 0)),
            pl.BlockSpec((D, D), full),
            pl.BlockSpec((1, D), full),
            pl.BlockSpec((1, D), full),
            pl.BlockSpec((1, D), full),
            pl.BlockSpec((D, D), full),
            pl.BlockSpec((1, D), full),
            pl.BlockSpec((1, D), full),
            pl.BlockSpec((1, D), full),
            pl.BlockSpec((G, D), full),
            pl.BlockSpec((G, D), full),
            pl.BlockSpec((G, D), full),
            pl.BlockSpec((lin_dim, hid), full),
            pl.BlockSpec((1, hid), full),
            pl.BlockSpec((hid, 1), full),
            pl.BlockSpec((1, 1), full),
        ],
        out_specs=[
            pl.BlockSpec((G, D), full),
            pl.BlockSpec((G, 1), full),
        ],
        out_shape=[
            jax.ShapeDtypeStruct((G, D), jnp.float32),
            jax.ShapeDtypeStruct((G, 1), jnp.float32),
        ],
        compiler_params=pltpu.CompilerParams(
            dimension_semantics=("arbitrary",)),
    )


def _bn_affine(g, b, rm, rv):
    s = g / jnp.sqrt(rv + 1e-5)
    t = b - rm * s
    return s.reshape(1, D), t.reshape(1, D)


def _conv_params(p, i):
    s0, t0 = _bn_affine(p[f"conv{i}_bn_g"], p[f"conv{i}_bn_b"],
                        p[f"conv{i}_bn_rm"], p[f"conv{i}_bn_rv"])
    s1, t1 = _bn_affine(p[f"obn{i}_g"], p[f"obn{i}_b"],
                        p[f"obn{i}_rm"], p[f"obn{i}_rv"])
    return (p[f"conv{i}_W0"], p[f"conv{i}_b0"].reshape(1, D), s0, t0,
            p[f"conv{i}_W1"], p[f"conv{i}_b1"].reshape(1, D), s1, t1)


def kernel(x, edge_index, batch, params):
    n = x.shape[0]
    e = edge_index.shape[1]
    e_pad = -(-e // (NW * CH * 8)) * (NW * CH * 8)

    agg_call, rpt, npad = _make_agg(n, e_pad)

    src = edge_index[0]
    dst = edge_index[1]
    pad = e_pad - e
    if pad:
        ar = jnp.arange(pad, dtype=jnp.int32)
        src = jnp.concatenate([src, ar % n])
        dst = jnp.concatenate([dst, n + ar % (npad - n)])
    src2 = src.reshape(e_pad // CH, CH)
    dst2 = dst.reshape(e_pad // CH, CH)
    zero = jnp.zeros((rpt, D), jnp.float32)

    br = 2000
    batch3 = batch.reshape(n // br, 1, br)
    mlp_calls = [
        _make_mlp(n, npad, br, with_pin=True, with_h=True),
        _make_mlp(n, npad, br, with_pin=False, with_h=True),
    ]

    h = x
    pooled = []
    for i in range(2):
        aggf = agg_call(h, src2, dst2, zero)
        agg = aggf.reshape(NC, npad, D)
        w0, b0, s0, t0, w1, b1, s1, t1 = _conv_params(params, i)
        outs = mlp_calls[i](h, agg, batch3, w0, b0, s0, t0,
                            w1, b1, s1, t1)
        if i == 0:
            h, pin, pout = outs
            pooled.append(pin)
        else:
            h, pout = outs
        pooled.append(pout)

    aggf = agg_call(h, src2, dst2, zero)
    agg = aggf.reshape(NC, npad, D)
    w0, b0, s0, t0, w1, b1, s1, t1 = _conv_params(params, 2)
    lw0 = params["lin0_W"]
    head_call = _make_mlp_head(n, npad, br, lw0.shape[0], lw0.shape[1])
    _, z = head_call(h, agg, batch3, w0, b0, s0, t0, w1, b1, s1, t1,
                     pooled[0], pooled[1], pooled[2],
                     lw0, params["lin0_b"].reshape(1, -1),
                     params["lin1_W"], params["lin1_b"].reshape(1, 1))
    return jnp.reshape(z, (-1,))

# --- scband reference (transcript-rebuilt; emitter-appended) ---
"""Pipeline reference for scband-ginconcat-45380624450159 (READ-ONLY COPY).

The authoritative reference and input builder live on the scoring server;
editing this copy changes nothing except your own understanding.
"""

import jax, jax.numpy as jnp
import numpy as np

N_NODES = 10000
N_EDGES = 320000
D_FEAT = 128
N_HIDDEN = 128
N_CONVS = 3
N_GRAPHS = 512
LIN_HIDDEN = 32


def _init_params(key):
    params = {}
    k = key
    in_dim = D_FEAT
    for i in range(N_CONVS):
        k, k1, k2 = jax.random.split(k, 3)
        params[f"conv{i}_W0"] = jax.random.normal(k1, (in_dim, N_HIDDEN), jnp.float32) * (1.0 / np.sqrt(in_dim))
        params[f"conv{i}_b0"] = jnp.zeros((N_HIDDEN,), jnp.float32)
        params[f"conv{i}_bn_g"] = jnp.ones((N_HIDDEN,), jnp.float32)
        params[f"conv{i}_bn_b"] = jnp.zeros((N_HIDDEN,), jnp.float32)
        params[f"conv{i}_bn_rm"] = jnp.zeros((N_HIDDEN,), jnp.float32)
        params[f"conv{i}_bn_rv"] = jnp.ones((N_HIDDEN,), jnp.float32)
        params[f"conv{i}_W1"] = jax.random.normal(k2, (N_HIDDEN, N_HIDDEN), jnp.float32) * (1.0 / np.sqrt(N_HIDDEN))
        params[f"conv{i}_b1"] = jnp.zeros((N_HIDDEN,), jnp.float32)
        params[f"obn{i}_g"] = jnp.ones((N_HIDDEN,), jnp.float32)
        params[f"obn{i}_b"] = jnp.zeros((N_HIDDEN,), jnp.float32)
        params[f"obn{i}_rm"] = jnp.zeros((N_HIDDEN,), jnp.float32)
        params[f"obn{i}_rv"] = jnp.ones((N_HIDDEN,), jnp.float32)
        in_dim = N_HIDDEN
    lin_dim = N_HIDDEN * N_CONVS + D_FEAT
    k, k1, k2 = jax.random.split(k, 3)
    params["lin0_W"] = jax.random.normal(k1, (lin_dim, LIN_HIDDEN), jnp.float32) * (1.0 / np.sqrt(lin_dim))
    params["lin0_b"] = jnp.zeros((LIN_HIDDEN,), jnp.float32)
    params["lin1_W"] = jax.random.normal(k2, (LIN_HIDDEN, 1), jnp.float32) * (1.0 / np.sqrt(LIN_HIDDEN))
    params["lin1_b"] = jnp.zeros((1,), jnp.float32)
    return params


def setup_inputs(seed: int = 0):
    key = jax.random.key(seed)
    kx, ke, kb, kp = jax.random.split(key, 4)
    x = jax.random.normal(kx, (N_NODES, D_FEAT), jnp.float32)
    edge_index = jax.random.randint(ke, (2, N_EDGES), 0, N_NODES, jnp.int32)
    batch = jnp.sort(jax.random.randint(kb, (N_NODES,), 0, N_GRAPHS, jnp.int32))
    params = _init_params(kp)
    return {"x": x, "edge_index": edge_index, "batch": batch, "params": params}


def _bn_eval(h, g, b, rm, rv):
    # eval-mode BatchNorm1d using running stats
    return (h - rm) / jnp.sqrt(rv + 1e-5) * g + b


def _mlp(h, p, i):
    # MLP: lin0 -> bn -> relu -> lin1 (n_mlp_linear=2)
    h = h @ p[f"conv{i}_W0"] + p[f"conv{i}_b0"]
    h = _bn_eval(h, p[f"conv{i}_bn_g"], p[f"conv{i}_bn_b"], p[f"conv{i}_bn_rm"], p[f"conv{i}_bn_rv"])
    h = jax.nn.relu(h)
    h = h @ p[f"conv{i}_W1"] + p[f"conv{i}_b1"]
    return h


def _forward(x, edge_index, batch, params):
    src = edge_index[0]
    dst = edge_index[1]
    h_out = [jax.ops.segment_sum(x, batch, num_segments=N_GRAPHS)]
    h = x
    for i in range(N_CONVS):
        # GINConv with eps=0: mlp((1+eps)*x + sum_{j->i} x_j)
        agg = jax.ops.segment_sum(h[src], dst, num_segments=N_NODES)
        h = _mlp(h + agg, params, i)
        h = _bn_eval(h, params[f"obn{i}_g"], params[f"obn{i}_b"], params[f"obn{i}_rm"], params[f"obn{i}_rv"])
        h = jax.nn.relu(h)
        h_out.append(jax.ops.segment_sum(h, batch, num_segments=N_GRAPHS))
    hcat = jnp.concatenate(h_out, axis=1)
    # apply_layer_dropout_relu with eval-mode dropout (identity)
    z = hcat @ params["lin0_W"] + params["lin0_b"]
    z = jax.nn.relu(z)
    z = z @ params["lin1_W"] + params["lin1_b"]
    return jnp.reshape(z, (-1,))


def reference(x, edge_index, batch, params):
    return _forward(x, edge_index, batch, params)

if __name__ == "__main__":
    import jax
    _d = setup_inputs()
    print(jax.jit(kernel)(*tuple(_d.values())))

</pallas_src>

<mosaic_0001>
#map = affine_map<(d0, d1) -> (0, 0)>
module attributes {stable_mosaic.version = 14 : i64} {
  func.func @_agg_body(%arg0: i32, %arg1: i32, %arg2: memref<10000x128xf32, #tpu.memory_space<hbm>>, %arg3: memref<2560x128xi32, #tpu.memory_space<hbm>>, %arg4: memref<2560x128xi32, #tpu.memory_space<hbm>>, %arg5: memref<640x128xf32, #tpu.memory_space<hbm>>, %arg6: memref<20480x128xf32, #tpu.memory_space<hbm>>, %arg7: memref<10240x128xf32, #tpu.memory_space<vmem_shared>>, %arg8: memref<40x128xi32, #tpu.memory_space<vmem>>, %arg9: memref<40x128xi32, #tpu.memory_space<vmem>>, %arg10: memref<2x128x128xf32, #tpu.memory_space<vmem>>, %arg11: memref<!tpu.dma_semaphore, #tpu.memory_space<semaphore_mem>>, %arg12: memref<!tpu.dma_semaphore, #tpu.memory_space<semaphore_mem>>) attributes {dimension_semantics = [#tpu.dimension_semantics<core_parallel>, #tpu.dimension_semantics<subcore_parallel>], iteration_bounds = array<i64: 2, 16>, scalar_prefetch = 0 : i64, scratch_operands = 6 : i64, tpu.core_type = #tpu.core_type<sc_vector_subcore>, window_params = [{transform_indices = #map}, {transform_indices = #map}, {transform_indices = #map}, {transform_indices = #map}, {transform_indices = #map}]} {
    %mul3A = arith.constant 16 : i32
    %mul3A_0 = arith.muli %arg0, %mul3A : i32
    %add3A = arith.addi %mul3A_0, %arg1 : i32
    %mul3A_1 = arith.constant 640 : i32
    %mul3A_2 = arith.muli %arg1, %mul3A_1 : i32
    "tpu.region"() ({
      %run_scoped3A = tpu.sem_alloc : memref<!tpu.dma_semaphore, #tpu.memory_space<semaphore_mem>>
      %dma_start3A_61 = arith.constant 0 : i32
      %dma_start3A_62 = tpu.memref_slice %arg7[%mul3A_2, %dma_start3A_61] : memref<10240x128xf32, #tpu.memory_space<vmem_shared>> -> memref<640x128xf32, #tpu.memory_space<vmem_shared>>
      tpu.enqueue_dma source(%arg5 : memref<640x128xf32, #tpu.memory_space<hbm>>) target(%dma_start3A_62 : memref<640x128xf32, #tpu.memory_space<vmem_shared>>) target_semaphore(%run_scoped3A : memref<!tpu.dma_semaphore, #tpu.memory_space<semaphore_mem>>)
      %dma_wait3A = arith.constant 0 : i32
      %dma_wait3A_63 = tpu.memref_slice %arg7[%mul3A_2, %dma_wait3A] : memref<10240x128xf32, #tpu.memory_space<vmem_shared>> -> memref<640x128xf32, #tpu.memory_space<vmem_shared>>
      tpu.wait_dma2 semaphore(%run_scoped3A : memref<!tpu.dma_semaphore, #tpu.memory_space<semaphore_mem>>) src(%arg5 : memref<640x128xf32, #tpu.memory_space<hbm>>) dst(%dma_wait3A_63 : memref<640x128xf32, #tpu.memory_space<vmem_shared>>)
      tpu.yield
    }) : () -> ()
    %barrier3A = arith.constant 0 : index
    tpu.barrier barrier_id(%barrier3A)
    %mul3A_3 = arith.constant 80 : i32
    %mul3A_4 = arith.muli %add3A, %mul3A_3 : i32
    %add3A_5 = arith.constant 0 : i32
    %add3A_6 = arith.addi %mul3A_4, %add3A_5 : i32
    "tpu.region"() ({
      %run_scoped3A = tpu.sem_alloc : memref<!tpu.dma_semaphore, #tpu.memory_space<semaphore_mem>>
      %dma_start3A_61 = arith.constant 0 : i32
      %dma_start3A_62 = tpu.memref_slice %arg3[%add3A_6, %dma_start3A_61] : memref<2560x128xi32, #tpu.memory_space<hbm>> -> memref<40x128xi32, #tpu.memory_space<hbm>>
      %dma_start3A_63 = arith.constant 0 : i32
      %dma_start3A_64 = tpu.memref_slice %arg3[%add3A_6, %dma_start3A_63] : memref<2560x128xi32, #tpu.memory_space<hbm>> -> memref<40x128xi32, #tpu.memory_space<hbm>>
      tpu.enqueue_dma source(%dma_start3A_64 : memref<40x128xi32, #tpu.memory_space<hbm>>) target(%arg8 : memref<40x128xi32, #tpu.memory_space<vmem>>) target_semaphore(%run_scoped3A : memref<!tpu.dma_semaphore, #tpu.memory_space<semaphore_mem>>)
      %dma_wait3A = arith.constant 0 : i32
      %dma_wait3A_65 = tpu.memref_slice %arg3[%add3A_6, %dma_wait3A] : memref<2560x128xi32, #tpu.memory_space<hbm>> -> memref<40x128xi32, #tpu.memory_space<hbm>>
      %dma_wait3A_66 = arith.constant 0 : i32
      %dma_wait3A_67 = tpu.memref_slice %arg3[%add3A_6, %dma_wait3A_66] : memref<2560x128xi32, #tpu.memory_space<hbm>> -> memref<40x128xi32, #tpu.memory_space<hbm>>
      tpu.wait_dma2 semaphore(%run_scoped3A : memref<!tpu.dma_semaphore, #tpu.memory_space<semaphore_mem>>) src(%dma_wait3A_67 : memref<40x128xi32, #tpu.memory_space<hbm>>) dst(%arg8 : memref<40x128xi32, #tpu.memory_space<vmem>>)
      tpu.yield
    }) : () -> ()
    %mul3A_7 = arith.constant 80 : i32
    %mul3A_8 = arith.muli %add3A, %mul3A_7 : i32
    %add3A_9 = arith.constant 0 : i32
    %add3A_10 = arith.addi %mul3A_8, %add3A_9 : i32
    "tpu.region"() ({
      %run_scoped3A = tpu.sem_alloc : memref<!tpu.dma_semaphore, #tpu.memory_space<semaphore_mem>>
      %dma_start3A_61 = arith.constant 0 : i32
      %dma_start3A_62 = tpu.memref_slice %arg4[%add3A_10, %dma_start3A_61] : memref<2560x128xi32, #tpu.memory_space<hbm>> -> memref<40x128xi32, #tpu.memory_space<hbm>>
      %dma_start3A_63 = arith.constant 0 : i32
      %dma_start3A_64 = tpu.memref_slice %arg4[%add3A_10, %dma_start3A_63] : memref<2560x128xi32, #tpu.memory_space<hbm>> -> memref<40x128xi32, #tpu.memory_space<hbm>>
      tpu.enqueue_dma source(%dma_start3A_64 : memref<40x128xi32, #tpu.memory_space<hbm>>) target(%arg9 : memref<40x128xi32, #tpu.memory_space<vmem>>) target_semaphore(%run_scoped3A : memref<!tpu.dma_semaphore, #tpu.memory_space<semaphore_mem>>)
      %dma_wait3A = arith.constant 0 : i32
      %dma_wait3A_65 = tpu.memref_slice %arg4[%add3A_10, %dma_wait3A] : memref<2560x128xi32, #tpu.memory_space<hbm>> -> memref<40x128xi32, #tpu.memory_space<hbm>>
      %dma_wait3A_66 = arith.constant 0 : i32
      %dma_wait3A_67 = tpu.memref_slice %arg4[%add3A_10, %dma_wait3A_66] : memref<2560x128xi32, #tpu.memory_space<hbm>> -> memref<40x128xi32, #tpu.memory_space<hbm>>
      tpu.wait_dma2 semaphore(%run_scoped3A : memref<!tpu.dma_semaphore, #tpu.memory_space<semaphore_mem>>) src(%dma_wait3A_67 : memref<40x128xi32, #tpu.memory_space<hbm>>) dst(%arg9 : memref<40x128xi32, #tpu.memory_space<vmem>>)
      tpu.yield
    }) : () -> ()
    %dma_start3A = arith.constant 0 : i32
    %dma_start3A_11 = arith.constant 0 : i32
    %dma_start3A_12 = arith.constant 0 : i32
    %dma_start3A_13 = arith.constant 0 : i32
    %dma_start3A_14 = tpu.memref_slice %arg10[%dma_start3A_11, %dma_start3A_12, %dma_start3A_13] : memref<2x128x128xf32, #tpu.memory_space<vmem>> -> memref<1x128x128xf32, #tpu.memory_space<vmem>>
    %dma_start3A_15 = tpu.memref_squeeze %dma_start3A_14 : memref<1x128x128xf32, #tpu.memory_space<vmem>> -> memref<128x128xf32, #tpu.memory_space<vmem>>
    %dma_start3A_16 = arith.constant 0 : i32
    %dma_start3A_17 = tpu.memref_slice %arg8[%dma_start3A, %dma_start3A_16] : memref<40x128xi32, #tpu.memory_space<vmem>> -> memref<1x128xi32, #tpu.memory_space<vmem>>
    %dma_start3A_18 = tpu.memref_squeeze %dma_start3A_17 : memref<1x128xi32, #tpu.memory_space<vmem>> -> memref<128xi32, #tpu.memory_space<vmem>>
    %dma_start3A_19 = arith.constant 0 : i32
    %dma_start3A_20 = arith.constant 0 : i32
    %dma_start3A_21 = tpu.memref_slice %arg2[%dma_start3A_19, %dma_start3A_20] : memref<10000x128xf32, #tpu.memory_space<hbm>> -> memref<10000x128xf32, #tpu.memory_space<hbm>>
    tpu.enqueue_indirect_dma source(%dma_start3A_21 : memref<10000x128xf32, #tpu.memory_space<hbm>>) target(%dma_start3A_15 : memref<128x128xf32, #tpu.memory_space<vmem>>) offsets(%dma_start3A_18 : memref<128xi32, #tpu.memory_space<vmem>>) semaphore(%arg11 : memref<!tpu.dma_semaphore, #tpu.memory_space<semaphore_mem>>)
    %scan3A = arith.constant 0 : i32
    %scan3A_22 = arith.constant 0 : i32
    %scan3A_23 = arith.constant 20 : i32
    %scan3A_24 = arith.addi %scan3A_22, %scan3A_23 : i32
    %scan3A_25 = arith.constant 1 : i32
    scf.for %scan3A_61 = %scan3A_22 to %scan3A_24 step %scan3A_25  : i32 {
      %mul3A_62 = arith.constant 2 : i32
      %mul3A_63 = arith.muli %scan3A_61, %mul3A_62 : i32
      %add3A_64 = arith.constant 1 : i32
      %add3A_65 = arith.addi %mul3A_63, %add3A_64 : i32
      %dma_start3A_66 = arith.constant 1 : i32
      %dma_start3A_67 = arith.constant 0 : i32
      %dma_start3A_68 = arith.constant 0 : i32
      %dma_start3A_69 = tpu.memref_slice %arg10[%dma_start3A_66, %dma_start3A_67, %dma_start3A_68] : memref<2x128x128xf32, #tpu.memory_space<vmem>> -> memref<1x128x128xf32, #tpu.memory_space<vmem>>
      %dma_start3A_70 = tpu.memref_squeeze %dma_start3A_69 : memref<1x128x128xf32, #tpu.memory_space<vmem>> -> memref<128x128xf32, #tpu.memory_space<vmem>>
      %dma_start3A_71 = arith.constant 0 : i32
      %dma_start3A_72 = tpu.memref_slice %arg8[%add3A_65, %dma_start3A_71] : memref<40x128xi32, #tpu.memory_space<vmem>> -> memref<1x128xi32, #tpu.memory_space<vmem>>
      %dma_start3A_73 = tpu.memref_squeeze %dma_start3A_72 : memref<1x128xi32, #tpu.memory_space<vmem>> -> memref<128xi32, #tpu.memory_space<vmem>>
      %dma_start3A_74 = arith.constant 0 : i32
      %dma_start3A_75 = arith.constant 0 : i32
      %dma_start3A_76 = tpu.memref_slice %arg2[%dma_start3A_74, %dma_start3A_75] : memref<10000x128xf32, #tpu.memory_space<hbm>> -> memref<10000x128xf32, #tpu.memory_space<hbm>>
      tpu.enqueue_indirect_dma source(%dma_start3A_76 : memref<10000x128xf32, #tpu.memory_space<hbm>>) target(%dma_start3A_70 : memref<128x128xf32, #tpu.memory_space<vmem>>) offsets(%dma_start3A_73 : memref<128xi32, #tpu.memory_space<vmem>>) semaphore(%arg12 : memref<!tpu.dma_semaphore, #tpu.memory_space<semaphore_mem>>)
      %dma_wait3A = arith.constant 0 : i32
      %dma_wait3A_77 = arith.constant 0 : i32
      %dma_wait3A_78 = arith.constant 0 : i32
      %dma_wait3A_79 = tpu.memref_slice %arg10[%dma_wait3A, %dma_wait3A_77, %dma_wait3A_78] : memref<2x128x128xf32, #tpu.memory_space<vmem>> -> memref<1x128x128xf32, #tpu.memory_space<vmem>>
      %dma_wait3A_80 = tpu.memref_squeeze %dma_wait3A_79 : memref<1x128x128xf32, #tpu.memory_space<vmem>> -> memref<128x128xf32, #tpu.memory_space<vmem>>
      %dma_wait3A_81 = arith.constant 0 : i32
      %dma_wait3A_82 = tpu.memref_slice %arg8[%mul3A_63, %dma_wait3A_81] : memref<40x128xi32, #tpu.memory_space<vmem>> -> memref<1x128xi32, #tpu.memory_space<vmem>>
      %dma_wait3A_83 = tpu.memref_squeeze %dma_wait3A_82 : memref<1x128xi32, #tpu.memory_space<vmem>> -> memref<128xi32, #tpu.memory_space<vmem>>
      %dma_wait3A_84 = arith.constant 0 : i32
      %dma_wait3A_85 = arith.constant 0 : i32
      %dma_wait3A_86 = tpu.memref_slice %arg2[%dma_wait3A_84, %dma_wait3A_85] : memref<10000x128xf32, #tpu.memory_space<hbm>> -> memref<10000x128xf32, #tpu.memory_space<hbm>>
      tpu.wait_indirect_dma semaphore(%arg11 : memref<!tpu.dma_semaphore, #tpu.memory_space<semaphore_mem>>) src(%dma_wait3A_86 : memref<10000x128xf32, #tpu.memory_space<hbm>>) dst(%dma_wait3A_80 : memref<128x128xf32, #tpu.memory_space<vmem>>)
      %run_scoped3A = arith.constant 0 : i32
      "tpu.region"() ({
        %run_scoped3A_107 = tpu.sem_alloc : memref<!tpu.dma_semaphore, #tpu.memory_space<semaphore_mem>>
        %dma_start3A_108 = arith.constant 0 : i32
        %dma_start3A_109 = arith.constant 0 : i32
        %dma_start3A_110 = tpu.memref_slice %arg10[%run_scoped3A, %dma_start3A_108, %dma_start3A_109] : memref<2x128x128xf32, #tpu.memory_space<vmem>> -> memref<1x128x128xf32, #tpu.memory_space<vmem>>
        %dma_start3A_111 = tpu.memref_squeeze %dma_start3A_110 : memref<1x128x128xf32, #tpu.memory_space<vmem>> -> memref<128x128xf32, #tpu.memory_space<vmem>>
        %dma_start3A_112 = arith.constant 0 : i32
        %dma_start3A_113 = tpu.memref_slice %arg9[%mul3A_63, %dma_start3A_112] : memref<40x128xi32, #tpu.memory_space<vmem>> -> memref<1x128xi32, #tpu.memory_space<vmem>>
        %dma_start3A_114 = tpu.memref_squeeze %dma_start3A_113 : memref<1x128xi32, #tpu.memory_space<vmem>> -> memref<128xi32, #tpu.memory_space<vmem>>
        %dma_start3A_115 = arith.constant 0 : i32
        %dma_start3A_116 = arith.constant 0 : i32
        %dma_start3A_117 = tpu.memref_slice %arg7[%dma_start3A_115, %dma_start3A_116] : memref<10240x128xf32, #tpu.memory_space<vmem_shared>> -> memref<10240x128xf32, #tpu.memory_space<vmem_shared>>
        tpu.enqueue_indirect_dma source(%dma_start3A_111 : memref<128x128xf32, #tpu.memory_space<vmem>>) target(%dma_start3A_117 : memref<10240x128xf32, #tpu.memory_space<vmem_shared>>) offsets(%dma_start3A_114 : memref<128xi32, #tpu.memory_space<vmem>>) semaphore(%run_scoped3A_107 : memref<!tpu.dma_semaphore, #tpu.memory_space<semaphore_mem>>) {add = true}
        %dma_wait3A_118 = arith.constant 0 : i32
        %dma_wait3A_119 = arith.constant 0 : i32
        %dma_wait3A_120 = tpu.memref_slice %arg10[%run_scoped3A, %dma_wait3A_118, %dma_wait3A_119] : memref<2x128x128xf32, #tpu.memory_space<vmem>> -> memref<1x128x128xf32, #tpu.memory_space<vmem>>
        %dma_wait3A_121 = tpu.memref_squeeze %dma_wait3A_120 : memref<1x128x128xf32, #tpu.memory_space<vmem>> -> memref<128x128xf32, #tpu.memory_space<vmem>>
        %dma_wait3A_122 = arith.constant 0 : i32
        %dma_wait3A_123 = tpu.memref_slice %arg9[%mul3A_63, %dma_wait3A_122] : memref<40x128xi32, #tpu.memory_space<vmem>> -> memref<1x128xi32, #tpu.memory_space<vmem>>
        %dma_wait3A_124 = tpu.memref_squeeze %dma_wait3A_123 : memref<1x128xi32, #tpu.memory_space<vmem>> -> memref<128xi32, #tpu.memory_space<vmem>>
        %dma_wait3A_125 = arith.constant 0 : i32
        %dma_wait3A_126 = arith.constant 0 : i32
        %dma_wait3A_127 = tpu.memref_slice %arg7[%dma_wait3A_125, %dma_wait3A_126] : memref<10240x128xf32, #tpu.memory_space<vmem_shared>> -> memref<10240x128xf32, #tpu.memory_space<vmem_shared>>
        tpu.wait_indirect_dma semaphore(%run_scoped3A_107 : memref<!tpu.dma_semaphore, #tpu.memory_space<semaphore_mem>>) src(%dma_wait3A_121 : memref<128x128xf32, #tpu.memory_space<vmem>>) dst(%dma_wait3A_127 : memref<10240x128xf32, #tpu.memory_space<vmem_shared>>)
        tpu.yield
      }) : () -> ()
      %add3A_87 = arith.constant 2 : i32
      %add3A_88 = arith.addi %mul3A_63, %add3A_87 : i32
      %lt3A = arith.constant 40 : i32
      %lt3A_89 = arith.cmpi slt, %add3A_88, %lt3A : i32
      %convert_element_type3A = arith.extui %lt3A_89 : i1 to i32
      %cond3A = arith.constant 0 : i32
      %cond3A_90 = arith.cmpi ne, %convert_element_type3A, %cond3A : i32
      scf.if %cond3A_90 {
        %add3A_107 = arith.constant 2 : i32
        %add3A_108 = arith.addi %mul3A_63, %add3A_107 : i32
        %dma_start3A_109 = arith.constant 0 : i32
        %dma_start3A_110 = arith.constant 0 : i32
        %dma_start3A_111 = arith.constant 0 : i32
        %dma_start3A_112 = tpu.memref_slice %arg10[%dma_start3A_109, %dma_start3A_110, %dma_start3A_111] : memref<2x128x128xf32, #tpu.memory_space<vmem>> -> memref<1x128x128xf32, #tpu.memory_space<vmem>>
        %dma_start3A_113 = tpu.memref_squeeze %dma_start3A_112 : memref<1x128x128xf32, #tpu.memory_space<vmem>> -> memref<128x128xf32, #tpu.memory_space<vmem>>
        %dma_start3A_114 = arith.constant 0 : i32
        %dma_start3A_115 = tpu.memref_slice %arg8[%add3A_108, %dma_start3A_114] : memref<40x128xi32, #tpu.memory_space<vmem>> -> memref<1x128xi32, #tpu.memory_space<vmem>>
        %dma_start3A_116 = tpu.memref_squeeze %dma_start3A_115 : memref<1x128xi32, #tpu.memory_space<vmem>> -> memref<128xi32, #tpu.memory_space<vmem>>
        %dma_start3A_117 = arith.constant 0 : i32
        %dma_start3A_118 = arith.constant 0 : i32
        %dma_start3A_119 = tpu.memref_slice %arg2[%dma_start3A_117, %dma_start3A_118] : memref<10000x128xf32, #tpu.memory_space<hbm>> -> memref<10000x128xf32, #tpu.memory_space<hbm>>
        tpu.enqueue_indirect_dma source(%dma_start3A_119 : memref<10000x128xf32, #tpu.memory_space<hbm>>) target(%dma_start3A_113 : memref<128x128xf32, #tpu.memory_space<vmem>>) offsets(%dma_start3A_116 : memref<128xi32, #tpu.memory_space<vmem>>) semaphore(%arg11 : memref<!tpu.dma_semaphore, #tpu.memory_space<semaphore_mem>>)
      } else {
      }
      %add3A_91 = arith.constant 1 : i32
      %add3A_92 = arith.addi %mul3A_63, %add3A_91 : i32
      %dma_wait3A_93 = arith.constant 1 : i32
      %dma_wait3A_94 = arith.constant 0 : i32
      %dma_wait3A_95 = arith.constant 0 : i32
      %dma_wait3A_96 = tpu.memref_slice %arg10[%dma_wait3A_93, %dma_wait3A_94, %dma_wait3A_95] : memref<2x128x128xf32, #tpu.memory_space<vmem>> -> memref<1x128x128xf32, #tpu.memory_space<vmem>>
      %dma_wait3A_97 = tpu.memref_squeeze %dma_wait3A_96 : memref<1x128x128xf32, #tpu.memory_space<vmem>> -> memref<128x128xf32, #tpu.memory_space<vmem>>
      %dma_wait3A_98 = arith.constant 0 : i32
      %dma_wait3A_99 = tpu.memref_slice %arg8[%add3A_92, %dma_wait3A_98] : memref<40x128xi32, #tpu.memory_space<vmem>> -> memref<1x128xi32, #tpu.memory_space<vmem>>
      %dma_wait3A_100 = tpu.memref_squeeze %dma_wait3A_99 : memref<1x128xi32, #tpu.memory_space<vmem>> -> memref<128xi32, #tpu.memory_space<vmem>>
      %dma_wait3A_101 = arith.constant 0 : i32
      %dma_wait3A_102 = arith.constant 0 : i32
      %dma_wait3A_103 = tpu.memref_slice %arg2[%dma_wait3A_101, %dma_wait3A_102] : memref<10000x128xf32, #tpu.memory_space<hbm>> -> memref<10000x128xf32, #tpu.memory_space<hbm>>
      tpu.wait_indirect_dma semaphore(%arg12 : memref<!tpu.dma_semaphore, #tpu.memory_space<semaphore_mem>>) src(%dma_wait3A_103 : memref<10000x128xf32, #tpu.memory_space<hbm>>) dst(%dma_wait3A_97 : memref<128x128xf32, #tpu.memory_space<vmem>>)
      %add3A_104 = arith.constant 1 : i32
      %add3A_105 = arith.addi %mul3A_63, %add3A_104 : i32
      %run_scoped3A_106 = arith.constant 1 : i32
      "tpu.region"() ({
        %run_scoped3A_107 = tpu.sem_alloc : memref<!tpu.dma_semaphore, #tpu.memory_space<semaphore_mem>>
        %dma_start3A_108 = arith.constant 0 : i32
        %dma_start3A_109 = arith.constant 0 : i32
        %dma_start3A_110 = tpu.memref_slice %arg10[%run_scoped3A_106, %dma_start3A_108, %dma_start3A_109] : memref<2x128x128xf32, #tpu.memory_space<vmem>> -> memref<1x128x128xf32, #tpu.memory_space<vmem>>
        %dma_start3A_111 = tpu.memref_squeeze %dma_start3A_110 : memref<1x128x128xf32, #tpu.memory_space<vmem>> -> memref<128x128xf32, #tpu.memory_space<vmem>>
        %dma_start3A_112 = arith.constant 0 : i32
        %dma_start3A_113 = tpu.memref_slice %arg9[%add3A_105, %dma_start3A_112] : memref<40x128xi32, #tpu.memory_space<vmem>> -> memref<1x128xi32, #tpu.memory_space<vmem>>
        %dma_start3A_114 = tpu.memref_squeeze %dma_start3A_113 : memref<1x128xi32, #tpu.memory_space<vmem>> -> memref<128xi32, #tpu.memory_space<vmem>>
        %dma_start3A_115 = arith.constant 0 : i32
        %dma_start3A_116 = arith.constant 0 : i32
        %dma_start3A_117 = tpu.memref_slice %arg7[%dma_start3A_115, %dma_start3A_116] : memref<10240x128xf32, #tpu.memory_space<vmem_shared>> -> memref<10240x128xf32, #tpu.memory_space<vmem_shared>>
        tpu.enqueue_indirect_dma source(%dma_start3A_111 : memref<128x128xf32, #tpu.memory_space<vmem>>) target(%dma_start3A_117 : memref<10240x128xf32, #tpu.memory_space<vmem_shared>>) offsets(%dma_start3A_114 : memref<128xi32, #tpu.memory_space<vmem>>) semaphore(%run_scoped3A_107 : memref<!tpu.dma_semaphore, #tpu.memory_space<semaphore_mem>>) {add = true}
        %dma_wait3A_118 = arith.constant 0 : i32
        %dma_wait3A_119 = arith.constant 0 : i32
        %dma_wait3A_120 = tpu.memref_slice %arg10[%run_scoped3A_106, %dma_wait3A_118, %dma_wait3A_119] : memref<2x128x128xf32, #tpu.memory_space<vmem>> -> memref<1x128x128xf32, #tpu.memory_space<vmem>>
        %dma_wait3A_121 = tpu.memref_squeeze %dma_wait3A_120 : memref<1x128x128xf32, #tpu.memory_space<vmem>> -> memref<128x128xf32, #tpu.memory_space<vmem>>
        %dma_wait3A_122 = arith.constant 0 : i32
        %dma_wait3A_123 = tpu.memref_slice %arg9[%add3A_105, %dma_wait3A_122] : memref<40x128xi32, #tpu.memory_space<vmem>> -> memref<1x128xi32, #tpu.memory_space<vmem>>
        %dma_wait3A_124 = tpu.memref_squeeze %dma_wait3A_123 : memref<1x128xi32, #tpu.memory_space<vmem>> -> memref<128xi32, #tpu.memory_space<vmem>>
        %dma_wait3A_125 = arith.constant 0 : i32
        %dma_wait3A_126 = arith.constant 0 : i32
        %dma_wait3A_127 = tpu.memref_slice %arg7[%dma_wait3A_125, %dma_wait3A_126] : memref<10240x128xf32, #tpu.memory_space<vmem_shared>> -> memref<10240x128xf32, #tpu.memory_space<vmem_shared>>
        tpu.wait_indirect_dma semaphore(%run_scoped3A_107 : memref<!tpu.dma_semaphore, #tpu.memory_space<semaphore_mem>>) src(%dma_wait3A_121 : memref<128x128xf32, #tpu.memory_space<vmem>>) dst(%dma_wait3A_127 : memref<10240x128xf32, #tpu.memory_space<vmem_shared>>)
        tpu.yield
      }) : () -> ()
    }
    %scan3A_26 = arith.constant 20 : i32
    %mul3A_27 = arith.constant 80 : i32
    %mul3A_28 = arith.muli %add3A, %mul3A_27 : i32
    %add3A_29 = arith.constant 40 : i32
    %add3A_30 = arith.addi %mul3A_28, %add3A_29 : i32
    "tpu.region"() ({
      %run_scoped3A = tpu.sem_alloc : memref<!tpu.dma_semaphore, #tpu.memory_space<semaphore_mem>>
      %dma_start3A_61 = arith.constant 0 : i32
      %dma_start3A_62 = tpu.memref_slice %arg3[%add3A_30, %dma_start3A_61] : memref<2560x128xi32, #tpu.memory_space<hbm>> -> memref<40x128xi32, #tpu.memory_space<hbm>>
      %dma_start3A_63 = arith.constant 0 : i32
      %dma_start3A_64 = tpu.memref_slice %arg3[%add3A_30, %dma_start3A_63] : memref<2560x128xi32, #tpu.memory_space<hbm>> -> memref<40x128xi32, #tpu.memory_space<hbm>>
      tpu.enqueue_dma source(%dma_start3A_64 : memref<40x128xi32, #tpu.memory_space<hbm>>) target(%arg8 : memref<40x128xi32, #tpu.memory_space<vmem>>) target_semaphore(%run_scoped3A : memref<!tpu.dma_semaphore, #tpu.memory_space<semaphore_mem>>)
      %dma_wait3A = arith.constant 0 : i32
      %dma_wait3A_65 = tpu.memref_slice %arg3[%add3A_30, %dma_wait3A] : memref<2560x128xi32, #tpu.memory_space<hbm>> -> memref<40x128xi32, #tpu.memory_space<hbm>>
      %dma_wait3A_66 = arith.constant 0 : i32
      %dma_wait3A_67 = tpu.memref_slice %arg3[%add3A_30, %dma_wait3A_66] : memref<2560x128xi32, #tpu.memory_space<hbm>> -> memref<40x128xi32, #tpu.memory_space<hbm>>
      tpu.wait_dma2 semaphore(%run_scoped3A : memref<!tpu.dma_semaphore, #tpu.memory_space<semaphore_mem>>) src(%dma_wait3A_67 : memref<40x128xi32, #tpu.memory_space<hbm>>) dst(%arg8 : memref<40x128xi32, #tpu.memory_space<vmem>>)
      tpu.yield
    }) : () -> ()
    %mul3A_31 = arith.constant 80 : i32
    %mul3A_32 = arith.muli %add3A, %mul3A_31 : i32
    %add3A_33 = arith.constant 40 : i32
    %add3A_34 = arith.addi %mul3A_32, %add3A_33 : i32
    "tpu.region"() ({
      %run_scoped3A = tpu.sem_alloc : memref<!tpu.dma_semaphore, #tpu.memory_space<semaphore_mem>>
      %dma_start3A_61 = arith.constant 0 : i32
      %dma_start3A_62 = tpu.memref_slice %arg4[%add3A_34, %dma_start3A_61] : memref<2560x128xi32, #tpu.memory_space<hbm>> -> memref<40x128xi32, #tpu.memory_space<hbm>>
      %dma_start3A_63 = arith.constant 0 : i32
      %dma_start3A_64 = tpu.memref_slice %arg4[%add3A_34, %dma_start3A_63] : memref<2560x128xi32, #tpu.memory_space<hbm>> -> memref<40x128xi32, #tpu.memory_space<hbm>>
      tpu.enqueue_dma source(%dma_start3A_64 : memref<40x128xi32, #tpu.memory_space<hbm>>) target(%arg9 : memref<40x128xi32, #tpu.memory_space<vmem>>) target_semaphore(%run_scoped3A : memref<!tpu.dma_semaphore, #tpu.memory_space<semaphore_mem>>)
      %dma_wait3A = arith.constant 0 : i32
      %dma_wait3A_65 = tpu.memref_slice %arg4[%add3A_34, %dma_wait3A] : memref<2560x128xi32, #tpu.memory_space<hbm>> -> memref<40x128xi32, #tpu.memory_space<hbm>>
      %dma_wait3A_66 = arith.constant 0 : i32
      %dma_wait3A_67 = tpu.memref_slice %arg4[%add3A_34, %dma_wait3A_66] : memref<2560x128xi32, #tpu.memory_space<hbm>> -> memref<40x128xi32, #tpu.memory_space<hbm>>
      tpu.wait_dma2 semaphore(%run_scoped3A : memref<!tpu.dma_semaphore, #tpu.memory_space<semaphore_mem>>) src(%dma_wait3A_67 : memref<40x128xi32, #tpu.memory_space<hbm>>) dst(%arg9 : memref<40x128xi32, #tpu.memory_space<vmem>>)
      tpu.yield
    }) : () -> ()
    %dma_start3A_35 = arith.constant 0 : i32
    %dma_start3A_36 = arith.constant 0 : i32
    %dma_start3A_37 = arith.constant 0 : i32
    %dma_start3A_38 = arith.constant 0 : i32
    %dma_start3A_39 = tpu.memref_slice %arg10[%dma_start3A_36, %dma_start3A_37, %dma_start3A_38] : memref<2x128x128xf32, #tpu.memory_space<vmem>> -> memref<1x128x128xf32, #tpu.memory_space<vmem>>
    %dma_start3A_40 = tpu.memref_squeeze %dma_start3A_39 : memref<1x128x128xf32, #tpu.memory_space<vmem>> -> memref<128x128xf32, #tpu.memory_space<vmem>>
    %dma_start3A_41 = arith.constant 0 : i32
    %dma_start3A_42 = tpu.memref_slice %arg8[%dma_start3A_35, %dma_start3A_41] : memref<40x128xi32, #tpu.memory_space<vmem>> -> memref<1x128xi32, #tpu.memory_space<vmem>>
    %dma_start3A_43 = tpu.memref_squeeze %dma_start3A_42 : memref<1x128xi32, #tpu.memory_space<vmem>> -> memref<128xi32, #tpu.memory_space<vmem>>
    %dma_start3A_44 = arith.constant 0 : i32
    %dma_start3A_45 = arith.constant 0 : i32
    %dma_start3A_46 = tpu.memref_slice %arg2[%dma_start3A_44, %dma_start3A_45] : memref<10000x128xf32, #tpu.memory_space<hbm>> -> memref<10000x128xf32, #tpu.memory_space<hbm>>
    tpu.enqueue_indirect_dma source(%dma_start3A_46 : memref<10000x128xf32, #tpu.memory_space<hbm>>) target(%dma_start3A_40 : memref<128x128xf32, #tpu.memory_space<vmem>>) offsets(%dma_start3A_43 : memref<128xi32, #tpu.memory_space<vmem>>) semaphore(%arg11 : memref<!tpu.dma_semaphore, #tpu.memory_space<semaphore_mem>>)
    %scan3A_47 = arith.constant 0 : i32
    %scan3A_48 = arith.constant 0 : i32
    %scan3A_49 = arith.constant 20 : i32
    %scan3A_50 = arith.addi %scan3A_48, %scan3A_49 : i32
    %scan3A_51 = arith.constant 1 : i32
    scf.for %scan3A_61 = %scan3A_48 to %scan3A_50 step %scan3A_51  : i32 {
      %mul3A_62 = arith.constant 2 : i32
      %mul3A_63 = arith.muli %scan3A_61, %mul3A_62 : i32
      %add3A_64 = arith.constant 1 : i32
      %add3A_65 = arith.addi %mul3A_63, %add3A_64 : i32
      %dma_start3A_66 = arith.constant 1 : i32
      %dma_start3A_67 = arith.constant 0 : i32
      %dma_start3A_68 = arith.constant 0 : i32
      %dma_start3A_69 = tpu.memref_slice %arg10[%dma_start3A_66, %dma_start3A_67, %dma_start3A_68] : memref<2x128x128xf32, #tpu.memory_space<vmem>> -> memref<1x128x128xf32, #tpu.memory_space<vmem>>
      %dma_start3A_70 = tpu.memref_squeeze %dma_start3A_69 : memref<1x128x128xf32, #tpu.memory_space<vmem>> -> memref<128x128xf32, #tpu.memory_space<vmem>>
      %dma_start3A_71 = arith.constant 0 : i32
      %dma_start3A_72 = tpu.memref_slice %arg8[%add3A_65, %dma_start3A_71] : memref<40x128xi32, #tpu.memory_space<vmem>> -> memref<1x128xi32, #tpu.memory_space<vmem>>
      %dma_start3A_73 = tpu.memref_squeeze %dma_start3A_72 : memref<1x128xi32, #tpu.memory_space<vmem>> -> memref<128xi32, #tpu.memory_space<vmem>>
      %dma_start3A_74 = arith.constant 0 : i32
      %dma_start3A_75 = arith.constant 0 : i32
      %dma_start3A_76 = tpu.memref_slice %arg2[%dma_start3A_74, %dma_start3A_75] : memref<10000x128xf32, #tpu.memory_space<hbm>> -> memref<10000x128xf32, #tpu.memory_space<hbm>>
      tpu.enqueue_indirect_dma source(%dma_start3A_76 : memref<10000x128xf32, #tpu.memory_space<hbm>>) target(%dma_start3A_70 : memref<128x128xf32, #tpu.memory_space<vmem>>) offsets(%dma_start3A_73 : memref<128xi32, #tpu.memory_space<vmem>>) semaphore(%arg12 : memref<!tpu.dma_semaphore, #tpu.memory_space<semaphore_mem>>)
      %dma_wait3A = arith.constant 0 : i32
      %dma_wait3A_77 = arith.constant 0 : i32
      %dma_wait3A_78 = arith.constant 0 : i32
      %dma_wait3A_79 = tpu.memref_slice %arg10[%dma_wait3A, %dma_wait3A_77, %dma_wait3A_78] : memref<2x128x128xf32, #tpu.memory_space<vmem>> -> memref<1x128x128xf32, #tpu.memory_space<vmem>>
      %dma_wait3A_80 = tpu.memref_squeeze %dma_wait3A_79 : memref<1x128x128xf32, #tpu.memory_space<vmem>> -> memref<128x128xf32, #tpu.memory_space<vmem>>
      %dma_wait3A_81 = arith.constant 0 : i32
      %dma_wait3A_82 = tpu.memref_slice %arg8[%mul3A_63, %dma_wait3A_81] : memref<40x128xi32, #tpu.memory_space<vmem>> -> memref<1x128xi32, #tpu.memory_space<vmem>>
      %dma_wait3A_83 = tpu.memref_squeeze %dma_wait3A_82 : memref<1x128xi32, #tpu.memory_space<vmem>> -> memref<128xi32, #tpu.memory_space<vmem>>
      %dma_wait3A_84 = arith.constant 0 : i32
      %dma_wait3A_85 = arith.constant 0 : i32
      %dma_wait3A_86 = tpu.memref_slice %arg2[%dma_wait3A_84, %dma_wait3A_85] : memref<10000x128xf32, #tpu.memory_space<hbm>> -> memref<10000x128xf32, #tpu.memory_space<hbm>>
      tpu.wait_indirect_dma semaphore(%arg11 : memref<!tpu.dma_semaphore, #tpu.memory_space<semaphore_mem>>) src(%dma_wait3A_86 : memref<10000x128xf32, #tpu.memory_space<hbm>>) dst(%dma_wait3A_80 : memref<128x128xf32, #tpu.memory_space<vmem>>)
      %run_scoped3A = arith.constant 0 : i32
      "tpu.region"() ({
        %run_scoped3A_107 = tpu.sem_alloc : memref<!tpu.dma_semaphore, #tpu.memory_space<semaphore_mem>>
        %dma_start3A_108 = arith.constant 0 : i32
        %dma_start3A_109 = arith.constant 0 : i32
        %dma_start3A_110 = tpu.memref_slice %arg10[%run_scoped3A, %dma_start3A_108, %dma_start3A_109] : memref<2x128x128xf32, #tpu.memory_space<vmem>> -> memref<1x128x128xf32, #tpu.memory_space<vmem>>
        %dma_start3A_111 = tpu.memref_squeeze %dma_start3A_110 : memref<1x128x128xf32, #tpu.memory_space<vmem>> -> memref<128x128xf32, #tpu.memory_space<vmem>>
        %dma_start3A_112 = arith.constant 0 : i32
        %dma_start3A_113 = tpu.memref_slice %arg9[%mul3A_63, %dma_start3A_112] : memref<40x128xi32, #tpu.memory_space<vmem>> -> memref<1x128xi32, #tpu.memory_space<vmem>>
        %dma_start3A_114 = tpu.memref_squeeze %dma_start3A_113 : memref<1x128xi32, #tpu.memory_space<vmem>> -> memref<128xi32, #tpu.memory_space<vmem>>
        %dma_start3A_115 = arith.constant 0 : i32
        %dma_start3A_116 = arith.constant 0 : i32
        %dma_start3A_117 = tpu.memref_slice %arg7[%dma_start3A_115, %dma_start3A_116] : memref<10240x128xf32, #tpu.memory_space<vmem_shared>> -> memref<10240x128xf32, #tpu.memory_space<vmem_shared>>
        tpu.enqueue_indirect_dma source(%dma_start3A_111 : memref<128x128xf32, #tpu.memory_space<vmem>>) target(%dma_start3A_117 : memref<10240x128xf32, #tpu.memory_space<vmem_shared>>) offsets(%dma_start3A_114 : memref<128xi32, #tpu.memory_space<vmem>>) semaphore(%run_scoped3A_107 : memref<!tpu.dma_semaphore, #tpu.memory_space<semaphore_mem>>) {add = true}
        %dma_wait3A_118 = arith.constant 0 : i32
        %dma_wait3A_119 = arith.constant 0 : i32
        %dma_wait3A_120 = tpu.memref_slice %arg10[%run_scoped3A, %dma_wait3A_118, %dma_wait3A_119] : memref<2x128x128xf32, #tpu.memory_space<vmem>> -> memref<1x128x128xf32, #tpu.memory_space<vmem>>
        %dma_wait3A_121 = tpu.memref_squeeze %dma_wait3A_120 : memref<1x128x128xf32, #tpu.memory_space<vmem>> -> memref<128x128xf32, #tpu.memory_space<vmem>>
        %dma_wait3A_122 = arith.constant 0 : i32
        %dma_wait3A_123 = tpu.memref_slice %arg9[%mul3A_63, %dma_wait3A_122] : memref<40x128xi32, #tpu.memory_space<vmem>> -> memref<1x128xi32, #tpu.memory_space<vmem>>
        %dma_wait3A_124 = tpu.memref_squeeze %dma_wait3A_123 : memref<1x128xi32, #tpu.memory_space<vmem>> -> memref<128xi32, #tpu.memory_space<vmem>>
        %dma_wait3A_125 = arith.constant 0 : i32
        %dma_wait3A_126 = arith.constant 0 : i32
        %dma_wait3A_127 = tpu.memref_slice %arg7[%dma_wait3A_125, %dma_wait3A_126] : memref<10240x128xf32, #tpu.memory_space<vmem_shared>> -> memref<10240x128xf32, #tpu.memory_space<vmem_shared>>
        tpu.wait_indirect_dma semaphore(%run_scoped3A_107 : memref<!tpu.dma_semaphore, #tpu.memory_space<semaphore_mem>>) src(%dma_wait3A_121 : memref<128x128xf32, #tpu.memory_space<vmem>>) dst(%dma_wait3A_127 : memref<10240x128xf32, #tpu.memory_space<vmem_shared>>)
        tpu.yield
      }) : () -> ()
      %add3A_87 = arith.constant 2 : i32
      %add3A_88 = arith.addi %mul3A_63, %add3A_87 : i32
      %lt3A = arith.constant 40 : i32
      %lt3A_89 = arith.cmpi slt, %add3A_88, %lt3A : i32
      %convert_element_type3A = arith.extui %lt3A_89 : i1 to i32
      %cond3A = arith.constant 0 : i32
      %cond3A_90 = arith.cmpi ne, %convert_element_type3A, %cond3A : i32
      scf.if %cond3A_90 {
        %add3A_107 = arith.constant 2 : i32
        %add3A_108 = arith.addi %mul3A_63, %add3A_107 : i32
        %dma_start3A_109 = arith.constant 0 : i32
        %dma_start3A_110 = arith.constant 0 : i32
        %dma_start3A_111 = arith.constant 0 : i32
        %dma_start3A_112 = tpu.memref_slice %arg10[%dma_start3A_109, %dma_start3A_110, %dma_start3A_111] : memref<2x128x128xf32, #tpu.memory_space<vmem>> -> memref<1x128x128xf32, #tpu.memory_space<vmem>>
        %dma_start3A_113 = tpu.memref_squeeze %dma_start3A_112 : memref<1x128x128xf32, #tpu.memory_space<vmem>> -> memref<128x128xf32, #tpu.memory_space<vmem>>
        %dma_start3A_114 = arith.constant 0 : i32
        %dma_start3A_115 = tpu.memref_slice %arg8[%add3A_108, %dma_start3A_114] : memref<40x128xi32, #tpu.memory_space<vmem>> -> memref<1x128xi32, #tpu.memory_space<vmem>>
        %dma_start3A_116 = tpu.memref_squeeze %dma_start3A_115 : memref<1x128xi32, #tpu.memory_space<vmem>> -> memref<128xi32, #tpu.memory_space<vmem>>
        %dma_start3A_117 = arith.constant 0 : i32
        %dma_start3A_118 = arith.constant 0 : i32
        %dma_start3A_119 = tpu.memref_slice %arg2[%dma_start3A_117, %dma_start3A_118] : memref<10000x128xf32, #tpu.memory_space<hbm>> -> memref<10000x128xf32, #tpu.memory_space<hbm>>
        tpu.enqueue_indirect_dma source(%dma_start3A_119 : memref<10000x128xf32, #tpu.memory_space<hbm>>) target(%dma_start3A_113 : memref<128x128xf32, #tpu.memory_space<vmem>>) offsets(%dma_start3A_116 : memref<128xi32, #tpu.memory_space<vmem>>) semaphore(%arg11 : memref<!tpu.dma_semaphore, #tpu.memory_space<semaphore_mem>>)
      } else {
      }
      %add3A_91 = arith.constant 1 : i32
      %add3A_92 = arith.addi %mul3A_63, %add3A_91 : i32
      %dma_wait3A_93 = arith.constant 1 : i32
      %dma_wait3A_94 = arith.constant 0 : i32
      %dma_wait3A_95 = arith.constant 0 : i32
      %dma_wait3A_96 = tpu.memref_slice %arg10[%dma_wait3A_93, %dma_wait3A_94, %dma_wait3A_95] : memref<2x128x128xf32, #tpu.memory_space<vmem>> -> memref<1x128x128xf32, #tpu.memory_space<vmem>>
      %dma_wait3A_97 = tpu.memref_squeeze %dma_wait3A_96 : memref<1x128x128xf32, #tpu.memory_space<vmem>> -> memref<128x128xf32, #tpu.memory_space<vmem>>
      %dma_wait3A_98 = arith.constant 0 : i32
      %dma_wait3A_99 = tpu.memref_slice %arg8[%add3A_92, %dma_wait3A_98] : memref<40x128xi32, #tpu.memory_space<vmem>> -> memref<1x128xi32, #tpu.memory_space<vmem>>
      %dma_wait3A_100 = tpu.memref_squeeze %dma_wait3A_99 : memref<1x128xi32, #tpu.memory_space<vmem>> -> memref<128xi32, #tpu.memory_space<vmem>>
      %dma_wait3A_101 = arith.constant 0 : i32
      %dma_wait3A_102 = arith.constant 0 : i32
      %dma_wait3A_103 = tpu.memref_slice %arg2[%dma_wait3A_101, %dma_wait3A_102] : memref<10000x128xf32, #tpu.memory_space<hbm>> -> memref<10000x128xf32, #tpu.memory_space<hbm>>
      tpu.wait_indirect_dma semaphore(%arg12 : memref<!tpu.dma_semaphore, #tpu.memory_space<semaphore_mem>>) src(%dma_wait3A_103 : memref<10000x128xf32, #tpu.memory_space<hbm>>) dst(%dma_wait3A_97 : memref<128x128xf32, #tpu.memory_space<vmem>>)
      %add3A_104 = arith.constant 1 : i32
      %add3A_105 = arith.addi %mul3A_63, %add3A_104 : i32
      %run_scoped3A_106 = arith.constant 1 : i32
      "tpu.region"() ({
        %run_scoped3A_107 = tpu.sem_alloc : memref<!tpu.dma_semaphore, #tpu.memory_space<semaphore_mem>>
        %dma_start3A_108 = arith.constant 0 : i32
        %dma_start3A_109 = arith.constant 0 : i32
        %dma_start3A_110 = tpu.memref_slice %arg10[%run_scoped3A_106, %dma_start3A_108, %dma_start3A_109] : memref<2x128x128xf32, #tpu.memory_space<vmem>> -> memref<1x128x128xf32, #tpu.memory_space<vmem>>
        %dma_start3A_111 = tpu.memref_squeeze %dma_start3A_110 : memref<1x128x128xf32, #tpu.memory_space<vmem>> -> memref<128x128xf32, #tpu.memory_space<vmem>>
        %dma_start3A_112 = arith.constant 0 : i32
        %dma_start3A_113 = tpu.memref_slice %arg9[%add3A_105, %dma_start3A_112] : memref<40x128xi32, #tpu.memory_space<vmem>> -> memref<1x128xi32, #tpu.memory_space<vmem>>
        %dma_start3A_114 = tpu.memref_squeeze %dma_start3A_113 : memref<1x128xi32, #tpu.memory_space<vmem>> -> memref<128xi32, #tpu.memory_space<vmem>>
        %dma_start3A_115 = arith.constant 0 : i32
        %dma_start3A_116 = arith.constant 0 : i32
        %dma_start3A_117 = tpu.memref_slice %arg7[%dma_start3A_115, %dma_start3A_116] : memref<10240x128xf32, #tpu.memory_space<vmem_shared>> -> memref<10240x128xf32, #tpu.memory_space<vmem_shared>>
        tpu.enqueue_indirect_dma source(%dma_start3A_111 : memref<128x128xf32, #tpu.memory_space<vmem>>) target(%dma_start3A_117 : memref<10240x128xf32, #tpu.memory_space<vmem_shared>>) offsets(%dma_start3A_114 : memref<128xi32, #tpu.memory_space<vmem>>) semaphore(%run_scoped3A_107 : memref<!tpu.dma_semaphore, #tpu.memory_space<semaphore_mem>>) {add = true}
        %dma_wait3A_118 = arith.constant 0 : i32
        %dma_wait3A_119 = arith.constant 0 : i32
        %dma_wait3A_120 = tpu.memref_slice %arg10[%run_scoped3A_106, %dma_wait3A_118, %dma_wait3A_119] : memref<2x128x128xf32, #tpu.memory_space<vmem>> -> memref<1x128x128xf32, #tpu.memory_space<vmem>>
        %dma_wait3A_121 = tpu.memref_squeeze %dma_wait3A_120 : memref<1x128x128xf32, #tpu.memory_space<vmem>> -> memref<128x128xf32, #tpu.memory_space<vmem>>
        %dma_wait3A_122 = arith.constant 0 : i32
        %dma_wait3A_123 = tpu.memref_slice %arg9[%add3A_105, %dma_wait3A_122] : memref<40x128xi32, #tpu.memory_space<vmem>> -> memref<1x128xi32, #tpu.memory_space<vmem>>
        %dma_wait3A_124 = tpu.memref_squeeze %dma_wait3A_123 : memref<1x128xi32, #tpu.memory_space<vmem>> -> memref<128xi32, #tpu.memory_space<vmem>>
        %dma_wait3A_125 = arith.constant 0 : i32
        %dma_wait3A_126 = arith.constant 0 : i32
        %dma_wait3A_127 = tpu.memref_slice %arg7[%dma_wait3A_125, %dma_wait3A_126] : memref<10240x128xf32, #tpu.memory_space<vmem_shared>> -> memref<10240x128xf32, #tpu.memory_space<vmem_shared>>
        tpu.wait_indirect_dma semaphore(%run_scoped3A_107 : memref<!tpu.dma_semaphore, #tpu.memory_space<semaphore_mem>>) src(%dma_wait3A_121 : memref<128x128xf32, #tpu.memory_space<vmem>>) dst(%dma_wait3A_127 : memref<10240x128xf32, #tpu.memory_space<vmem_shared>>)
        tpu.yield
      }) : () -> ()
    }
    %scan3A_52 = arith.constant 20 : i32
    %barrier3A_53 = arith.constant 0 : index
    tpu.barrier barrier_id(%barrier3A_53)
    %mul3A_54 = arith.constant 640 : i32
    %mul3A_55 = arith.muli %arg1, %mul3A_54 : i32
    %mul3A_56 = arith.constant 10240 : i32
    %mul3A_57 = arith.muli %arg0, %mul3A_56 : i32
    %mul3A_58 = arith.constant 640 : i32
    %mul3A_59 = arith.muli %arg1, %mul3A_58 : i32
    %add3A_60 = arith.addi %mul3A_57, %mul3A_59 : i32
    "tpu.region"() ({
      %run_scoped3A = tpu.sem_alloc : memref<!tpu.dma_semaphore, #tpu.memory_space<semaphore_mem>>
      %dma_start3A_61 = arith.constant 0 : i32
      %dma_start3A_62 = tpu.memref_slice %arg6[%add3A_60, %dma_start3A_61] : memref<20480x128xf32, #tpu.memory_space<hbm>> -> memref<640x128xf32, #tpu.memory_space<hbm>>
      %dma_start3A_63 = arith.constant 0 : i32
      %dma_start3A_64 = tpu.memref_slice %arg7[%mul3A_55, %dma_start3A_63] : memref<10240x128xf32, #tpu.memory_space<vmem_shared>> -> memref<640x128xf32, #tpu.memory_space<vmem_shared>>
      tpu.enqueue_dma source(%dma_start3A_64 : memref<640x128xf32, #tpu.memory_space<vmem_shared>>) target(%dma_start3A_62 : memref<640x128xf32, #tpu.memory_space<hbm>>) target_semaphore(%run_scoped3A : memref<!tpu.dma_semaphore, #tpu.memory_space<semaphore_mem>>)
      %dma_wait3A = arith.constant 0 : i32
      %dma_wait3A_65 = tpu.memref_slice %arg6[%add3A_60, %dma_wait3A] : memref<20480x128xf32, #tpu.memory_space<hbm>> -> memref<640x128xf32, #tpu.memory_space<hbm>>
      %dma_wait3A_66 = arith.constant 0 : i32
      %dma_wait3A_67 = tpu.memref_slice %arg7[%mul3A_55, %dma_wait3A_66] : memref<10240x128xf32, #tpu.memory_space<vmem_shared>> -> memref<640x128xf32, #tpu.memory_space<vmem_shared>>
      tpu.wait_dma2 semaphore(%run_scoped3A : memref<!tpu.dma_semaphore, #tpu.memory_space<semaphore_mem>>) src(%dma_wait3A_67 : memref<640x128xf32, #tpu.memory_space<vmem_shared>>) dst(%dma_wait3A_65 : memref<640x128xf32, #tpu.memory_space<hbm>>)
      tpu.yield
    }) : () -> ()
    return
  }
}

#map = affine_map<(d0, d1) -> (0, 0)>
module attributes {stable_mosaic.version = 14 : i64} {
  func.func @_agg_body(%arg0: i32, %arg1: i32, %arg2: memref<10000x128xf32, #tpu.memory_space<hbm>>, %arg3: memref<2560x128xi32, #tpu.memory_space<hbm>>, %arg4: memref<2560x128xi32, #tpu.memory_space<hbm>>, %arg5: memref<640x128xf32, #tpu.memory_space<hbm>>, %arg6: memref<20480x128xf32, #tpu.memory_space<hbm>>, %arg7: memref<10240x128xf32, #tpu.memory_space<vmem_shared>>, %arg8: memref<40x128xi32, #tpu.memory_space<vmem>>, %arg9: memref<40x128xi32, #tpu.memory_space<vmem>>, %arg10: memref<2x128x128xf32, #tpu.memory_space<vmem>>, %arg11: memref<!tpu.dma_semaphore, #tpu.memory_space<semaphore_mem>>, %arg12: memref<!tpu.dma_semaphore, #tpu.memory_space<semaphore_mem>>) attributes {dimension_semantics = [#tpu.dimension_semantics<core_parallel>, #tpu.dimension_semantics<subcore_parallel>], iteration_bounds = array<i64: 2, 16>, scalar_prefetch = 0 : i64, scratch_operands = 6 : i64, tpu.core_type = #tpu.core_type<sc_vector_subcore>, window_params = [{transform_indices = #map}, {transform_indices = #map}, {transform_indices = #map}, {transform_indices = #map}, {transform_indices = #map}]} {
    %mul3A = arith.constant 16 : i32
    %mul3A_0 = arith.muli %arg0, %mul3A : i32
    %add3A = arith.addi %mul3A_0, %arg1 : i32
    %mul3A_1 = arith.constant 640 : i32
    %mul3A_2 = arith.muli %arg1, %mul3A_1 : i32
    "tpu.region"() ({
      %run_scoped3A = tpu.sem_alloc : memref<!tpu.dma_semaphore, #tpu.memory_space<semaphore_mem>>
      %dma_start3A_61 = arith.constant 0 : i32
      %dma_start3A_62 = tpu.memref_slice %arg7[%mul3A_2, %dma_start3A_61] : memref<10240x128xf32, #tpu.memory_space<vmem_shared>> -> memref<640x128xf32, #tpu.memory_space<vmem_shared>>
      tpu.enqueue_dma source(%arg5 : memref<640x128xf32, #tpu.memory_space<hbm>>) target(%dma_start3A_62 : memref<640x128xf32, #tpu.memory_space<vmem_shared>>) target_semaphore(%run_scoped3A : memref<!tpu.dma_semaphore, #tpu.memory_space<semaphore_mem>>)
      %dma_wait3A = arith.constant 0 : i32
      %dma_wait3A_63 = tpu.memref_slice %arg7[%mul3A_2, %dma_wait3A] : memref<10240x128xf32, #tpu.memory_space<vmem_shared>> -> memref<640x128xf32, #tpu.memory_space<vmem_shared>>
      tpu.wait_dma2 semaphore(%run_scoped3A : memref<!tpu.dma_semaphore, #tpu.memory_space<semaphore_mem>>) src(%arg5 : memref<640x128xf32, #tpu.memory_space<hbm>>) dst(%dma_wait3A_63 : memref<640x128xf32, #tpu.memory_space<vmem_shared>>)
      tpu.yield
    }) : () -> ()
    %barrier3A = arith.constant 0 : index
    tpu.barrier barrier_id(%barrier3A)
    %mul3A_3 = arith.constant 80 : i32
    %mul3A_4 = arith.muli %add3A, %mul3A_3 : i32
    %add3A_5 = arith.constant 0 : i32
    %add3A_6 = arith.addi %mul3A_4, %add3A_5 : i32
    "tpu.region"() ({
      %run_scoped3A = tpu.sem_alloc : memref<!tpu.dma_semaphore, #tpu.memory_space<semaphore_mem>>
      %dma_start3A_61 = arith.constant 0 : i32
      %dma_start3A_62 = tpu.memref_slice %arg3[%add3A_6, %dma_start3A_61] : memref<2560x128xi32, #tpu.memory_space<hbm>> -> memref<40x128xi32, #tpu.memory_space<hbm>>
      %dma_start3A_63 = arith.constant 0 : i32
      %dma_start3A_64 = tpu.memref_slice %arg3[%add3A_6, %dma_start3A_63] : memref<2560x128xi32, #tpu.memory_space<hbm>> -> memref<40x128xi32, #tpu.memory_space<hbm>>
      tpu.enqueue_dma source(%dma_start3A_64 : memref<40x128xi32, #tpu.memory_space<hbm>>) target(%arg8 : memref<40x128xi32, #tpu.memory_space<vmem>>) target_semaphore(%run_scoped3A : memref<!tpu.dma_semaphore, #tpu.memory_space<semaphore_mem>>)
      %dma_wait3A = arith.constant 0 : i32
      %dma_wait3A_65 = tpu.memref_slice %arg3[%add3A_6, %dma_wait3A] : memref<2560x128xi32, #tpu.memory_space<hbm>> -> memref<40x128xi32, #tpu.memory_space<hbm>>
      %dma_wait3A_66 = arith.constant 0 : i32
      %dma_wait3A_67 = tpu.memref_slice %arg3[%add3A_6, %dma_wait3A_66] : memref<2560x128xi32, #tpu.memory_space<hbm>> -> memref<40x128xi32, #tpu.memory_space<hbm>>
      tpu.wait_dma2 semaphore(%run_scoped3A : memref<!tpu.dma_semaphore, #tpu.memory_space<semaphore_mem>>) src(%dma_wait3A_67 : memref<40x128xi32, #tpu.memory_space<hbm>>) dst(%arg8 : memref<40x128xi32, #tpu.memory_space<vmem>>)
      tpu.yield
    }) : () -> ()
    %mul3A_7 = arith.constant 80 : i32
    %mul3A_8 = arith.muli %add3A, %mul3A_7 : i32
    %add3A_9 = arith.constant 0 : i32
    %add3A_10 = arith.addi %mul3A_8, %add3A_9 : i32
    "tpu.region"() ({
      %run_scoped3A = tpu.sem_alloc : memref<!tpu.dma_semaphore, #tpu.memory_space<semaphore_mem>>
      %dma_start3A_61 = arith.constant 0 : i32
      %dma_start3A_62 = tpu.memref_slice %arg4[%add3A_10, %dma_start3A_61] : memref<2560x128xi32, #tpu.memory_space<hbm>> -> memref<40x128xi32, #tpu.memory_space<hbm>>
      %dma_start3A_63 = arith.constant 0 : i32
      %dma_start3A_64 = tpu.memref_slice %arg4[%add3A_10, %dma_start3A_63] : memref<2560x128xi32, #tpu.memory_space<hbm>> -> memref<40x128xi32, #tpu.memory_space<hbm>>
      tpu.enqueue_dma source(%dma_start3A_64 : memref<40x128xi32, #tpu.memory_space<hbm>>) target(%arg9 : memref<40x128xi32, #tpu.memory_space<vmem>>) target_semaphore(%run_scoped3A : memref<!tpu.dma_semaphore, #tpu.memory_space<semaphore_mem>>)
      %dma_wait3A = arith.constant 0 : i32
      %dma_wait3A_65 = tpu.memref_slice %arg4[%add3A_10, %dma_wait3A] : memref<2560x128xi32, #tpu.memory_space<hbm>> -> memref<40x128xi32, #tpu.memory_space<hbm>>
      %dma_wait3A_66 = arith.constant 0 : i32
      %dma_wait3A_67 = tpu.memref_slice %arg4[%add3A_10, %dma_wait3A_66] : memref<2560x128xi32, #tpu.memory_space<hbm>> -> memref<40x128xi32, #tpu.memory_space<hbm>>
      tpu.wait_dma2 semaphore(%run_scoped3A : memref<!tpu.dma_semaphore, #tpu.memory_space<semaphore_mem>>) src(%dma_wait3A_67 : memref<40x128xi32, #tpu.memory_space<hbm>>) dst(%arg9 : memref<40x128xi32, #tpu.memory_space<vmem>>)
      tpu.yield
    }) : () -> ()
    %dma_start3A = arith.constant 0 : i32
    %dma_start3A_11 = arith.constant 0 : i32
    %dma_start3A_12 = arith.constant 0 : i32
    %dma_start3A_13 = arith.constant 0 : i32
    %dma_start3A_14 = tpu.memref_slice %arg10[%dma_start3A_11, %dma_start3A_12, %dma_start3A_13] : memref<2x128x128xf32, #tpu.memory_space<vmem>> -> memref<1x128x128xf32, #tpu.memory_space<vmem>>
    %dma_start3A_15 = tpu.memref_squeeze %dma_start3A_14 : memref<1x128x128xf32, #tpu.memory_space<vmem>> -> memref<128x128xf32, #tpu.memory_space<vmem>>
    %dma_start3A_16 = arith.constant 0 : i32
    %dma_start3A_17 = tpu.memref_slice %arg8[%dma_start3A, %dma_start3A_16] : memref<40x128xi32, #tpu.memory_space<vmem>> -> memref<1x128xi32, #tpu.memory_space<vmem>>
    %dma_start3A_18 = tpu.memref_squeeze %dma_start3A_17 : memref<1x128xi32, #tpu.memory_space<vmem>> -> memref<128xi32, #tpu.memory_space<vmem>>
    %dma_start3A_19 = arith.constant 0 : i32
    %dma_start3A_20 = arith.constant 0 : i32
    %dma_start3A_21 = tpu.memref_slice %arg2[%dma_start3A_19, %dma_start3A_20] : memref<10000x128xf32, #tpu.memory_space<hbm>> -> memref<10000x128xf32, #tpu.memory_space<hbm>>
    tpu.enqueue_indirect_dma source(%dma_start3A_21 : memref<10000x128xf32, #tpu.memory_space<hbm>>) target(%dma_start3A_15 : memref<128x128xf32, #tpu.memory_space<vmem>>) offsets(%dma_start3A_18 : memref<128xi32, #tpu.memory_space<vmem>>) semaphore(%arg11 : memref<!tpu.dma_semaphore, #tpu.memory_space<semaphore_mem>>)
    %scan3A = arith.constant 0 : i32
    %scan3A_22 = arith.constant 0 : i32
    %scan3A_23 = arith.constant 20 : i32
    %scan3A_24 = arith.addi %scan3A_22, %scan3A_23 : i32
    %scan3A_25 = arith.constant 1 : i32
    scf.for %scan3A_61 = %scan3A_22 to %scan3A_24 step %scan3A_25  : i32 {
      %mul3A_62 = arith.constant 2 : i32
      %mul3A_63 = arith.muli %scan3A_61, %mul3A_62 : i32
      %add3A_64 = arith.constant 1 : i32
      %add3A_65 = arith.addi %mul3A_63, %add3A_64 : i32
      %dma_start3A_66 = arith.constant 1 : i32
      %dma_start3A_67 = arith.constant 0 : i32
      %dma_start3A_68 = arith.constant 0 : i32
      %dma_start3A_69 = tpu.memref_slice %arg10[%dma_start3A_66, %dma_start3A_67, %dma_start3A_68] : memref<2x128x128xf32, #tpu.memory_space<vmem>> -> memref<1x128x128xf32, #tpu.memory_space<vmem>>
      %dma_start3A_70 = tpu.memref_squeeze %dma_start3A_69 : memref<1x128x128xf32, #tpu.memory_space<vmem>> -> memref<128x128xf32, #tpu.memory_space<vmem>>
      %dma_start3A_71 = arith.constant 0 : i32
      %dma_start3A_72 = tpu.memref_slice %arg8[%add3A_65, %dma_start3A_71] : memref<40x128xi32, #tpu.memory_space<vmem>> -> memref<1x128xi32, #tpu.memory_space<vmem>>
      %dma_start3A_73 = tpu.memref_squeeze %dma_start3A_72 : memref<1x128xi32, #tpu.memory_space<vmem>> -> memref<128xi32, #tpu.memory_space<vmem>>
      %dma_start3A_74 = arith.constant 0 : i32
      %dma_start3A_75 = arith.constant 0 : i32
      %dma_start3A_76 = tpu.memref_slice %arg2[%dma_start3A_74, %dma_start3A_75] : memref<10000x128xf32, #tpu.memory_space<hbm>> -> memref<10000x128xf32, #tpu.memory_space<hbm>>
      tpu.enqueue_indirect_dma source(%dma_start3A_76 : memref<10000x128xf32, #tpu.memory_space<hbm>>) target(%dma_start3A_70 : memref<128x128xf32, #tpu.memory_space<vmem>>) offsets(%dma_start3A_73 : memref<128xi32, #tpu.memory_space<vmem>>) semaphore(%arg12 : memref<!tpu.dma_semaphore, #tpu.memory_space<semaphore_mem>>)
      %dma_wait3A = arith.constant 0 : i32
      %dma_wait3A_77 = arith.constant 0 : i32
      %dma_wait3A_78 = arith.constant 0 : i32
      %dma_wait3A_79 = tpu.memref_slice %arg10[%dma_wait3A, %dma_wait3A_77, %dma_wait3A_78] : memref<2x128x128xf32, #tpu.memory_space<vmem>> -> memref<1x128x128xf32, #tpu.memory_space<vmem>>
      %dma_wait3A_80 = tpu.memref_squeeze %dma_wait3A_79 : memref<1x128x128xf32, #tpu.memory_space<vmem>> -> memref<128x128xf32, #tpu.memory_space<vmem>>
      %dma_wait3A_81 = arith.constant 0 : i32
      %dma_wait3A_82 = tpu.memref_slice %arg8[%mul3A_63, %dma_wait3A_81] : memref<40x128xi32, #tpu.memory_space<vmem>> -> memref<1x128xi32, #tpu.memory_space<vmem>>
      %dma_wait3A_83 = tpu.memref_squeeze %dma_wait3A_82 : memref<1x128xi32, #tpu.memory_space<vmem>> -> memref<128xi32, #tpu.memory_space<vmem>>
      %dma_wait3A_84 = arith.constant 0 : i32
      %dma_wait3A_85 = arith.constant 0 : i32
      %dma_wait3A_86 = tpu.memref_slice %arg2[%dma_wait3A_84, %dma_wait3A_85] : memref<10000x128xf32, #tpu.memory_space<hbm>> -> memref<10000x128xf32, #tpu.memory_space<hbm>>
      tpu.wait_indirect_dma semaphore(%arg11 : memref<!tpu.dma_semaphore, #tpu.memory_space<semaphore_mem>>) src(%dma_wait3A_86 : memref<10000x128xf32, #tpu.memory_space<hbm>>) dst(%dma_wait3A_80 : memref<128x128xf32, #tpu.memory_space<vmem>>)
      %run_scoped3A = arith.constant 0 : i32
      "tpu.region"() ({
        %run_scoped3A_107 = tpu.sem_alloc : memref<!tpu.dma_semaphore, #tpu.memory_space<semaphore_mem>>
        %dma_start3A_108 = arith.constant 0 : i32
        %dma_start3A_109 = arith.constant 0 : i32
        %dma_start3A_110 = tpu.memref_slice %arg10[%run_scoped3A, %dma_start3A_108, %dma_start3A_109] : memref<2x128x128xf32, #tpu.memory_space<vmem>> -> memref<1x128x128xf32, #tpu.memory_space<vmem>>
        %dma_start3A_111 = tpu.memref_squeeze %dma_start3A_110 : memref<1x128x128xf32, #tpu.memory_space<vmem>> -> memref<128x128xf32, #tpu.memory_space<vmem>>
        %dma_start3A_112 = arith.constant 0 : i32
        %dma_start3A_113 = tpu.memref_slice %arg9[%mul3A_63, %dma_start3A_112] : memref<40x128xi32, #tpu.memory_space<vmem>> -> memref<1x128xi32, #tpu.memory_space<vmem>>
        %dma_start3A_114 = tpu.memref_squeeze %dma_start3A_113 : memref<1x128xi32, #tpu.memory_space<vmem>> -> memref<128xi32, #tpu.memory_space<vmem>>
        %dma_start3A_115 = arith.constant 0 : i32
        %dma_start3A_116 = arith.constant 0 : i32
        %dma_start3A_117 = tpu.memref_slice %arg7[%dma_start3A_115, %dma_start3A_116] : memref<10240x128xf32, #tpu.memory_space<vmem_shared>> -> memref<10240x128xf32, #tpu.memory_space<vmem_shared>>
        tpu.enqueue_indirect_dma source(%dma_start3A_111 : memref<128x128xf32, #tpu.memory_space<vmem>>) target(%dma_start3A_117 : memref<10240x128xf32, #tpu.memory_space<vmem_shared>>) offsets(%dma_start3A_114 : memref<128xi32, #tpu.memory_space<vmem>>) semaphore(%run_scoped3A_107 : memref<!tpu.dma_semaphore, #tpu.memory_space<semaphore_mem>>) {add = true}
        %dma_wait3A_118 = arith.constant 0 : i32
        %dma_wait3A_119 = arith.constant 0 : i32
        %dma_wait3A_120 = tpu.memref_slice %arg10[%run_scoped3A, %dma_wait3A_118, %dma_wait3A_119] : memref<2x128x128xf32, #tpu.memory_space<vmem>> -> memref<1x128x128xf32, #tpu.memory_space<vmem>>
        %dma_wait3A_121 = tpu.memref_squeeze %dma_wait3A_120 : memref<1x128x128xf32, #tpu.memory_space<vmem>> -> memref<128x128xf32, #tpu.memory_space<vmem>>
        %dma_wait3A_122 = arith.constant 0 : i32
        %dma_wait3A_123 = tpu.memref_slice %arg9[%mul3A_63, %dma_wait3A_122] : memref<40x128xi32, #tpu.memory_space<vmem>> -> memref<1x128xi32, #tpu.memory_space<vmem>>
        %dma_wait3A_124 = tpu.memref_squeeze %dma_wait3A_123 : memref<1x128xi32, #tpu.memory_space<vmem>> -> memref<128xi32, #tpu.memory_space<vmem>>
        %dma_wait3A_125 = arith.constant 0 : i32
        %dma_wait3A_126 = arith.constant 0 : i32
        %dma_wait3A_127 = tpu.memref_slice %arg7[%dma_wait3A_125, %dma_wait3A_126] : memref<10240x128xf32, #tpu.memory_space<vmem_shared>> -> memref<10240x128xf32, #tpu.memory_space<vmem_shared>>
        tpu.wait_indirect_dma semaphore(%run_scoped3A_107 : memref<!tpu.dma_semaphore, #tpu.memory_space<semaphore_mem>>) src(%dma_wait3A_121 : memref<128x128xf32, #tpu.memory_space<vmem>>) dst(%dma_wait3A_127 : memref<10240x128xf32, #tpu.memory_space<vmem_shared>>)
        tpu.yield
      }) : () -> ()
      %add3A_87 = arith.constant 2 : i32
      %add3A_88 = arith.addi %mul3A_63, %add3A_87 : i32
      %lt3A = arith.constant 40 : i32
      %lt3A_89 = arith.cmpi slt, %add3A_88, %lt3A : i32
      %convert_element_type3A = arith.extui %lt3A_89 : i1 to i32
      %cond3A = arith.constant 0 : i32
      %cond3A_90 = arith.cmpi ne, %convert_element_type3A, %cond3A : i32
      scf.if %cond3A_90 {
        %add3A_107 = arith.constant 2 : i32
        %add3A_108 = arith.addi %mul3A_63, %add3A_107 : i32
        %dma_start3A_109 = arith.constant 0 : i32
        %dma_start3A_110 = arith.constant 0 : i32
        %dma_start3A_111 = arith.constant 0 : i32
        %dma_start3A_112 = tpu.memref_slice %arg10[%dma_start3A_109, %dma_start3A_110, %dma_start3A_111] : memref<2x128x128xf32, #tpu.memory_space<vmem>> -> memref<1x128x128xf32, #tpu.memory_space<vmem>>
        %dma_start3A_113 = tpu.memref_squeeze %dma_start3A_112 : memref<1x128x128xf32, #tpu.memory_space<vmem>> -> memref<128x128xf32, #tpu.memory_space<vmem>>
        %dma_start3A_114 = arith.constant 0 : i32
        %dma_start3A_115 = tpu.memref_slice %arg8[%add3A_108, %dma_start3A_114] : memref<40x128xi32, #tpu.memory_space<vmem>> -> memref<1x128xi32, #tpu.memory_space<vmem>>
        %dma_start3A_116 = tpu.memref_squeeze %dma_start3A_115 : memref<1x128xi32, #tpu.memory_space<vmem>> -> memref<128xi32, #tpu.memory_space<vmem>>
        %dma_start3A_117 = arith.constant 0 : i32
        %dma_start3A_118 = arith.constant 0 : i32
        %dma_start3A_119 = tpu.memref_slice %arg2[%dma_start3A_117, %dma_start3A_118] : memref<10000x128xf32, #tpu.memory_space<hbm>> -> memref<10000x128xf32, #tpu.memory_space<hbm>>
        tpu.enqueue_indirect_dma source(%dma_start3A_119 : memref<10000x128xf32, #tpu.memory_space<hbm>>) target(%dma_start3A_113 : memref<128x128xf32, #tpu.memory_space<vmem>>) offsets(%dma_start3A_116 : memref<128xi32, #tpu.memory_space<vmem>>) semaphore(%arg11 : memref<!tpu.dma_semaphore, #tpu.memory_space<semaphore_mem>>)
      } else {
      }
      %add3A_91 = arith.constant 1 : i32
      %add3A_92 = arith.addi %mul3A_63, %add3A_91 : i32
      %dma_wait3A_93 = arith.constant 1 : i32
      %dma_wait3A_94 = arith.constant 0 : i32
      %dma_wait3A_95 = arith.constant 0 : i32
      %dma_wait3A_96 = tpu.memref_slice %arg10[%dma_wait3A_93, %dma_wait3A_94, %dma_wait3A_95] : memref<2x128x128xf32, #tpu.memory_space<vmem>> -> memref<1x128x128xf32, #tpu.memory_space<vmem>>
      %dma_wait3A_97 = tpu.memref_squeeze %dma_wait3A_96 : memref<1x128x128xf32, #tpu.memory_space<vmem>> -> memref<128x128xf32, #tpu.memory_space<vmem>>
      %dma_wait3A_98 = arith.constant 0 : i32
      %dma_wait3A_99 = tpu.memref_slice %arg8[%add3A_92, %dma_wait3A_98] : memref<40x128xi32, #tpu.memory_space<vmem>> -> memref<1x128xi32, #tpu.memory_space<vmem>>
      %dma_wait3A_100 = tpu.memref_squeeze %dma_wait3A_99 : memref<1x128xi32, #tpu.memory_space<vmem>> -> memref<128xi32, #tpu.memory_space<vmem>>
      %dma_wait3A_101 = arith.constant 0 : i32
      %dma_wait3A_102 = arith.constant 0 : i32
      %dma_wait3A_103 = tpu.memref_slice %arg2[%dma_wait3A_101, %dma_wait3A_102] : memref<10000x128xf32, #tpu.memory_space<hbm>> -> memref<10000x128xf32, #tpu.memory_space<hbm>>
      tpu.wait_indirect_dma semaphore(%arg12 : memref<!tpu.dma_semaphore, #tpu.memory_space<semaphore_mem>>) src(%dma_wait3A_103 : memref<10000x128xf32, #tpu.memory_space<hbm>>) dst(%dma_wait3A_97 : memref<128x128xf32, #tpu.memory_space<vmem>>)
      %add3A_104 = arith.constant 1 : i32
      %add3A_105 = arith.addi %mul3A_63, %add3A_104 : i32
      %run_scoped3A_106 = arith.constant 1 : i32
      "tpu.region"() ({
        %run_scoped3A_107 = tpu.sem_alloc : memref<!tpu.dma_semaphore, #tpu.memory_space<semaphore_mem>>
        %dma_start3A_108 = arith.constant 0 : i32
        %dma_start3A_109 = arith.constant 0 : i32
        %dma_start3A_110 = tpu.memref_slice %arg10[%run_scoped3A_106, %dma_start3A_108, %dma_start3A_109] : memref<2x128x128xf32, #tpu.memory_space<vmem>> -> memref<1x128x128xf32, #tpu.memory_space<vmem>>
        %dma_start3A_111 = tpu.memref_squeeze %dma_start3A_110 : memref<1x128x128xf32, #tpu.memory_space<vmem>> -> memref<128x128xf32, #tpu.memory_space<vmem>>
        %dma_start3A_112 = arith.constant 0 : i32
        %dma_start3A_113 = tpu.memref_slice %arg9[%add3A_105, %dma_start3A_112] : memref<40x128xi32, #tpu.memory_space<vmem>> -> memref<1x128xi32, #tpu.memory_space<vmem>>
        %dma_start3A_114 = tpu.memref_squeeze %dma_start3A_113 : memref<1x128xi32, #tpu.memory_space<vmem>> -> memref<128xi32, #tpu.memory_space<vmem>>
        %dma_start3A_115 = arith.constant 0 : i32
        %dma_start3A_116 = arith.constant 0 : i32
        %dma_start3A_117 = tpu.memref_slice %arg7[%dma_start3A_115, %dma_start3A_116] : memref<10240x128xf32, #tpu.memory_space<vmem_shared>> -> memref<10240x128xf32, #tpu.memory_space<vmem_shared>>
        tpu.enqueue_indirect_dma source(%dma_start3A_111 : memref<128x128xf32, #tpu.memory_space<vmem>>) target(%dma_start3A_117 : memref<10240x128xf32, #tpu.memory_space<vmem_shared>>) offsets(%dma_start3A_114 : memref<128xi32, #tpu.memory_space<vmem>>) semaphore(%run_scoped3A_107 : memref<!tpu.dma_semaphore, #tpu.memory_space<semaphore_mem>>) {add = true}
        %dma_wait3A_118 = arith.constant 0 : i32
        %dma_wait3A_119 = arith.constant 0 : i32
        %dma_wait3A_120 = tpu.memref_slice %arg10[%run_scoped3A_106, %dma_wait3A_118, %dma_wait3A_119] : memref<2x128x128xf32, #tpu.memory_space<vmem>> -> memref<1x128x128xf32, #tpu.memory_space<vmem>>
        %dma_wait3A_121 = tpu.memref_squeeze %dma_wait3A_120 : memref<1x128x128xf32, #tpu.memory_space<vmem>> -> memref<128x128xf32, #tpu.memory_space<vmem>>
        %dma_wait3A_122 = arith.constant 0 : i32
        %dma_wait3A_123 = tpu.memref_slice %arg9[%add3A_105, %dma_wait3A_122] : memref<40x128xi32, #tpu.memory_space<vmem>> -> memref<1x128xi32, #tpu.memory_space<vmem>>
        %dma_wait3A_124 = tpu.memref_squeeze %dma_wait3A_123 : memref<1x128xi32, #tpu.memory_space<vmem>> -> memref<128xi32, #tpu.memory_space<vmem>>
        %dma_wait3A_125 = arith.constant 0 : i32
        %dma_wait3A_126 = arith.constant 0 : i32
        %dma_wait3A_127 = tpu.memref_slice %arg7[%dma_wait3A_125, %dma_wait3A_126] : memref<10240x128xf32, #tpu.memory_space<vmem_shared>> -> memref<10240x128xf32, #tpu.memory_space<vmem_shared>>
        tpu.wait_indirect_dma semaphore(%run_scoped3A_107 : memref<!tpu.dma_semaphore, #tpu.memory_space<semaphore_mem>>) src(%dma_wait3A_121 : memref<128x128xf32, #tpu.memory_space<vmem>>) dst(%dma_wait3A_127 : memref<10240x128xf32, #tpu.memory_space<vmem_shared>>)
        tpu.yield
      }) : () -> ()
    }
    %scan3A_26 = arith.constant 20 : i32
    %mul3A_27 = arith.constant 80 : i32
    %mul3A_28 = arith.muli %add3A, %mul3A_27 : i32
    %add3A_29 = arith.constant 40 : i32
    %add3A_30 = arith.addi %mul3A_28, %add3A_29 : i32
    "tpu.region"() ({
      %run_scoped3A = tpu.sem_alloc : memref<!tpu.dma_semaphore, #tpu.memory_space<semaphore_mem>>
      %dma_start3A_61 = arith.constant 0 : i32
      %dma_start3A_62 = tpu.memref_slice %arg3[%add3A_30, %dma_start3A_61] : memref<2560x128xi32, #tpu.memory_space<hbm>> -> memref<40x128xi32, #tpu.memory_space<hbm>>
      %dma_start3A_63 = arith.constant 0 : i32
      %dma_start3A_64 = tpu.memref_slice %arg3[%add3A_30, %dma_start3A_63] : memref<2560x128xi32, #tpu.memory_space<hbm>> -> memref<40x128xi32, #tpu.memory_space<hbm>>
      tpu.enqueue_dma source(%dma_start3A_64 : memref<40x128xi32, #tpu.memory_space<hbm>>) target(%arg8 : memref<40x128xi32, #tpu.memory_space<vmem>>) target_semaphore(%run_scoped3A : memref<!tpu.dma_semaphore, #tpu.memory_space<semaphore_mem>>)
      %dma_wait3A = arith.constant 0 : i32
      %dma_wait3A_65 = tpu.memref_slice %arg3[%add3A_30, %dma_wait3A] : memref<2560x128xi32, #tpu.memory_space<hbm>> -> memref<40x128xi32, #tpu.memory_space<hbm>>
      %dma_wait3A_66 = arith.constant 0 : i32
      %dma_wait3A_67 = tpu.memref_slice %arg3[%add3A_30, %dma_wait3A_66] : memref<2560x128xi32, #tpu.memory_space<hbm>> -> memref<40x128xi32, #tpu.memory_space<hbm>>
      tpu.wait_dma2 semaphore(%run_scoped3A : memref<!tpu.dma_semaphore, #tpu.memory_space<semaphore_mem>>) src(%dma_wait3A_67 : memref<40x128xi32, #tpu.memory_space<hbm>>) dst(%arg8 : memref<40x128xi32, #tpu.memory_space<vmem>>)
      tpu.yield
    }) : () -> ()
    %mul3A_31 = arith.constant 80 : i32
    %mul3A_32 = arith.muli %add3A, %mul3A_31 : i32
    %add3A_33 = arith.constant 40 : i32
    %add3A_34 = arith.addi %mul3A_32, %add3A_33 : i32
    "tpu.region"() ({
      %run_scoped3A = tpu.sem_alloc : memref<!tpu.dma_semaphore, #tpu.memory_space<semaphore_mem>>
      %dma_start3A_61 = arith.constant 0 : i32
      %dma_start3A_62 = tpu.memref_slice %arg4[%add3A_34, %dma_start3A_61] : memref<2560x128xi32, #tpu.memory_space<hbm>> -> memref<40x128xi32, #tpu.memory_space<hbm>>
      %dma_start3A_63 = arith.constant 0 : i32
      %dma_start3A_64 = tpu.memref_slice %arg4[%add3A_34, %dma_start3A_63] : memref<2560x128xi32, #tpu.memory_space<hbm>> -> memref<40x128xi32, #tpu.memory_space<hbm>>
      tpu.enqueue_dma source(%dma_start3A_64 : memref<40x128xi32, #tpu.memory_space<hbm>>) target(%arg9 : memref<40x128xi32, #tpu.memory_space<vmem>>) target_semaphore(%run_scoped3A : memref<!tpu.dma_semaphore, #tpu.memory_space<semaphore_mem>>)
      %dma_wait3A = arith.constant 0 : i32
      %dma_wait3A_65 = tpu.memref_slice %arg4[%add3A_34, %dma_wait3A] : memref<2560x128xi32, #tpu.memory_space<hbm>> -> memref<40x128xi32, #tpu.memory_space<hbm>>
      %dma_wait3A_66 = arith.constant 0 : i32
      %dma_wait3A_67 = tpu.memref_slice %arg4[%add3A_34, %dma_wait3A_66] : memref<2560x128xi32, #tpu.memory_space<hbm>> -> memref<40x128xi32, #tpu.memory_space<hbm>>
      tpu.wait_dma2 semaphore(%run_scoped3A : memref<!tpu.dma_semaphore, #tpu.memory_space<semaphore_mem>>) src(%dma_wait3A_67 : memref<40x128xi32, #tpu.memory_space<hbm>>) dst(%arg9 : memref<40x128xi32, #tpu.memory_space<vmem>>)
      tpu.yield
    }) : () -> ()
    %dma_start3A_35 = arith.constant 0 : i32
    %dma_start3A_36 = arith.constant 0 : i32
    %dma_start3A_37 = arith.constant 0 : i32
    %dma_start3A_38 = arith.constant 0 : i32
    %dma_start3A_39 = tpu.memref_slice %arg10[%dma_start3A_36, %dma_start3A_37, %dma_start3A_38] : memref<2x128x128xf32, #tpu.memory_space<vmem>> -> memref<1x128x128xf32, #tpu.memory_space<vmem>>
    %dma_start3A_40 = tpu.memref_squeeze %dma_start3A_39 : memref<1x128x128xf32, #tpu.memory_space<vmem>> -> memref<128x128xf32, #tpu.memory_space<vmem>>
    %dma_start3A_41 = arith.constant 0 : i32
    %dma_start3A_42 = tpu.memref_slice %arg8[%dma_start3A_35, %dma_start3A_41] : memref<40x128xi32, #tpu.memory_space<vmem>> -> memref<1x128xi32, #tpu.memory_space<vmem>>
    %dma_start3A_43 = tpu.memref_squeeze %dma_start3A_42 : memref<1x128xi32, #tpu.memory_space<vmem>> -> memref<128xi32, #tpu.memory_space<vmem>>
    %dma_start3A_44 = arith.constant 0 : i32
    %dma_start3A_45 = arith.constant 0 : i32
    %dma_start3A_46 = tpu.memref_slice %arg2[%dma_start3A_44, %dma_start3A_45] : memref<10000x128xf32, #tpu.memory_space<hbm>> -> memref<10000x128xf32, #tpu.memory_space<hbm>>
    tpu.enqueue_indirect_dma source(%dma_start3A_46 : memref<10000x128xf32, #tpu.memory_space<hbm>>) target(%dma_start3A_40 : memref<128x128xf32, #tpu.memory_space<vmem>>) offsets(%dma_start3A_43 : memref<128xi32, #tpu.memory_space<vmem>>) semaphore(%arg11 : memref<!tpu.dma_semaphore, #tpu.memory_space<semaphore_mem>>)
    %scan3A_47 = arith.constant 0 : i32
    %scan3A_48 = arith.constant 0 : i32
    %scan3A_49 = arith.constant 20 : i32
    %scan3A_50 = arith.addi %scan3A_48, %scan3A_49 : i32
    %scan3A_51 = arith.constant 1 : i32
    scf.for %scan3A_61 = %scan3A_48 to %scan3A_50 step %scan3A_51  : i32 {
      %mul3A_62 = arith.constant 2 : i32
      %mul3A_63 = arith.muli %scan3A_61, %mul3A_62 : i32
      %add3A_64 = arith.constant 1 : i32
      %add3A_65 = arith.addi %mul3A_63, %add3A_64 : i32
      %dma_start3A_66 = arith.constant 1 : i32
      %dma_start3A_67 = arith.constant 0 : i32
      %dma_start3A_68 = arith.constant 0 : i32
      %dma_start3A_69 = tpu.memref_slice %arg10[%dma_start3A_66, %dma_start3A_67, %dma_start3A_68] : memref<2x128x128xf32, #tpu.memory_space<vmem>> -> memref<1x128x128xf32, #tpu.memory_space<vmem>>
      %dma_start3A_70 = tpu.memref_squeeze %dma_start3A_69 : memref<1x128x128xf32, #tpu.memory_space<vmem>> -> memref<128x128xf32, #tpu.memory_space<vmem>>
      %dma_start3A_71 = arith.constant 0 : i32
      %dma_start3A_72 = tpu.memref_slice %arg8[%add3A_65, %dma_start3A_71] : memref<40x128xi32, #tpu.memory_space<vmem>> -> memref<1x128xi32, #tpu.memory_space<vmem>>
      %dma_start3A_73 = tpu.memref_squeeze %dma_start3A_72 : memref<1x128xi32, #tpu.memory_space<vmem>> -> memref<128xi32, #tpu.memory_space<vmem>>
      %dma_start3A_74 = arith.constant 0 : i32
      %dma_start3A_75 = arith.constant 0 : i32
      %dma_start3A_76 = tpu.memref_slice %arg2[%dma_start3A_74, %dma_start3A_75] : memref<10000x128xf32, #tpu.memory_space<hbm>> -> memref<10000x128xf32, #tpu.memory_space<hbm>>
      tpu.enqueue_indirect_dma source(%dma_start3A_76 : memref<10000x128xf32, #tpu.memory_space<hbm>>) target(%dma_start3A_70 : memref<128x128xf32, #tpu.memory_space<vmem>>) offsets(%dma_start3A_73 : memref<128xi32, #tpu.memory_space<vmem>>) semaphore(%arg12 : memref<!tpu.dma_semaphore, #tpu.memory_space<semaphore_mem>>)
      %dma_wait3A = arith.constant 0 : i32
      %dma_wait3A_77 = arith.constant 0 : i32
      %dma_wait3A_78 = arith.constant 0 : i32
      %dma_wait3A_79 = tpu.memref_slice %arg10[%dma_wait3A, %dma_wait3A_77, %dma_wait3A_78] : memref<2x128x128xf32, #tpu.memory_space<vmem>> -> memref<1x128x128xf32, #tpu.memory_space<vmem>>
      %dma_wait3A_80 = tpu.memref_squeeze %dma_wait3A_79 : memref<1x128x128xf32, #tpu.memory_space<vmem>> -> memref<128x128xf32, #tpu.memory_space<vmem>>
      %dma_wait3A_81 = arith.constant 0 : i32
      %dma_wait3A_82 = tpu.memref_slice %arg8[%mul3A_63, %dma_wait3A_81] : memref<40x128xi32, #tpu.memory_space<vmem>> -> memref<1x128xi32, #tpu.memory_space<vmem>>
      %dma_wait3A_83 = tpu.memref_squeeze %dma_wait3A_82 : memref<1x128xi32, #tpu.memory_space<vmem>> -> memref<128xi32, #tpu.memory_space<vmem>>
      %dma_wait3A_84 = arith.constant 0 : i32
      %dma_wait3A_85 = arith.constant 0 : i32
      %dma_wait3A_86 = tpu.memref_slice %arg2[%dma_wait3A_84, %dma_wait3A_85] : memref<10000x128xf32, #tpu.memory_space<hbm>> -> memref<10000x128xf32, #tpu.memory_space<hbm>>
      tpu.wait_indirect_dma semaphore(%arg11 : memref<!tpu.dma_semaphore, #tpu.memory_space<semaphore_mem>>) src(%dma_wait3A_86 : memref<10000x128xf32, #tpu.memory_space<hbm>>) dst(%dma_wait3A_80 : memref<128x128xf32, #tpu.memory_space<vmem>>)
      %run_scoped3A = arith.constant 0 : i32
      "tpu.region"() ({
        %run_scoped3A_107 = tpu.sem_alloc : memref<!tpu.dma_semaphore, #tpu.memory_space<semaphore_mem>>
        %dma_start3A_108 = arith.constant 0 : i32
        %dma_start3A_109 = arith.constant 0 : i32
        %dma_start3A_110 = tpu.memref_slice %arg10[%run_scoped3A, %dma_start3A_108, %dma_start3A_109] : memref<2x128x128xf32, #tpu.memory_space<vmem>> -> memref<1x128x128xf32, #tpu.memory_space<vmem>>
        %dma_start3A_111 = tpu.memref_squeeze %dma_start3A_110 : memref<1x128x128xf32, #tpu.memory_space<vmem>> -> memref<128x128xf32, #tpu.memory_space<vmem>>
        %dma_start3A_112 = arith.constant 0 : i32
        %dma_start3A_113 = tpu.memref_slice %arg9[%mul3A_63, %dma_start3A_112] : memref<40x128xi32, #tpu.memory_space<vmem>> -> memref<1x128xi32, #tpu.memory_space<vmem>>
        %dma_start3A_114 = tpu.memref_squeeze %dma_start3A_113 : memref<1x128xi32, #tpu.memory_space<vmem>> -> memref<128xi32, #tpu.memory_space<vmem>>
        %dma_start3A_115 = arith.constant 0 : i32
        %dma_start3A_116 = arith.constant 0 : i32
        %dma_start3A_117 = tpu.memref_slice %arg7[%dma_start3A_115, %dma_start3A_116] : memref<10240x128xf32, #tpu.memory_space<vmem_shared>> -> memref<10240x128xf32, #tpu.memory_space<vmem_shared>>
        tpu.enqueue_indirect_dma source(%dma_start3A_111 : memref<128x128xf32, #tpu.memory_space<vmem>>) target(%dma_start3A_117 : memref<10240x128xf32, #tpu.memory_space<vmem_shared>>) offsets(%dma_start3A_114 : memref<128xi32, #tpu.memory_space<vmem>>) semaphore(%run_scoped3A_107 : memref<!tpu.dma_semaphore, #tpu.memory_space<semaphore_mem>>) {add = true}
        %dma_wait3A_118 = arith.constant 0 : i32
        %dma_wait3A_119 = arith.constant 0 : i32
        %dma_wait3A_120 = tpu.memref_slice %arg10[%run_scoped3A, %dma_wait3A_118, %dma_wait3A_119] : memref<2x128x128xf32, #tpu.memory_space<vmem>> -> memref<1x128x128xf32, #tpu.memory_space<vmem>>
        %dma_wait3A_121 = tpu.memref_squeeze %dma_wait3A_120 : memref<1x128x128xf32, #tpu.memory_space<vmem>> -> memref<128x128xf32, #tpu.memory_space<vmem>>
        %dma_wait3A_122 = arith.constant 0 : i32
        %dma_wait3A_123 = tpu.memref_slice %arg9[%mul3A_63, %dma_wait3A_122] : memref<40x128xi32, #tpu.memory_space<vmem>> -> memref<1x128xi32, #tpu.memory_space<vmem>>
        %dma_wait3A_124 = tpu.memref_squeeze %dma_wait3A_123 : memref<1x128xi32, #tpu.memory_space<vmem>> -> memref<128xi32, #tpu.memory_space<vmem>>
        %dma_wait3A_125 = arith.constant 0 : i32
        %dma_wait3A_126 = arith.constant 0 : i32
        %dma_wait3A_127 = tpu.memref_slice %arg7[%dma_wait3A_125, %dma_wait3A_126] : memref<10240x128xf32, #tpu.memory_space<vmem_shared>> -> memref<10240x128xf32, #tpu.memory_space<vmem_shared>>
        tpu.wait_indirect_dma semaphore(%run_scoped3A_107 : memref<!tpu.dma_semaphore, #tpu.memory_space<semaphore_mem>>) src(%dma_wait3A_121 : memref<128x128xf32, #tpu.memory_space<vmem>>) dst(%dma_wait3A_127 : memref<10240x128xf32, #tpu.memory_space<vmem_shared>>)
        tpu.yield
      }) : () -> ()
      %add3A_87 = arith.constant 2 : i32
      %add3A_88 = arith.addi %mul3A_63, %add3A_87 : i32
      %lt3A = arith.constant 40 : i32
      %lt3A_89 = arith.cmpi slt, %add3A_88, %lt3A : i32
      %convert_element_type3A = arith.extui %lt3A_89 : i1 to i32
      %cond3A = arith.constant 0 : i32
      %cond3A_90 = arith.cmpi ne, %convert_element_type3A, %cond3A : i32
      scf.if %cond3A_90 {
        %add3A_107 = arith.constant 2 : i32
        %add3A_108 = arith.addi %mul3A_63, %add3A_107 : i32
        %dma_start3A_109 = arith.constant 0 : i32
        %dma_start3A_110 = arith.constant 0 : i32
        %dma_start3A_111 = arith.constant 0 : i32
        %dma_start3A_112 = tpu.memref_slice %arg10[%dma_start3A_109, %dma_start3A_110, %dma_start3A_111] : memref<2x128x128xf32, #tpu.memory_space<vmem>> -> memref<1x128x128xf32, #tpu.memory_space<vmem>>
        %dma_start3A_113 = tpu.memref_squeeze %dma_start3A_112 : memref<1x128x128xf32, #tpu.memory_space<vmem>> -> memref<128x128xf32, #tpu.memory_space<vmem>>
        %dma_start3A_114 = arith.constant 0 : i32
        %dma_start3A_115 = tpu.memref_slice %arg8[%add3A_108, %dma_start3A_114] : memref<40x128xi32, #tpu.memory_space<vmem>> -> memref<1x128xi32, #tpu.memory_space<vmem>>
        %dma_start3A_116 = tpu.memref_squeeze %dma_start3A_115 : memref<1x128xi32, #tpu.memory_space<vmem>> -> memref<128xi32, #tpu.memory_space<vmem>>
        %dma_start3A_117 = arith.constant 0 : i32
        %dma_start3A_118 = arith.constant 0 : i32
        %dma_start3A_119 = tpu.memref_slice %arg2[%dma_start3A_117, %dma_start3A_118] : memref<10000x128xf32, #tpu.memory_space<hbm>> -> memref<10000x128xf32, #tpu.memory_space<hbm>>
        tpu.enqueue_indirect_dma source(%dma_start3A_119 : memref<10000x128xf32, #tpu.memory_space<hbm>>) target(%dma_start3A_113 : memref<128x128xf32, #tpu.memory_space<vmem>>) offsets(%dma_start3A_116 : memref<128xi32, #tpu.memory_space<vmem>>) semaphore(%arg11 : memref<!tpu.dma_semaphore, #tpu.memory_space<semaphore_mem>>)
      } else {
      }
      %add3A_91 = arith.constant 1 : i32
      %add3A_92 = arith.addi %mul3A_63, %add3A_91 : i32
      %dma_wait3A_93 = arith.constant 1 : i32
      %dma_wait3A_94 = arith.constant 0 : i32
      %dma_wait3A_95 = arith.constant 0 : i32
      %dma_wait3A_96 = tpu.memref_slice %arg10[%dma_wait3A_93, %dma_wait3A_94, %dma_wait3A_95] : memref<2x128x128xf32, #tpu.memory_space<vmem>> -> memref<1x128x128xf32, #tpu.memory_space<vmem>>
      %dma_wait3A_97 = tpu.memref_squeeze %dma_wait3A_96 : memref<1x128x128xf32, #tpu.memory_space<vmem>> -> memref<128x128xf32, #tpu.memory_space<vmem>>
      %dma_wait3A_98 = arith.constant 0 : i32
      %dma_wait3A_99 = tpu.memref_slice %arg8[%add3A_92, %dma_wait3A_98] : memref<40x128xi32, #tpu.memory_space<vmem>> -> memref<1x128xi32, #tpu.memory_space<vmem>>
      %dma_wait3A_100 = tpu.memref_squeeze %dma_wait3A_99 : memref<1x128xi32, #tpu.memory_space<vmem>> -> memref<128xi32, #tpu.memory_space<vmem>>
      %dma_wait3A_101 = arith.constant 0 : i32
      %dma_wait3A_102 = arith.constant 0 : i32
      %dma_wait3A_103 = tpu.memref_slice %arg2[%dma_wait3A_101, %dma_wait3A_102] : memref<10000x128xf32, #tpu.memory_space<hbm>> -> memref<10000x128xf32, #tpu.memory_space<hbm>>
      tpu.wait_indirect_dma semaphore(%arg12 : memref<!tpu.dma_semaphore, #tpu.memory_space<semaphore_mem>>) src(%dma_wait3A_103 : memref<10000x128xf32, #tpu.memory_space<hbm>>) dst(%dma_wait3A_97 : memref<128x128xf32, #tpu.memory_space<vmem>>)
      %add3A_104 = arith.constant 1 : i32
      %add3A_105 = arith.addi %mul3A_63, %add3A_104 : i32
      %run_scoped3A_106 = arith.constant 1 : i32
      "tpu.region"() ({
        %run_scoped3A_107 = tpu.sem_alloc : memref<!tpu.dma_semaphore, #tpu.memory_space<semaphore_mem>>
        %dma_start3A_108 = arith.constant 0 : i32
        %dma_start3A_109 = arith.constant 0 : i32
        %dma_start3A_110 = tpu.memref_slice %arg10[%run_scoped3A_106, %dma_start3A_108, %dma_start3A_109] : memref<2x128x128xf32, #tpu.memory_space<vmem>> -> memref<1x128x128xf32, #tpu.memory_space<vmem>>
        %dma_start3A_111 = tpu.memref_squeeze %dma_start3A_110 : memref<1x128x128xf32, #tpu.memory_space<vmem>> -> memref<128x128xf32, #tpu.memory_space<vmem>>
        %dma_start3A_112 = arith.constant 0 : i32
        %dma_start3A_113 = tpu.memref_slice %arg9[%add3A_105, %dma_start3A_112] : memref<40x128xi32, #tpu.memory_space<vmem>> -> memref<1x128xi32, #tpu.memory_space<vmem>>
        %dma_start3A_114 = tpu.memref_squeeze %dma_start3A_113 : memref<1x128xi32, #tpu.memory_space<vmem>> -> memref<128xi32, #tpu.memory_space<vmem>>
        %dma_start3A_115 = arith.constant 0 : i32
        %dma_start3A_116 = arith.constant 0 : i32
        %dma_start3A_117 = tpu.memref_slice %arg7[%dma_start3A_115, %dma_start3A_116] : memref<10240x128xf32, #tpu.memory_space<vmem_shared>> -> memref<10240x128xf32, #tpu.memory_space<vmem_shared>>
        tpu.enqueue_indirect_dma source(%dma_start3A_111 : memref<128x128xf32, #tpu.memory_space<vmem>>) target(%dma_start3A_117 : memref<10240x128xf32, #tpu.memory_space<vmem_shared>>) offsets(%dma_start3A_114 : memref<128xi32, #tpu.memory_space<vmem>>) semaphore(%run_scoped3A_107 : memref<!tpu.dma_semaphore, #tpu.memory_space<semaphore_mem>>) {add = true}
        %dma_wait3A_118 = arith.constant 0 : i32
        %dma_wait3A_119 = arith.constant 0 : i32
        %dma_wait3A_120 = tpu.memref_slice %arg10[%run_scoped3A_106, %dma_wait3A_118, %dma_wait3A_119] : memref<2x128x128xf32, #tpu.memory_space<vmem>> -> memref<1x128x128xf32, #tpu.memory_space<vmem>>
        %dma_wait3A_121 = tpu.memref_squeeze %dma_wait3A_120 : memref<1x128x128xf32, #tpu.memory_space<vmem>> -> memref<128x128xf32, #tpu.memory_space<vmem>>
        %dma_wait3A_122 = arith.constant 0 : i32
        %dma_wait3A_123 = tpu.memref_slice %arg9[%add3A_105, %dma_wait3A_122] : memref<40x128xi32, #tpu.memory_space<vmem>> -> memref<1x128xi32, #tpu.memory_space<vmem>>
        %dma_wait3A_124 = tpu.memref_squeeze %dma_wait3A_123 : memref<1x128xi32, #tpu.memory_space<vmem>> -> memref<128xi32, #tpu.memory_space<vmem>>
        %dma_wait3A_125 = arith.constant 0 : i32
        %dma_wait3A_126 = arith.constant 0 : i32
        %dma_wait3A_127 = tpu.memref_slice %arg7[%dma_wait3A_125, %dma_wait3A_126] : memref<10240x128xf32, #tpu.memory_space<vmem_shared>> -> memref<10240x128xf32, #tpu.memory_space<vmem_shared>>
        tpu.wait_indirect_dma semaphore(%run_scoped3A_107 : memref<!tpu.dma_semaphore, #tpu.memory_space<semaphore_mem>>) src(%dma_wait3A_121 : memref<128x128xf32, #tpu.memory_space<vmem>>) dst(%dma_wait3A_127 : memref<10240x128xf32, #tpu.memory_space<vmem_shared>>)
        tpu.yield
      }) : () -> ()
    }
    %scan3A_52 = arith.constant 20 : i32
    %barrier3A_53 = arith.constant 0 : index
    tpu.barrier barrier_id(%barrier3A_53)
    %mul3A_54 = arith.constant 640 : i32
    %mul3A_55 = arith.muli %arg1, %mul3A_54 : i32
    %mul3A_56 = arith.constant 10240 : i32
    %mul3A_57 = arith.muli %arg0, %mul3A_56 : i32
    %mul3A_58 = arith.constant 640 : i32
    %mul3A_59 = arith.muli %arg1, %mul3A_58 : i32
    %add3A_60 = arith.addi %mul3A_57, %mul3A_59 : i32
    "tpu.region"() ({
      %run_scoped3A = tpu.sem_alloc : memref<!tpu.dma_semaphore, #tpu.memory_space<semaphore_mem>>
      %dma_start3A_61 = arith.constant 0 : i32
      %dma_start3A_62 = tpu.memref_slice %arg6[%add3A_60, %dma_start3A_61] : memref<20480x128xf32, #tpu.memory_space<hbm>> -> memref<640x128xf32, #tpu.memory_space<hbm>>
      %dma_start3A_63 = arith.constant 0 : i32
      %dma_start3A_64 = tpu.memref_slice %arg7[%mul3A_55, %dma_start3A_63] : memref<10240x128xf32, #tpu.memory_space<vmem_shared>> -> memref<640x128xf32, #tpu.memory_space<vmem_shared>>
      tpu.enqueue_dma source(%dma_start3A_64 : memref<640x128xf32, #tpu.memory_space<vmem_shared>>) target(%dma_start3A_62 : memref<640x128xf32, #tpu.memory_space<hbm>>) target_semaphore(%run_scoped3A : memref<!tpu.dma_semaphore, #tpu.memory_space<semaphore_mem>>)
      %dma_wait3A = arith.constant 0 : i32
      %dma_wait3A_65 = tpu.memref_slice %arg6[%add3A_60, %dma_wait3A] : memref<20480x128xf32, #tpu.memory_space<hbm>> -> memref<640x128xf32, #tpu.memory_space<hbm>>
      %dma_wait3A_66 = arith.constant 0 : i32
      %dma_wait3A_67 = tpu.memref_slice %arg7[%mul3A_55, %dma_wait3A_66] : memref<10240x128xf32, #tpu.memory_space<vmem_shared>> -> memref<640x128xf32, #tpu.memory_space<vmem_shared>>
      tpu.wait_dma2 semaphore(%run_scoped3A : memref<!tpu.dma_semaphore, #tpu.memory_space<semaphore_mem>>) src(%dma_wait3A_67 : memref<640x128xf32, #tpu.memory_space<vmem_shared>>) dst(%dma_wait3A_65 : memref<640x128xf32, #tpu.memory_space<hbm>>)
      tpu.yield
    }) : () -> ()
    return
  }
}

#map = affine_map<(d0, d1) -> (0, 0)>
module attributes {stable_mosaic.version = 14 : i64} {
  func.func @_agg_body(%arg0: i32, %arg1: i32, %arg2: memref<10000x128xf32, #tpu.memory_space<hbm>>, %arg3: memref<2560x128xi32, #tpu.memory_space<hbm>>, %arg4: memref<2560x128xi32, #tpu.memory_space<hbm>>, %arg5: memref<640x128xf32, #tpu.memory_space<hbm>>, %arg6: memref<20480x128xf32, #tpu.memory_space<hbm>>, %arg7: memref<10240x128xf32, #tpu.memory_space<vmem_shared>>, %arg8: memref<40x128xi32, #tpu.memory_space<vmem>>, %arg9: memref<40x128xi32, #tpu.memory_space<vmem>>, %arg10: memref<2x128x128xf32, #tpu.memory_space<vmem>>, %arg11: memref<!tpu.dma_semaphore, #tpu.memory_space<semaphore_mem>>, %arg12: memref<!tpu.dma_semaphore, #tpu.memory_space<semaphore_mem>>) attributes {dimension_semantics = [#tpu.dimension_semantics<core_parallel>, #tpu.dimension_semantics<subcore_parallel>], iteration_bounds = array<i64: 2, 16>, scalar_prefetch = 0 : i64, scratch_operands = 6 : i64, tpu.core_type = #tpu.core_type<sc_vector_subcore>, window_params = [{transform_indices = #map}, {transform_indices = #map}, {transform_indices = #map}, {transform_indices = #map}, {transform_indices = #map}]} {
    %mul3A = arith.constant 16 : i32
    %mul3A_0 = arith.muli %arg0, %mul3A : i32
    %add3A = arith.addi %mul3A_0, %arg1 : i32
    %mul3A_1 = arith.constant 640 : i32
    %mul3A_2 = arith.muli %arg1, %mul3A_1 : i32
    "tpu.region"() ({
      %run_scoped3A = tpu.sem_alloc : memref<!tpu.dma_semaphore, #tpu.memory_space<semaphore_mem>>
      %dma_start3A_61 = arith.constant 0 : i32
      %dma_start3A_62 = tpu.memref_slice %arg7[%mul3A_2, %dma_start3A_61] : memref<10240x128xf32, #tpu.memory_space<vmem_shared>> -> memref<640x128xf32, #tpu.memory_space<vmem_shared>>
      tpu.enqueue_dma source(%arg5 : memref<640x128xf32, #tpu.memory_space<hbm>>) target(%dma_start3A_62 : memref<640x128xf32, #tpu.memory_space<vmem_shared>>) target_semaphore(%run_scoped3A : memref<!tpu.dma_semaphore, #tpu.memory_space<semaphore_mem>>)
      %dma_wait3A = arith.constant 0 : i32
      %dma_wait3A_63 = tpu.memref_slice %arg7[%mul3A_2, %dma_wait3A] : memref<10240x128xf32, #tpu.memory_space<vmem_shared>> -> memref<640x128xf32, #tpu.memory_space<vmem_shared>>
      tpu.wait_dma2 semaphore(%run_scoped3A : memref<!tpu.dma_semaphore, #tpu.memory_space<semaphore_mem>>) src(%arg5 : memref<640x128xf32, #tpu.memory_space<hbm>>) dst(%dma_wait3A_63 : memref<640x128xf32, #tpu.memory_space<vmem_shared>>)
      tpu.yield
    }) : () -> ()
    %barrier3A = arith.constant 0 : index
    tpu.barrier barrier_id(%barrier3A)
    %mul3A_3 = arith.constant 80 : i32
    %mul3A_4 = arith.muli %add3A, %mul3A_3 : i32
    %add3A_5 = arith.constant 0 : i32
    %add3A_6 = arith.addi %mul3A_4, %add3A_5 : i32
    "tpu.region"() ({
      %run_scoped3A = tpu.sem_alloc : memref<!tpu.dma_semaphore, #tpu.memory_space<semaphore_mem>>
      %dma_start3A_61 = arith.constant 0 : i32
      %dma_start3A_62 = tpu.memref_slice %arg3[%add3A_6, %dma_start3A_61] : memref<2560x128xi32, #tpu.memory_space<hbm>> -> memref<40x128xi32, #tpu.memory_space<hbm>>
      %dma_start3A_63 = arith.constant 0 : i32
      %dma_start3A_64 = tpu.memref_slice %arg3[%add3A_6, %dma_start3A_63] : memref<2560x128xi32, #tpu.memory_space<hbm>> -> memref<40x128xi32, #tpu.memory_space<hbm>>
      tpu.enqueue_dma source(%dma_start3A_64 : memref<40x128xi32, #tpu.memory_space<hbm>>) target(%arg8 : memref<40x128xi32, #tpu.memory_space<vmem>>) target_semaphore(%run_scoped3A : memref<!tpu.dma_semaphore, #tpu.memory_space<semaphore_mem>>)
      %dma_wait3A = arith.constant 0 : i32
      %dma_wait3A_65 = tpu.memref_slice %arg3[%add3A_6, %dma_wait3A] : memref<2560x128xi32, #tpu.memory_space<hbm>> -> memref<40x128xi32, #tpu.memory_space<hbm>>
      %dma_wait3A_66 = arith.constant 0 : i32
      %dma_wait3A_67 = tpu.memref_slice %arg3[%add3A_6, %dma_wait3A_66] : memref<2560x128xi32, #tpu.memory_space<hbm>> -> memref<40x128xi32, #tpu.memory_space<hbm>>
      tpu.wait_dma2 semaphore(%run_scoped3A : memref<!tpu.dma_semaphore, #tpu.memory_space<semaphore_mem>>) src(%dma_wait3A_67 : memref<40x128xi32, #tpu.memory_space<hbm>>) dst(%arg8 : memref<40x128xi32, #tpu.memory_space<vmem>>)
      tpu.yield
    }) : () -> ()
    %mul3A_7 = arith.constant 80 : i32
    %mul3A_8 = arith.muli %add3A, %mul3A_7 : i32
    %add3A_9 = arith.constant 0 : i32
    %add3A_10 = arith.addi %mul3A_8, %add3A_9 : i32
    "tpu.region"() ({
      %run_scoped3A = tpu.sem_alloc : memref<!tpu.dma_semaphore, #tpu.memory_space<semaphore_mem>>
      %dma_start3A_61 = arith.constant 0 : i32
      %dma_start3A_62 = tpu.memref_slice %arg4[%add3A_10, %dma_start3A_61] : memref<2560x128xi32, #tpu.memory_space<hbm>> -> memref<40x128xi32, #tpu.memory_space<hbm>>
      %dma_start3A_63 = arith.constant 0 : i32
      %dma_start3A_64 = tpu.memref_slice %arg4[%add3A_10, %dma_start3A_63] : memref<2560x128xi32, #tpu.memory_space<hbm>> -> memref<40x128xi32, #tpu.memory_space<hbm>>
      tpu.enqueue_dma source(%dma_start3A_64 : memref<40x128xi32, #tpu.memory_space<hbm>>) target(%arg9 : memref<40x128xi32, #tpu.memory_space<vmem>>) target_semaphore(%run_scoped3A : memref<!tpu.dma_semaphore, #tpu.memory_space<semaphore_mem>>)
      %dma_wait3A = arith.constant 0 : i32
      %dma_wait3A_65 = tpu.memref_slice %arg4[%add3A_10, %dma_wait3A] : memref<2560x128xi32, #tpu.memory_space<hbm>> -> memref<40x128xi32, #tpu.memory_space<hbm>>
      %dma_wait3A_66 = arith.constant 0 : i32
      %dma_wait3A_67 = tpu.memref_slice %arg4[%add3A_10, %dma_wait3A_66] : memref<2560x128xi32, #tpu.memory_space<hbm>> -> memref<40x128xi32, #tpu.memory_space<hbm>>
      tpu.wait_dma2 semaphore(%run_scoped3A : memref<!tpu.dma_semaphore, #tpu.memory_space<semaphore_mem>>) src(%dma_wait3A_67 : memref<40x128xi32, #tpu.memory_space<hbm>>) dst(%arg9 : memref<40x128xi32, #tpu.memory_space<vmem>>)
      tpu.yield
    }) : () -> ()
    %dma_start3A = arith.constant 0 : i32
    %dma_start3A_11 = arith.constant 0 : i32
    %dma_start3A_12 = arith.constant 0 : i32
    %dma_start3A_13 = arith.constant 0 : i32
    %dma_start3A_14 = tpu.memref_slice %arg10[%dma_start3A_11, %dma_start3A_12, %dma_start3A_13] : memref<2x128x128xf32, #tpu.memory_space<vmem>> -> memref<1x128x128xf32, #tpu.memory_space<vmem>>
    %dma_start3A_15 = tpu.memref_squeeze %dma_start3A_14 : memref<1x128x128xf32, #tpu.memory_space<vmem>> -> memref<128x128xf32, #tpu.memory_space<vmem>>
    %dma_start3A_16 = arith.constant 0 : i32
    %dma_start3A_17 = tpu.memref_slice %arg8[%dma_start3A, %dma_start3A_16] : memref<40x128xi32, #tpu.memory_space<vmem>> -> memref<1x128xi32, #tpu.memory_space<vmem>>
    %dma_start3A_18 = tpu.memref_squeeze %dma_start3A_17 : memref<1x128xi32, #tpu.memory_space<vmem>> -> memref<128xi32, #tpu.memory_space<vmem>>
    %dma_start3A_19 = arith.constant 0 : i32
    %dma_start3A_20 = arith.constant 0 : i32
    %dma_start3A_21 = tpu.memref_slice %arg2[%dma_start3A_19, %dma_start3A_20] : memref<10000x128xf32, #tpu.memory_space<hbm>> -> memref<10000x128xf32, #tpu.memory_space<hbm>>
    tpu.enqueue_indirect_dma source(%dma_start3A_21 : memref<10000x128xf32, #tpu.memory_space<hbm>>) target(%dma_start3A_15 : memref<128x128xf32, #tpu.memory_space<vmem>>) offsets(%dma_start3A_18 : memref<128xi32, #tpu.memory_space<vmem>>) semaphore(%arg11 : memref<!tpu.dma_semaphore, #tpu.memory_space<semaphore_mem>>)
    %scan3A = arith.constant 0 : i32
    %scan3A_22 = arith.constant 0 : i32
    %scan3A_23 = arith.constant 20 : i32
    %scan3A_24 = arith.addi %scan3A_22, %scan3A_23 : i32
    %scan3A_25 = arith.constant 1 : i32
    scf.for %scan3A_61 = %scan3A_22 to %scan3A_24 step %scan3A_25  : i32 {
      %mul3A_62 = arith.constant 2 : i32
      %mul3A_63 = arith.muli %scan3A_61, %mul3A_62 : i32
      %add3A_64 = arith.constant 1 : i32
      %add3A_65 = arith.addi %mul3A_63, %add3A_64 : i32
      %dma_start3A_66 = arith.constant 1 : i32
      %dma_start3A_67 = arith.constant 0 : i32
      %dma_start3A_68 = arith.constant 0 : i32
      %dma_start3A_69 = tpu.memref_slice %arg10[%dma_start3A_66, %dma_start3A_67, %dma_start3A_68] : memref<2x128x128xf32, #tpu.memory_space<vmem>> -> memref<1x128x128xf32, #tpu.memory_space<vmem>>
      %dma_start3A_70 = tpu.memref_squeeze %dma_start3A_69 : memref<1x128x128xf32, #tpu.memory_space<vmem>> -> memref<128x128xf32, #tpu.memory_space<vmem>>
      %dma_start3A_71 = arith.constant 0 : i32
      %dma_start3A_72 = tpu.memref_slice %arg8[%add3A_65, %dma_start3A_71] : memref<40x128xi32, #tpu.memory_space<vmem>> -> memref<1x128xi32, #tpu.memory_space<vmem>>
      %dma_start3A_73 = tpu.memref_squeeze %dma_start3A_72 : memref<1x128xi32, #tpu.memory_space<vmem>> -> memref<128xi32, #tpu.memory_space<vmem>>
      %dma_start3A_74 = arith.constant 0 : i32
      %dma_start3A_75 = arith.constant 0 : i32
      %dma_start3A_76 = tpu.memref_slice %arg2[%dma_start3A_74, %dma_start3A_75] : memref<10000x128xf32, #tpu.memory_space<hbm>> -> memref<10000x128xf32, #tpu.memory_space<hbm>>
      tpu.enqueue_indirect_dma source(%dma_start3A_76 : memref<10000x128xf32, #tpu.memory_space<hbm>>) target(%dma_start3A_70 : memref<128x128xf32, #tpu.memory_space<vmem>>) offsets(%dma_start3A_73 : memref<128xi32, #tpu.memory_space<vmem>>) semaphore(%arg12 : memref<!tpu.dma_semaphore, #tpu.memory_space<semaphore_mem>>)
      %dma_wait3A = arith.constant 0 : i32
      %dma_wait3A_77 = arith.constant 0 : i32
      %dma_wait3A_78 = arith.constant 0 : i32
      %dma_wait3A_79 = tpu.memref_slice %arg10[%dma_wait3A, %dma_wait3A_77, %dma_wait3A_78] : memref<2x128x128xf32, #tpu.memory_space<vmem>> -> memref<1x128x128xf32, #tpu.memory_space<vmem>>
      %dma_wait3A_80 = tpu.memref_squeeze %dma_wait3A_79 : memref<1x128x128xf32, #tpu.memory_space<vmem>> -> memref<128x128xf32, #tpu.memory_space<vmem>>
      %dma_wait3A_81 = arith.constant 0 : i32
      %dma_wait3A_82 = tpu.memref_slice %arg8[%mul3A_63, %dma_wait3A_81] : memref<40x128xi32, #tpu.memory_space<vmem>> -> memref<1x128xi32, #tpu.memory_space<vmem>>
      %dma_wait3A_83 = tpu.memref_squeeze %dma_wait3A_82 : memref<1x128xi32, #tpu.memory_space<vmem>> -> memref<128xi32, #tpu.memory_space<vmem>>
      %dma_wait3A_84 = arith.constant 0 : i32
      %dma_wait3A_85 = arith.constant 0 : i32
      %dma_wait3A_86 = tpu.memref_slice %arg2[%dma_wait3A_84, %dma_wait3A_85] : memref<10000x128xf32, #tpu.memory_space<hbm>> -> memref<10000x128xf32, #tpu.memory_space<hbm>>
      tpu.wait_indirect_dma semaphore(%arg11 : memref<!tpu.dma_semaphore, #tpu.memory_space<semaphore_mem>>) src(%dma_wait3A_86 : memref<10000x128xf32, #tpu.memory_space<hbm>>) dst(%dma_wait3A_80 : memref<128x128xf32, #tpu.memory_space<vmem>>)
      %run_scoped3A = arith.constant 0 : i32
      "tpu.region"() ({
        %run_scoped3A_107 = tpu.sem_alloc : memref<!tpu.dma_semaphore, #tpu.memory_space<semaphore_mem>>
        %dma_start3A_108 = arith.constant 0 : i32
        %dma_start3A_109 = arith.constant 0 : i32
        %dma_start3A_110 = tpu.memref_slice %arg10[%run_scoped3A, %dma_start3A_108, %dma_start3A_109] : memref<2x128x128xf32, #tpu.memory_space<vmem>> -> memref<1x128x128xf32, #tpu.memory_space<vmem>>
        %dma_start3A_111 = tpu.memref_squeeze %dma_start3A_110 : memref<1x128x128xf32, #tpu.memory_space<vmem>> -> memref<128x128xf32, #tpu.memory_space<vmem>>
        %dma_start3A_112 = arith.constant 0 : i32
        %dma_start3A_113 = tpu.memref_slice %arg9[%mul3A_63, %dma_start3A_112] : memref<40x128xi32, #tpu.memory_space<vmem>> -> memref<1x128xi32, #tpu.memory_space<vmem>>
        %dma_start3A_114 = tpu.memref_squeeze %dma_start3A_113 : memref<1x128xi32, #tpu.memory_space<vmem>> -> memref<128xi32, #tpu.memory_space<vmem>>
        %dma_start3A_115 = arith.constant 0 : i32
        %dma_start3A_116 = arith.constant 0 : i32
        %dma_start3A_117 = tpu.memref_slice %arg7[%dma_start3A_115, %dma_start3A_116] : memref<10240x128xf32, #tpu.memory_space<vmem_shared>> -> memref<10240x128xf32, #tpu.memory_space<vmem_shared>>
        tpu.enqueue_indirect_dma source(%dma_start3A_111 : memref<128x128xf32, #tpu.memory_space<vmem>>) target(%dma_start3A_117 : memref<10240x128xf32, #tpu.memory_space<vmem_shared>>) offsets(%dma_start3A_114 : memref<128xi32, #tpu.memory_space<vmem>>) semaphore(%run_scoped3A_107 : memref<!tpu.dma_semaphore, #tpu.memory_space<semaphore_mem>>) {add = true}
        %dma_wait3A_118 = arith.constant 0 : i32
        %dma_wait3A_119 = arith.constant 0 : i32
        %dma_wait3A_120 = tpu.memref_slice %arg10[%run_scoped3A, %dma_wait3A_118, %dma_wait3A_119] : memref<2x128x128xf32, #tpu.memory_space<vmem>> -> memref<1x128x128xf32, #tpu.memory_space<vmem>>
        %dma_wait3A_121 = tpu.memref_squeeze %dma_wait3A_120 : memref<1x128x128xf32, #tpu.memory_space<vmem>> -> memref<128x128xf32, #tpu.memory_space<vmem>>
        %dma_wait3A_122 = arith.constant 0 : i32
        %dma_wait3A_123 = tpu.memref_slice %arg9[%mul3A_63, %dma_wait3A_122] : memref<40x128xi32, #tpu.memory_space<vmem>> -> memref<1x128xi32, #tpu.memory_space<vmem>>
        %dma_wait3A_124 = tpu.memref_squeeze %dma_wait3A_123 : memref<1x128xi32, #tpu.memory_space<vmem>> -> memref<128xi32, #tpu.memory_space<vmem>>
        %dma_wait3A_125 = arith.constant 0 : i32
        %dma_wait3A_126 = arith.constant 0 : i32
        %dma_wait3A_127 = tpu.memref_slice %arg7[%dma_wait3A_125, %dma_wait3A_126] : memref<10240x128xf32, #tpu.memory_space<vmem_shared>> -> memref<10240x128xf32, #tpu.memory_space<vmem_shared>>
        tpu.wait_indirect_dma semaphore(%run_scoped3A_107 : memref<!tpu.dma_semaphore, #tpu.memory_space<semaphore_mem>>) src(%dma_wait3A_121 : memref<128x128xf32, #tpu.memory_space<vmem>>) dst(%dma_wait3A_127 : memref<10240x128xf32, #tpu.memory_space<vmem_shared>>)
        tpu.yield
      }) : () -> ()
      %add3A_87 = arith.constant 2 : i32
      %add3A_88 = arith.addi %mul3A_63, %add3A_87 : i32
      %lt3A = arith.constant 40 : i32
      %lt3A_89 = arith.cmpi slt, %add3A_88, %lt3A : i32
      %convert_element_type3A = arith.extui %lt3A_89 : i1 to i32
      %cond3A = arith.constant 0 : i32
      %cond3A_90 = arith.cmpi ne, %convert_element_type3A, %cond3A : i32
      scf.if %cond3A_90 {
        %add3A_107 = arith.constant 2 : i32
        %add3A_108 = arith.addi %mul3A_63, %add3A_107 : i32
        %dma_start3A_109 = arith.constant 0 : i32
        %dma_start3A_110 = arith.constant 0 : i32
        %dma_start3A_111 = arith.constant 0 : i32
        %dma_start3A_112 = tpu.memref_slice %arg10[%dma_start3A_109, %dma_start3A_110, %dma_start3A_111] : memref<2x128x128xf32, #tpu.memory_space<vmem>> -> memref<1x128x128xf32, #tpu.memory_space<vmem>>
        %dma_start3A_113 = tpu.memref_squeeze %dma_start3A_112 : memref<1x128x128xf32, #tpu.memory_space<vmem>> -> memref<128x128xf32, #tpu.memory_space<vmem>>
        %dma_start3A_114 = arith.constant 0 : i32
        %dma_start3A_115 = tpu.memref_slice %arg8[%add3A_108, %dma_start3A_114] : memref<40x128xi32, #tpu.memory_space<vmem>> -> memref<1x128xi32, #tpu.memory_space<vmem>>
        %dma_start3A_116 = tpu.memref_squeeze %dma_start3A_115 : memref<1x128xi32, #tpu.memory_space<vmem>> -> memref<128xi32, #tpu.memory_space<vmem>>
        %dma_start3A_117 = arith.constant 0 : i32
        %dma_start3A_118 = arith.constant 0 : i32
        %dma_start3A_119 = tpu.memref_slice %arg2[%dma_start3A_117, %dma_start3A_118] : memref<10000x128xf32, #tpu.memory_space<hbm>> -> memref<10000x128xf32, #tpu.memory_space<hbm>>
        tpu.enqueue_indirect_dma source(%dma_start3A_119 : memref<10000x128xf32, #tpu.memory_space<hbm>>) target(%dma_start3A_113 : memref<128x128xf32, #tpu.memory_space<vmem>>) offsets(%dma_start3A_116 : memref<128xi32, #tpu.memory_space<vmem>>) semaphore(%arg11 : memref<!tpu.dma_semaphore, #tpu.memory_space<semaphore_mem>>)
      } else {
      }
      %add3A_91 = arith.constant 1 : i32
      %add3A_92 = arith.addi %mul3A_63, %add3A_91 : i32
      %dma_wait3A_93 = arith.constant 1 : i32
      %dma_wait3A_94 = arith.constant 0 : i32
      %dma_wait3A_95 = arith.constant 0 : i32
      %dma_wait3A_96 = tpu.memref_slice %arg10[%dma_wait3A_93, %dma_wait3A_94, %dma_wait3A_95] : memref<2x128x128xf32, #tpu.memory_space<vmem>> -> memref<1x128x128xf32, #tpu.memory_space<vmem>>
      %dma_wait3A_97 = tpu.memref_squeeze %dma_wait3A_96 : memref<1x128x128xf32, #tpu.memory_space<vmem>> -> memref<128x128xf32, #tpu.memory_space<vmem>>
      %dma_wait3A_98 = arith.constant 0 : i32
      %dma_wait3A_99 = tpu.memref_slice %arg8[%add3A_92, %dma_wait3A_98] : memref<40x128xi32, #tpu.memory_space<vmem>> -> memref<1x128xi32, #tpu.memory_space<vmem>>
      %dma_wait3A_100 = tpu.memref_squeeze %dma_wait3A_99 : memref<1x128xi32, #tpu.memory_space<vmem>> -> memref<128xi32, #tpu.memory_space<vmem>>
      %dma_wait3A_101 = arith.constant 0 : i32
      %dma_wait3A_102 = arith.constant 0 : i32
      %dma_wait3A_103 = tpu.memref_slice %arg2[%dma_wait3A_101, %dma_wait3A_102] : memref<10000x128xf32, #tpu.memory_space<hbm>> -> memref<10000x128xf32, #tpu.memory_space<hbm>>
      tpu.wait_indirect_dma semaphore(%arg12 : memref<!tpu.dma_semaphore, #tpu.memory_space<semaphore_mem>>) src(%dma_wait3A_103 : memref<10000x128xf32, #tpu.memory_space<hbm>>) dst(%dma_wait3A_97 : memref<128x128xf32, #tpu.memory_space<vmem>>)
      %add3A_104 = arith.constant 1 : i32
      %add3A_105 = arith.addi %mul3A_63, %add3A_104 : i32
      %run_scoped3A_106 = arith.constant 1 : i32
      "tpu.region"() ({
        %run_scoped3A_107 = tpu.sem_alloc : memref<!tpu.dma_semaphore, #tpu.memory_space<semaphore_mem>>
        %dma_start3A_108 = arith.constant 0 : i32
        %dma_start3A_109 = arith.constant 0 : i32
        %dma_start3A_110 = tpu.memref_slice %arg10[%run_scoped3A_106, %dma_start3A_108, %dma_start3A_109] : memref<2x128x128xf32, #tpu.memory_space<vmem>> -> memref<1x128x128xf32, #tpu.memory_space<vmem>>
        %dma_start3A_111 = tpu.memref_squeeze %dma_start3A_110 : memref<1x128x128xf32, #tpu.memory_space<vmem>> -> memref<128x128xf32, #tpu.memory_space<vmem>>
        %dma_start3A_112 = arith.constant 0 : i32
        %dma_start3A_113 = tpu.memref_slice %arg9[%add3A_105, %dma_start3A_112] : memref<40x128xi32, #tpu.memory_space<vmem>> -> memref<1x128xi32, #tpu.memory_space<vmem>>
        %dma_start3A_114 = tpu.memref_squeeze %dma_start3A_113 : memref<1x128xi32, #tpu.memory_space<vmem>> -> memref<128xi32, #tpu.memory_space<vmem>>
        %dma_start3A_115 = arith.constant 0 : i32
        %dma_start3A_116 = arith.constant 0 : i32
        %dma_start3A_117 = tpu.memref_slice %arg7[%dma_start3A_115, %dma_start3A_116] : memref<10240x128xf32, #tpu.memory_space<vmem_shared>> -> memref<10240x128xf32, #tpu.memory_space<vmem_shared>>
        tpu.enqueue_indirect_dma source(%dma_start3A_111 : memref<128x128xf32, #tpu.memory_space<vmem>>) target(%dma_start3A_117 : memref<10240x128xf32, #tpu.memory_space<vmem_shared>>) offsets(%dma_start3A_114 : memref<128xi32, #tpu.memory_space<vmem>>) semaphore(%run_scoped3A_107 : memref<!tpu.dma_semaphore, #tpu.memory_space<semaphore_mem>>) {add = true}
        %dma_wait3A_118 = arith.constant 0 : i32
        %dma_wait3A_119 = arith.constant 0 : i32
        %dma_wait3A_120 = tpu.memref_slice %arg10[%run_scoped3A_106, %dma_wait3A_118, %dma_wait3A_119] : memref<2x128x128xf32, #tpu.memory_space<vmem>> -> memref<1x128x128xf32, #tpu.memory_space<vmem>>
        %dma_wait3A_121 = tpu.memref_squeeze %dma_wait3A_120 : memref<1x128x128xf32, #tpu.memory_space<vmem>> -> memref<128x128xf32, #tpu.memory_space<vmem>>
        %dma_wait3A_122 = arith.constant 0 : i32
        %dma_wait3A_123 = tpu.memref_slice %arg9[%add3A_105, %dma_wait3A_122] : memref<40x128xi32, #tpu.memory_space<vmem>> -> memref<1x128xi32, #tpu.memory_space<vmem>>
        %dma_wait3A_124 = tpu.memref_squeeze %dma_wait3A_123 : memref<1x128xi32, #tpu.memory_space<vmem>> -> memref<128xi32, #tpu.memory_space<vmem>>
        %dma_wait3A_125 = arith.constant 0 : i32
        %dma_wait3A_126 = arith.constant 0 : i32
        %dma_wait3A_127 = tpu.memref_slice %arg7[%dma_wait3A_125, %dma_wait3A_126] : memref<10240x128xf32, #tpu.memory_space<vmem_shared>> -> memref<10240x128xf32, #tpu.memory_space<vmem_shared>>
        tpu.wait_indirect_dma semaphore(%run_scoped3A_107 : memref<!tpu.dma_semaphore, #tpu.memory_space<semaphore_mem>>) src(%dma_wait3A_121 : memref<128x128xf32, #tpu.memory_space<vmem>>) dst(%dma_wait3A_127 : memref<10240x128xf32, #tpu.memory_space<vmem_shared>>)
        tpu.yield
      }) : () -> ()
    }
    %scan3A_26 = arith.constant 20 : i32
    %mul3A_27 = arith.constant 80 : i32
    %mul3A_28 = arith.muli %add3A, %mul3A_27 : i32
    %add3A_29 = arith.constant 40 : i32
    %add3A_30 = arith.addi %mul3A_28, %add3A_29 : i32
    "tpu.region"() ({
      %run_scoped3A = tpu.sem_alloc : memref<!tpu.dma_semaphore, #tpu.memory_space<semaphore_mem>>
      %dma_start3A_61 = arith.constant 0 : i32
      %dma_start3A_62 = tpu.memref_slice %arg3[%add3A_30, %dma_start3A_61] : memref<2560x128xi32, #tpu.memory_space<hbm>> -> memref<40x128xi32, #tpu.memory_space<hbm>>
      %dma_start3A_63 = arith.constant 0 : i32
      %dma_start3A_64 = tpu.memref_slice %arg3[%add3A_30, %dma_start3A_63] : memref<2560x128xi32, #tpu.memory_space<hbm>> -> memref<40x128xi32, #tpu.memory_space<hbm>>
      tpu.enqueue_dma source(%dma_start3A_64 : memref<40x128xi32, #tpu.memory_space<hbm>>) target(%arg8 : memref<40x128xi32, #tpu.memory_space<vmem>>) target_semaphore(%run_scoped3A : memref<!tpu.dma_semaphore, #tpu.memory_space<semaphore_mem>>)
      %dma_wait3A = arith.constant 0 : i32
      %dma_wait3A_65 = tpu.memref_slice %arg3[%add3A_30, %dma_wait3A] : memref<2560x128xi32, #tpu.memory_space<hbm>> -> memref<40x128xi32, #tpu.memory_space<hbm>>
      %dma_wait3A_66 = arith.constant 0 : i32
      %dma_wait3A_67 = tpu.memref_slice %arg3[%add3A_30, %dma_wait3A_66] : memref<2560x128xi32, #tpu.memory_space<hbm>> -> memref<40x128xi32, #tpu.memory_space<hbm>>
      tpu.wait_dma2 semaphore(%run_scoped3A : memref<!tpu.dma_semaphore, #tpu.memory_space<semaphore_mem>>) src(%dma_wait3A_67 : memref<40x128xi32, #tpu.memory_space<hbm>>) dst(%arg8 : memref<40x128xi32, #tpu.memory_space<vmem>>)
      tpu.yield
    }) : () -> ()
    %mul3A_31 = arith.constant 80 : i32
    %mul3A_32 = arith.muli %add3A, %mul3A_31 : i32
    %add3A_33 = arith.constant 40 : i32
    %add3A_34 = arith.addi %mul3A_32, %add3A_33 : i32
    "tpu.region"() ({
      %run_scoped3A = tpu.sem_alloc : memref<!tpu.dma_semaphore, #tpu.memory_space<semaphore_mem>>
      %dma_start3A_61 = arith.constant 0 : i32
      %dma_start3A_62 = tpu.memref_slice %arg4[%add3A_34, %dma_start3A_61] : memref<2560x128xi32, #tpu.memory_space<hbm>> -> memref<40x128xi32, #tpu.memory_space<hbm>>
      %dma_start3A_63 = arith.constant 0 : i32
      %dma_start3A_64 = tpu.memref_slice %arg4[%add3A_34, %dma_start3A_63] : memref<2560x128xi32, #tpu.memory_space<hbm>> -> memref<40x128xi32, #tpu.memory_space<hbm>>
      tpu.enqueue_dma source(%dma_start3A_64 : memref<40x128xi32, #tpu.memory_space<hbm>>) target(%arg9 : memref<40x128xi32, #tpu.memory_space<vmem>>) target_semaphore(%run_scoped3A : memref<!tpu.dma_semaphore, #tpu.memory_space<semaphore_mem>>)
      %dma_wait3A = arith.constant 0 : i32
      %dma_wait3A_65 = tpu.memref_slice %arg4[%add3A_34, %dma_wait3A] : memref<2560x128xi32, #tpu.memory_space<hbm>> -> memref<40x128xi32, #tpu.memory_space<hbm>>
      %dma_wait3A_66 = arith.constant 0 : i32
      %dma_wait3A_67 = tpu.memref_slice %arg4[%add3A_34, %dma_wait3A_66] : memref<2560x128xi32, #tpu.memory_space<hbm>> -> memref<40x128xi32, #tpu.memory_space<hbm>>
      tpu.wait_dma2 semaphore(%run_scoped3A : memref<!tpu.dma_semaphore, #tpu.memory_space<semaphore_mem>>) src(%dma_wait3A_67 : memref<40x128xi32, #tpu.memory_space<hbm>>) dst(%arg9 : memref<40x128xi32, #tpu.memory_space<vmem>>)
      tpu.yield
    }) : () -> ()
    %dma_start3A_35 = arith.constant 0 : i32
    %dma_start3A_36 = arith.constant 0 : i32
    %dma_start3A_37 = arith.constant 0 : i32
    %dma_start3A_38 = arith.constant 0 : i32
    %dma_start3A_39 = tpu.memref_slice %arg10[%dma_start3A_36, %dma_start3A_37, %dma_start3A_38] : memref<2x128x128xf32, #tpu.memory_space<vmem>> -> memref<1x128x128xf32, #tpu.memory_space<vmem>>
    %dma_start3A_40 = tpu.memref_squeeze %dma_start3A_39 : memref<1x128x128xf32, #tpu.memory_space<vmem>> -> memref<128x128xf32, #tpu.memory_space<vmem>>
    %dma_start3A_41 = arith.constant 0 : i32
    %dma_start3A_42 = tpu.memref_slice %arg8[%dma_start3A_35, %dma_start3A_41] : memref<40x128xi32, #tpu.memory_space<vmem>> -> memref<1x128xi32, #tpu.memory_space<vmem>>
    %dma_start3A_43 = tpu.memref_squeeze %dma_start3A_42 : memref<1x128xi32, #tpu.memory_space<vmem>> -> memref<128xi32, #tpu.memory_space<vmem>>
    %dma_start3A_44 = arith.constant 0 : i32
    %dma_start3A_45 = arith.constant 0 : i32
    %dma_start3A_46 = tpu.memref_slice %arg2[%dma_start3A_44, %dma_start3A_45] : memref<10000x128xf32, #tpu.memory_space<hbm>> -> memref<10000x128xf32, #tpu.memory_space<hbm>>
    tpu.enqueue_indirect_dma source(%dma_start3A_46 : memref<10000x128xf32, #tpu.memory_space<hbm>>) target(%dma_start3A_40 : memref<128x128xf32, #tpu.memory_space<vmem>>) offsets(%dma_start3A_43 : memref<128xi32, #tpu.memory_space<vmem>>) semaphore(%arg11 : memref<!tpu.dma_semaphore, #tpu.memory_space<semaphore_mem>>)
    %scan3A_47 = arith.constant 0 : i32
    %scan3A_48 = arith.constant 0 : i32
    %scan3A_49 = arith.constant 20 : i32
    %scan3A_50 = arith.addi %scan3A_48, %scan3A_49 : i32
    %scan3A_51 = arith.constant 1 : i32
    scf.for %scan3A_61 = %scan3A_48 to %scan3A_50 step %scan3A_51  : i32 {
      %mul3A_62 = arith.constant 2 : i32
      %mul3A_63 = arith.muli %scan3A_61, %mul3A_62 : i32
      %add3A_64 = arith.constant 1 : i32
      %add3A_65 = arith.addi %mul3A_63, %add3A_64 : i32
      %dma_start3A_66 = arith.constant 1 : i32
      %dma_start3A_67 = arith.constant 0 : i32
      %dma_start3A_68 = arith.constant 0 : i32
      %dma_start3A_69 = tpu.memref_slice %arg10[%dma_start3A_66, %dma_start3A_67, %dma_start3A_68] : memref<2x128x128xf32, #tpu.memory_space<vmem>> -> memref<1x128x128xf32, #tpu.memory_space<vmem>>
      %dma_start3A_70 = tpu.memref_squeeze %dma_start3A_69 : memref<1x128x128xf32, #tpu.memory_space<vmem>> -> memref<128x128xf32, #tpu.memory_space<vmem>>
      %dma_start3A_71 = arith.constant 0 : i32
      %dma_start3A_72 = tpu.memref_slice %arg8[%add3A_65, %dma_start3A_71] : memref<40x128xi32, #tpu.memory_space<vmem>> -> memref<1x128xi32, #tpu.memory_space<vmem>>
      %dma_start3A_73 = tpu.memref_squeeze %dma_start3A_72 : memref<1x128xi32, #tpu.memory_space<vmem>> -> memref<128xi32, #tpu.memory_space<vmem>>
      %dma_start3A_74 = arith.constant 0 : i32
      %dma_start3A_75 = arith.constant 0 : i32
      %dma_start3A_76 = tpu.memref_slice %arg2[%dma_start3A_74, %dma_start3A_75] : memref<10000x128xf32, #tpu.memory_space<hbm>> -> memref<10000x128xf32, #tpu.memory_space<hbm>>
      tpu.enqueue_indirect_dma source(%dma_start3A_76 : memref<10000x128xf32, #tpu.memory_space<hbm>>) target(%dma_start3A_70 : memref<128x128xf32, #tpu.memory_space<vmem>>) offsets(%dma_start3A_73 : memref<128xi32, #tpu.memory_space<vmem>>) semaphore(%arg12 : memref<!tpu.dma_semaphore, #tpu.memory_space<semaphore_mem>>)
      %dma_wait3A = arith.constant 0 : i32
      %dma_wait3A_77 = arith.constant 0 : i32
      %dma_wait3A_78 = arith.constant 0 : i32
      %dma_wait3A_79 = tpu.memref_slice %arg10[%dma_wait3A, %dma_wait3A_77, %dma_wait3A_78] : memref<2x128x128xf32, #tpu.memory_space<vmem>> -> memref<1x128x128xf32, #tpu.memory_space<vmem>>
      %dma_wait3A_80 = tpu.memref_squeeze %dma_wait3A_79 : memref<1x128x128xf32, #tpu.memory_space<vmem>> -> memref<128x128xf32, #tpu.memory_space<vmem>>
      %dma_wait3A_81 = arith.constant 0 : i32
      %dma_wait3A_82 = tpu.memref_slice %arg8[%mul3A_63, %dma_wait3A_81] : memref<40x128xi32, #tpu.memory_space<vmem>> -> memref<1x128xi32, #tpu.memory_space<vmem>>
      %dma_wait3A_83 = tpu.memref_squeeze %dma_wait3A_82 : memref<1x128xi32, #tpu.memory_space<vmem>> -> memref<128xi32, #tpu.memory_space<vmem>>
      %dma_wait3A_84 = arith.constant 0 : i32
      %dma_wait3A_85 = arith.constant 0 : i32
      %dma_wait3A_86 = tpu.memref_slice %arg2[%dma_wait3A_84, %dma_wait3A_85] : memref<10000x128xf32, #tpu.memory_space<hbm>> -> memref<10000x128xf32, #tpu.memory_space<hbm>>
      tpu.wait_indirect_dma semaphore(%arg11 : memref<!tpu.dma_semaphore, #tpu.memory_space<semaphore_mem>>) src(%dma_wait3A_86 : memref<10000x128xf32, #tpu.memory_space<hbm>>) dst(%dma_wait3A_80 : memref<128x128xf32, #tpu.memory_space<vmem>>)
      %run_scoped3A = arith.constant 0 : i32
      "tpu.region"() ({
        %run_scoped3A_107 = tpu.sem_alloc : memref<!tpu.dma_semaphore, #tpu.memory_space<semaphore_mem>>
        %dma_start3A_108 = arith.constant 0 : i32
        %dma_start3A_109 = arith.constant 0 : i32
        %dma_start3A_110 = tpu.memref_slice %arg10[%run_scoped3A, %dma_start3A_108, %dma_start3A_109] : memref<2x128x128xf32, #tpu.memory_space<vmem>> -> memref<1x128x128xf32, #tpu.memory_space<vmem>>
        %dma_start3A_111 = tpu.memref_squeeze %dma_start3A_110 : memref<1x128x128xf32, #tpu.memory_space<vmem>> -> memref<128x128xf32, #tpu.memory_space<vmem>>
        %dma_start3A_112 = arith.constant 0 : i32
        %dma_start3A_113 = tpu.memref_slice %arg9[%mul3A_63, %dma_start3A_112] : memref<40x128xi32, #tpu.memory_space<vmem>> -> memref<1x128xi32, #tpu.memory_space<vmem>>
        %dma_start3A_114 = tpu.memref_squeeze %dma_start3A_113 : memref<1x128xi32, #tpu.memory_space<vmem>> -> memref<128xi32, #tpu.memory_space<vmem>>
        %dma_start3A_115 = arith.constant 0 : i32
        %dma_start3A_116 = arith.constant 0 : i32
        %dma_start3A_117 = tpu.memref_slice %arg7[%dma_start3A_115, %dma_start3A_116] : memref<10240x128xf32, #tpu.memory_space<vmem_shared>> -> memref<10240x128xf32, #tpu.memory_space<vmem_shared>>
        tpu.enqueue_indirect_dma source(%dma_start3A_111 : memref<128x128xf32, #tpu.memory_space<vmem>>) target(%dma_start3A_117 : memref<10240x128xf32, #tpu.memory_space<vmem_shared>>) offsets(%dma_start3A_114 : memref<128xi32, #tpu.memory_space<vmem>>) semaphore(%run_scoped3A_107 : memref<!tpu.dma_semaphore, #tpu.memory_space<semaphore_mem>>) {add = true}
        %dma_wait3A_118 = arith.constant 0 : i32
        %dma_wait3A_119 = arith.constant 0 : i32
        %dma_wait3A_120 = tpu.memref_slice %arg10[%run_scoped3A, %dma_wait3A_118, %dma_wait3A_119] : memref<2x128x128xf32, #tpu.memory_space<vmem>> -> memref<1x128x128xf32, #tpu.memory_space<vmem>>
        %dma_wait3A_121 = tpu.memref_squeeze %dma_wait3A_120 : memref<1x128x128xf32, #tpu.memory_space<vmem>> -> memref<128x128xf32, #tpu.memory_space<vmem>>
        %dma_wait3A_122 = arith.constant 0 : i32
        %dma_wait3A_123 = tpu.memref_slice %arg9[%mul3A_63, %dma_wait3A_122] : memref<40x128xi32, #tpu.memory_space<vmem>> -> memref<1x128xi32, #tpu.memory_space<vmem>>
        %dma_wait3A_124 = tpu.memref_squeeze %dma_wait3A_123 : memref<1x128xi32, #tpu.memory_space<vmem>> -> memref<128xi32, #tpu.memory_space<vmem>>
        %dma_wait3A_125 = arith.constant 0 : i32
        %dma_wait3A_126 = arith.constant 0 : i32
        %dma_wait3A_127 = tpu.memref_slice %arg7[%dma_wait3A_125, %dma_wait3A_126] : memref<10240x128xf32, #tpu.memory_space<vmem_shared>> -> memref<10240x128xf32, #tpu.memory_space<vmem_shared>>
        tpu.wait_indirect_dma semaphore(%run_scoped3A_107 : memref<!tpu.dma_semaphore, #tpu.memory_space<semaphore_mem>>) src(%dma_wait3A_121 : memref<128x128xf32, #tpu.memory_space<vmem>>) dst(%dma_wait3A_127 : memref<10240x128xf32, #tpu.memory_space<vmem_shared>>)
        tpu.yield
      }) : () -> ()
      %add3A_87 = arith.constant 2 : i32
      %add3A_88 = arith.addi %mul3A_63, %add3A_87 : i32
      %lt3A = arith.constant 40 : i32
      %lt3A_89 = arith.cmpi slt, %add3A_88, %lt3A : i32
      %convert_element_type3A = arith.extui %lt3A_89 : i1 to i32
      %cond3A = arith.constant 0 : i32
      %cond3A_90 = arith.cmpi ne, %convert_element_type3A, %cond3A : i32
      scf.if %cond3A_90 {
        %add3A_107 = arith.constant 2 : i32
        %add3A_108 = arith.addi %mul3A_63, %add3A_107 : i32
        %dma_start3A_109 = arith.constant 0 : i32
        %dma_start3A_110 = arith.constant 0 : i32
        %dma_start3A_111 = arith.constant 0 : i32
        %dma_start3A_112 = tpu.memref_slice %arg10[%dma_start3A_109, %dma_start3A_110, %dma_start3A_111] : memref<2x128x128xf32, #tpu.memory_space<vmem>> -> memref<1x128x128xf32, #tpu.memory_space<vmem>>
        %dma_start3A_113 = tpu.memref_squeeze %dma_start3A_112 : memref<1x128x128xf32, #tpu.memory_space<vmem>> -> memref<128x128xf32, #tpu.memory_space<vmem>>
        %dma_start3A_114 = arith.constant 0 : i32
        %dma_start3A_115 = tpu.memref_slice %arg8[%add3A_108, %dma_start3A_114] : memref<40x128xi32, #tpu.memory_space<vmem>> -> memref<1x128xi32, #tpu.memory_space<vmem>>
        %dma_start3A_116 = tpu.memref_squeeze %dma_start3A_115 : memref<1x128xi32, #tpu.memory_space<vmem>> -> memref<128xi32, #tpu.memory_space<vmem>>
        %dma_start3A_117 = arith.constant 0 : i32
        %dma_start3A_118 = arith.constant 0 : i32
        %dma_start3A_119 = tpu.memref_slice %arg2[%dma_start3A_117, %dma_start3A_118] : memref<10000x128xf32, #tpu.memory_space<hbm>> -> memref<10000x128xf32, #tpu.memory_space<hbm>>
        tpu.enqueue_indirect_dma source(%dma_start3A_119 : memref<10000x128xf32, #tpu.memory_space<hbm>>) target(%dma_start3A_113 : memref<128x128xf32, #tpu.memory_space<vmem>>) offsets(%dma_start3A_116 : memref<128xi32, #tpu.memory_space<vmem>>) semaphore(%arg11 : memref<!tpu.dma_semaphore, #tpu.memory_space<semaphore_mem>>)
      } else {
      }
      %add3A_91 = arith.constant 1 : i32
      %add3A_92 = arith.addi %mul3A_63, %add3A_91 : i32
      %dma_wait3A_93 = arith.constant 1 : i32
      %dma_wait3A_94 = arith.constant 0 : i32
      %dma_wait3A_95 = arith.constant 0 : i32
      %dma_wait3A_96 = tpu.memref_slice %arg10[%dma_wait3A_93, %dma_wait3A_94, %dma_wait3A_95] : memref<2x128x128xf32, #tpu.memory_space<vmem>> -> memref<1x128x128xf32, #tpu.memory_space<vmem>>
      %dma_wait3A_97 = tpu.memref_squeeze %dma_wait3A_96 : memref<1x128x128xf32, #tpu.memory_space<vmem>> -> memref<128x128xf32, #tpu.memory_space<vmem>>
      %dma_wait3A_98 = arith.constant 0 : i32
      %dma_wait3A_99 = tpu.memref_slice %arg8[%add3A_92, %dma_wait3A_98] : memref<40x128xi32, #tpu.memory_space<vmem>> -> memref<1x128xi32, #tpu.memory_space<vmem>>
      %dma_wait3A_100 = tpu.memref_squeeze %dma_wait3A_99 : memref<1x128xi32, #tpu.memory_space<vmem>> -> memref<128xi32, #tpu.memory_space<vmem>>
      %dma_wait3A_101 = arith.constant 0 : i32
      %dma_wait3A_102 = arith.constant 0 : i32
      %dma_wait3A_103 = tpu.memref_slice %arg2[%dma_wait3A_101, %dma_wait3A_102] : memref<10000x128xf32, #tpu.memory_space<hbm>> -> memref<10000x128xf32, #tpu.memory_space<hbm>>
      tpu.wait_indirect_dma semaphore(%arg12 : memref<!tpu.dma_semaphore, #tpu.memory_space<semaphore_mem>>) src(%dma_wait3A_103 : memref<10000x128xf32, #tpu.memory_space<hbm>>) dst(%dma_wait3A_97 : memref<128x128xf32, #tpu.memory_space<vmem>>)
      %add3A_104 = arith.constant 1 : i32
      %add3A_105 = arith.addi %mul3A_63, %add3A_104 : i32
      %run_scoped3A_106 = arith.constant 1 : i32
      "tpu.region"() ({
        %run_scoped3A_107 = tpu.sem_alloc : memref<!tpu.dma_semaphore, #tpu.memory_space<semaphore_mem>>
        %dma_start3A_108 = arith.constant 0 : i32
        %dma_start3A_109 = arith.constant 0 : i32
        %dma_start3A_110 = tpu.memref_slice %arg10[%run_scoped3A_106, %dma_start3A_108, %dma_start3A_109] : memref<2x128x128xf32, #tpu.memory_space<vmem>> -> memref<1x128x128xf32, #tpu.memory_space<vmem>>
        %dma_start3A_111 = tpu.memref_squeeze %dma_start3A_110 : memref<1x128x128xf32, #tpu.memory_space<vmem>> -> memref<128x128xf32, #tpu.memory_space<vmem>>
        %dma_start3A_112 = arith.constant 0 : i32
        %dma_start3A_113 = tpu.memref_slice %arg9[%add3A_105, %dma_start3A_112] : memref<40x128xi32, #tpu.memory_space<vmem>> -> memref<1x128xi32, #tpu.memory_space<vmem>>
        %dma_start3A_114 = tpu.memref_squeeze %dma_start3A_113 : memref<1x128xi32, #tpu.memory_space<vmem>> -> memref<128xi32, #tpu.memory_space<vmem>>
        %dma_start3A_115 = arith.constant 0 : i32
        %dma_start3A_116 = arith.constant 0 : i32
        %dma_start3A_117 = tpu.memref_slice %arg7[%dma_start3A_115, %dma_start3A_116] : memref<10240x128xf32, #tpu.memory_space<vmem_shared>> -> memref<10240x128xf32, #tpu.memory_space<vmem_shared>>
        tpu.enqueue_indirect_dma source(%dma_start3A_111 : memref<128x128xf32, #tpu.memory_space<vmem>>) target(%dma_start3A_117 : memref<10240x128xf32, #tpu.memory_space<vmem_shared>>) offsets(%dma_start3A_114 : memref<128xi32, #tpu.memory_space<vmem>>) semaphore(%run_scoped3A_107 : memref<!tpu.dma_semaphore, #tpu.memory_space<semaphore_mem>>) {add = true}
        %dma_wait3A_118 = arith.constant 0 : i32
        %dma_wait3A_119 = arith.constant 0 : i32
        %dma_wait3A_120 = tpu.memref_slice %arg10[%run_scoped3A_106, %dma_wait3A_118, %dma_wait3A_119] : memref<2x128x128xf32, #tpu.memory_space<vmem>> -> memref<1x128x128xf32, #tpu.memory_space<vmem>>
        %dma_wait3A_121 = tpu.memref_squeeze %dma_wait3A_120 : memref<1x128x128xf32, #tpu.memory_space<vmem>> -> memref<128x128xf32, #tpu.memory_space<vmem>>
        %dma_wait3A_122 = arith.constant 0 : i32
        %dma_wait3A_123 = tpu.memref_slice %arg9[%add3A_105, %dma_wait3A_122] : memref<40x128xi32, #tpu.memory_space<vmem>> -> memref<1x128xi32, #tpu.memory_space<vmem>>
        %dma_wait3A_124 = tpu.memref_squeeze %dma_wait3A_123 : memref<1x128xi32, #tpu.memory_space<vmem>> -> memref<128xi32, #tpu.memory_space<vmem>>
        %dma_wait3A_125 = arith.constant 0 : i32
        %dma_wait3A_126 = arith.constant 0 : i32
        %dma_wait3A_127 = tpu.memref_slice %arg7[%dma_wait3A_125, %dma_wait3A_126] : memref<10240x128xf32, #tpu.memory_space<vmem_shared>> -> memref<10240x128xf32, #tpu.memory_space<vmem_shared>>
        tpu.wait_indirect_dma semaphore(%run_scoped3A_107 : memref<!tpu.dma_semaphore, #tpu.memory_space<semaphore_mem>>) src(%dma_wait3A_121 : memref<128x128xf32, #tpu.memory_space<vmem>>) dst(%dma_wait3A_127 : memref<10240x128xf32, #tpu.memory_space<vmem_shared>>)
        tpu.yield
      }) : () -> ()
    }
    %scan3A_52 = arith.constant 20 : i32
    %barrier3A_53 = arith.constant 0 : index
    tpu.barrier barrier_id(%barrier3A_53)
    %mul3A_54 = arith.constant 640 : i32
    %mul3A_55 = arith.muli %arg1, %mul3A_54 : i32
    %mul3A_56 = arith.constant 10240 : i32
    %mul3A_57 = arith.muli %arg0, %mul3A_56 : i32
    %mul3A_58 = arith.constant 640 : i32
    %mul3A_59 = arith.muli %arg1, %mul3A_58 : i32
    %add3A_60 = arith.addi %mul3A_57, %mul3A_59 : i32
    "tpu.region"() ({
      %run_scoped3A = tpu.sem_alloc : memref<!tpu.dma_semaphore, #tpu.memory_space<semaphore_mem>>
      %dma_start3A_61 = arith.constant 0 : i32
      %dma_start3A_62 = tpu.memref_slice %arg6[%add3A_60, %dma_start3A_61] : memref<20480x128xf32, #tpu.memory_space<hbm>> -> memref<640x128xf32, #tpu.memory_space<hbm>>
      %dma_start3A_63 = arith.constant 0 : i32
      %dma_start3A_64 = tpu.memref_slice %arg7[%mul3A_55, %dma_start3A_63] : memref<10240x128xf32, #tpu.memory_space<vmem_shared>> -> memref<640x128xf32, #tpu.memory_space<vmem_shared>>
      tpu.enqueue_dma source(%dma_start3A_64 : memref<640x128xf32, #tpu.memory_space<vmem_shared>>) target(%dma_start3A_62 : memref<640x128xf32, #tpu.memory_space<hbm>>) target_semaphore(%run_scoped3A : memref<!tpu.dma_semaphore, #tpu.memory_space<semaphore_mem>>)
      %dma_wait3A = arith.constant 0 : i32
      %dma_wait3A_65 = tpu.memref_slice %arg6[%add3A_60, %dma_wait3A] : memref<20480x128xf32, #tpu.memory_space<hbm>> -> memref<640x128xf32, #tpu.memory_space<hbm>>
      %dma_wait3A_66 = arith.constant 0 : i32
      %dma_wait3A_67 = tpu.memref_slice %arg7[%mul3A_55, %dma_wait3A_66] : memref<10240x128xf32, #tpu.memory_space<vmem_shared>> -> memref<640x128xf32, #tpu.memory_space<vmem_shared>>
      tpu.wait_dma2 semaphore(%run_scoped3A : memref<!tpu.dma_semaphore, #tpu.memory_space<semaphore_mem>>) src(%dma_wait3A_67 : memref<640x128xf32, #tpu.memory_space<vmem_shared>>) dst(%dma_wait3A_65 : memref<640x128xf32, #tpu.memory_space<hbm>>)
      tpu.yield
    }) : () -> ()
    return
  }
}

module attributes {stable_mosaic.version = 14 : i64} {
  func.func @_mlp_body(%arg0: i32, %arg1: memref<2000x128xf32, #tpu.memory_space<vmem>>, %arg2: memref<2x2000x128xf32, #tpu.memory_space<vmem>>, %arg3: memref<1x1x2000xi32, #tpu.memory_space<vmem>>, %arg4: memref<128x128xf32, #tpu.memory_space<vmem>>, %arg5: memref<1x128xf32, #tpu.memory_space<vmem>>, %arg6: memref<1x128xf32, #tpu.memory_space<vmem>>, %arg7: memref<1x128xf32, #tpu.memory_space<vmem>>, %arg8: memref<128x128xf32, #tpu.memory_space<vmem>>, %arg9: memref<1x128xf32, #tpu.memory_space<vmem>>, %arg10: memref<1x128xf32, #tpu.memory_space<vmem>>, %arg11: memref<1x128xf32, #tpu.memory_space<vmem>>, %arg12: memref<2000x128xf32, #tpu.memory_space<vmem>>, %arg13: memref<512x128xf32, #tpu.memory_space<vmem>>, %arg14: memref<512x128xf32, #tpu.memory_space<vmem>>) attributes {dimension_semantics = [#tpu.dimension_semantics<arbitrary>], iteration_bounds = array<i64: 5>, scalar_prefetch = 0 : i64, scratch_operands = 0 : i64, tpu.core_type = #tpu.core_type<tc>, window_params = [{transform_indices = @transform_0, window_bounds = array<i64: 2000, 128>}, {transform_indices = @transform_1, window_bounds = array<i64: 2, 2000, 128>}, {transform_indices = @transform_2, window_bounds = array<i64: 1, 1, 2000>}, {pipeline_mode = #tpu.pipeline_mode<synchronous>, transform_indices = @transform_3, window_bounds = array<i64: 128, 128>}, {pipeline_mode = #tpu.pipeline_mode<synchronous>, transform_indices = @transform_4, window_bounds = array<i64: 1, 128>}, {pipeline_mode = #tpu.pipeline_mode<synchronous>, transform_indices = @transform_5, window_bounds = array<i64: 1, 128>}, {pipeline_mode = #tpu.pipeline_mode<synchronous>, transform_indices = @transform_6, window_bounds = array<i64: 1, 128>}, {pipeline_mode = #tpu.pipeline_mode<synchronous>, transform_indices = @transform_7, window_bounds = array<i64: 128, 128>}, {pipeline_mode = #tpu.pipeline_mode<synchronous>, transform_indices = @transform_8, window_bounds = array<i64: 1, 128>}, {pipeline_mode = #tpu.pipeline_mode<synchronous>, transform_indices = @transform_9, window_bounds = array<i64: 1, 128>}, {pipeline_mode = #tpu.pipeline_mode<synchronous>, transform_indices = @transform_10, window_bounds = array<i64: 1, 128>}, {transform_indices = @transform_11, window_bounds = array<i64: 2000, 128>}, {pipeline_mode = #tpu.pipeline_mode<synchronous>, transform_indices = @transform_12, window_bounds = array<i64: 512, 128>}, {pipeline_mode = #tpu.pipeline_mode<synchronous>, transform_indices = @transform_13, window_bounds = array<i64: 512, 128>}]} {
    %get3A = arith.constant 0 : index
    %get3A_0 = arith.constant 0 : index
    %get3A_1 = vector.load %arg1[%get3A, %get3A_0] : memref<2000x128xf32, #tpu.memory_space<vmem>>, vector<2000x128xf32>
    %get3A_2 = arith.constant 0 : index
    %get3A_3 = arith.constant 0 : index
    %get3A_4 = arith.constant 0 : index
    %get3A_5 = vector.load %arg2[%get3A_2, %get3A_3, %get3A_4] : memref<2x2000x128xf32, #tpu.memory_space<vmem>>, vector<1x2000x128xf32>
    %get3A_6 = vector.shape_cast %get3A_5 : vector<1x2000x128xf32> to vector<2000x128xf32>
    %add3A = arith.addf %get3A_1, %get3A_6 : vector<2000x128xf32>
    %get3A_7 = arith.constant 1 : index
    %get3A_8 = arith.constant 0 : index
    %get3A_9 = arith.constant 0 : index
    %get3A_10 = vector.load %arg2[%get3A_7, %get3A_8, %get3A_9] : memref<2x2000x128xf32, #tpu.memory_space<vmem>>, vector<1x2000x128xf32>
    %get3A_11 = vector.shape_cast %get3A_10 : vector<1x2000x128xf32> to vector<2000x128xf32>
    %add3A_12 = arith.addf %add3A, %get3A_11 : vector<2000x128xf32>
    %get3A_13 = arith.constant 0 : index
    %get3A_14 = arith.constant 0 : index
    %get3A_15 = vector.load %arg4[%get3A_13, %get3A_14] : memref<128x128xf32, #tpu.memory_space<vmem>>, vector<128x128xf32>
    %dot_general3A = arith.constant dense<0.000000e+00> : vector<2000x128xf32>
    %dot_general3A_16 = tpu.matmul %add3A_12, %get3A_15, %dot_general3A {dimension_numbers = #tpu.dot_dimension_numbers<[1], [0], [0], [1], [0, 0, 1, 1], [], []>, transpose_lhs_hint = false} : vector<2000x128xf32>, vector<128x128xf32>, vector<2000x128xf32> -> vector<2000x128xf32>
    %get3A_17 = arith.constant 0 : index
    %get3A_18 = arith.constant 0 : index
    %get3A_19 = vector.load %arg5[%get3A_17, %get3A_18] : memref<1x128xf32, #tpu.memory_space<vmem>>, vector<1x128xf32>
    %add3A_20 = vector.broadcast %get3A_19 : vector<1x128xf32> to vector<2000x128xf32>
    %add3A_21 = arith.addf %dot_general3A_16, %add3A_20 : vector<2000x128xf32>
    %get3A_22 = arith.constant 0 : index
    %get3A_23 = arith.constant 0 : index
    %get3A_24 = vector.load %arg6[%get3A_22, %get3A_23] : memref<1x128xf32, #tpu.memory_space<vmem>>, vector<1x128xf32>
    %mul3A = vector.broadcast %get3A_24 : vector<1x128xf32> to vector<2000x128xf32>
    %mul3A_25 = arith.mulf %add3A_21, %mul3A : vector<2000x128xf32>
    %get3A_26 = arith.constant 0 : index
    %get3A_27 = arith.constant 0 : index
    %get3A_28 = vector.load %arg7[%get3A_26, %get3A_27] : memref<1x128xf32, #tpu.memory_space<vmem>>, vector<1x128xf32>
    %add3A_29 = vector.broadcast %get3A_28 : vector<1x128xf32> to vector<2000x128xf32>
    %add3A_30 = arith.addf %mul3A_25, %add3A_29 : vector<2000x128xf32>
    %max3A = arith.constant 0.000000e+00 : f32
    %max3A_31 = vector.broadcast %max3A : f32 to vector<2000x128xf32>
    %max3A_32 = arith.maximumf %add3A_30, %max3A_31 : vector<2000x128xf32>
    %get3A_33 = arith.constant 0 : index
    %get3A_34 = arith.constant 0 : index
    %get3A_35 = vector.load %arg8[%get3A_33, %get3A_34] : memref<128x128xf32, #tpu.memory_space<vmem>>, vector<128x128xf32>
    %dot_general3A_36 = arith.constant dense<0.000000e+00> : vector<2000x128xf32>
    %dot_general3A_37 = tpu.matmul %max3A_32, %get3A_35, %dot_general3A_36 {dimension_numbers = #tpu.dot_dimension_numbers<[1], [0], [0], [1], [0, 0, 1, 1], [], []>, transpose_lhs_hint = false} : vector<2000x128xf32>, vector<128x128xf32>, vector<2000x128xf32> -> vector<2000x128xf32>
    %get3A_38 = arith.constant 0 : index
    %get3A_39 = arith.constant 0 : index
    %get3A_40 = vector.load %arg9[%get3A_38, %get3A_39] : memref<1x128xf32, #tpu.memory_space<vmem>>, vector<1x128xf32>
    %add3A_41 = vector.broadcast %get3A_40 : vector<1x128xf32> to vector<2000x128xf32>
    %add3A_42 = arith.addf %dot_general3A_37, %add3A_41 : vector<2000x128xf32>
    %get3A_43 = arith.constant 0 : index
    %get3A_44 = arith.constant 0 : index
    %get3A_45 = vector.load %arg10[%get3A_43, %get3A_44] : memref<1x128xf32, #tpu.memory_space<vmem>>, vector<1x128xf32>
    %mul3A_46 = vector.broadcast %get3A_45 : vector<1x128xf32> to vector<2000x128xf32>
    %mul3A_47 = arith.mulf %add3A_42, %mul3A_46 : vector<2000x128xf32>
    %get3A_48 = arith.constant 0 : index
    %get3A_49 = arith.constant 0 : index
    %get3A_50 = vector.load %arg11[%get3A_48, %get3A_49] : memref<1x128xf32, #tpu.memory_space<vmem>>, vector<1x128xf32>
    %add3A_51 = vector.broadcast %get3A_50 : vector<1x128xf32> to vector<2000x128xf32>
    %add3A_52 = arith.addf %mul3A_47, %add3A_51 : vector<2000x128xf32>
    %max3A_53 = arith.constant 0.000000e+00 : f32
    %max3A_54 = vector.broadcast %max3A_53 : f32 to vector<2000x128xf32>
    %max3A_55 = arith.maximumf %add3A_52, %max3A_54 : vector<2000x128xf32>
    %swap3A = arith.constant 0 : index
    %swap3A_56 = arith.constant 0 : index
    %swap3A_57 = vector.load %arg12[%swap3A, %swap3A_56] : memref<2000x128xf32, #tpu.memory_space<vmem>>, vector<2000x128xf32>
    tpu.vector_store %arg12[%swap3A, %swap3A_56], %max3A_55 {strides = array<i32>} : memref<2000x128xf32, #tpu.memory_space<vmem>>, vector<2000x128xf32>,
    %get3A_58 = arith.constant 0 : index
    %get3A_59 = arith.constant 0 : index
    %get3A_60 = arith.constant 0 : index
    %get3A_61 = vector.load %arg3[%get3A_58, %get3A_59, %get3A_60] : memref<1x1x2000xi32, #tpu.memory_space<vmem>>, vector<1x1x2000xi32>
    %get3A_62 = vector.shape_cast %get3A_61 : vector<1x1x2000xi32> to vector<2000xi32>
    %broadcast_in_dim3A = vector.shape_cast %get3A_62 : vector<2000xi32> to vector<2000x1xi32>
    %iota3A = tpu.iota {dimensions = array<i32: 1>} : vector<2000x512xi32>
    %eq3A = vector.broadcast %broadcast_in_dim3A : vector<2000x1xi32> to vector<2000x512xi32>
    %eq3A_63 = arith.cmpi eq, %eq3A, %iota3A : vector<2000x512xi32>
    %convert_element_type3A = arith.extui %eq3A_63 : vector<2000x512xi1> to vector<2000x512xi32>
    %convert_element_type3A_64 = arith.sitofp %convert_element_type3A : vector<2000x512xi32> to vector<2000x512xf32>
    %dot_general3A_65 = arith.constant dense<0.000000e+00> : vector<512x128xf32>
    %dot_general3A_66 = tpu.matmul %convert_element_type3A_64, %max3A_55, %dot_general3A_65 {dimension_numbers = #tpu.dot_dimension_numbers<[0], [0], [1], [1], [0, 1, 1, 1], [], []>, precision = #tpu.contract_precision<fp32>, transpose_lhs_hint = false} : vector<2000x512xf32>, vector<2000x128xf32>, vector<512x128xf32> -> vector<512x128xf32>
    %dot_general3A_67 = arith.constant dense<0.000000e+00> : vector<512x128xf32>
    %dot_general3A_68 = tpu.matmul %convert_element_type3A_64, %get3A_1, %dot_general3A_67 {dimension_numbers = #tpu.dot_dimension_numbers<[0], [0], [1], [1], [0, 1, 1, 1], [], []>, precision = #tpu.contract_precision<fp32>, transpose_lhs_hint = false} : vector<2000x512xf32>, vector<2000x128xf32>, vector<512x128xf32> -> vector<512x128xf32>
    %eq3A_69 = arith.constant 0 : i32
    %eq3A_70 = arith.cmpi eq, %arg0, %eq3A_69 : i32
    %convert_element_type3A_71 = arith.extui %eq3A_70 : i1 to i32
    %cond3A = arith.constant 0 : i32
    %cond3A_72 = arith.cmpi ne, %convert_element_type3A_71, %cond3A : i32
    scf.if %cond3A_72 {
      %swap3A_77 = arith.constant 0 : index
      %swap3A_78 = arith.constant 0 : index
      %swap3A_79 = vector.load %arg13[%swap3A_77, %swap3A_78] : memref<512x128xf32, #tpu.memory_space<vmem>>, vector<512x128xf32>
      tpu.vector_store %arg13[%swap3A_77, %swap3A_78], %dot_general3A_68 {strides = array<i32>} : memref<512x128xf32, #tpu.memory_space<vmem>>, vector<512x128xf32>,
      %swap3A_80 = arith.constant 0 : index
      %swap3A_81 = arith.constant 0 : index
      %swap3A_82 = vector.load %arg14[%swap3A_80, %swap3A_81] : memref<512x128xf32, #tpu.memory_space<vmem>>, vector<512x128xf32>
      tpu.vector_store %arg14[%swap3A_80, %swap3A_81], %dot_general3A_66 {strides = array<i32>} : memref<512x128xf32, #tpu.memory_space<vmem>>, vector<512x128xf32>,
    } else {
    }
    %gt3A = arith.constant 0 : i32
    %gt3A_73 = arith.cmpi sgt, %arg0, %gt3A : i32
    %convert_element_type3A_74 = arith.extui %gt3A_73 : i1 to i32
    %cond3A_75 = arith.constant 0 : i32
    %cond3A_76 = arith.cmpi ne, %convert_element_type3A_74, %cond3A_75 : i32
    scf.if %cond3A_76 {
      %get3A_77 = arith.constant 0 : index
      %get3A_78 = arith.constant 0 : index
      %get3A_79 = vector.load %arg13[%get3A_77, %get3A_78] : memref<512x128xf32, #tpu.memory_space<vmem>>, vector<512x128xf32>
      %add3A_80 = arith.addf %get3A_79, %dot_general3A_68 : vector<512x128xf32>
      %swap3A_81 = arith.constant 0 : index
      %swap3A_82 = arith.constant 0 : index
      %swap3A_83 = vector.load %arg13[%swap3A_81, %swap3A_82] : memref<512x128xf32, #tpu.memory_space<vmem>>, vector<512x128xf32>
      tpu.vector_store %arg13[%swap3A_81, %swap3A_82], %add3A_80 {strides = array<i32>} : memref<512x128xf32, #tpu.memory_space<vmem>>, vector<512x128xf32>,
      %get3A_84 = arith.constant 0 : index
      %get3A_85 = arith.constant 0 : index
      %get3A_86 = vector.load %arg14[%get3A_84, %get3A_85] : memref<512x128xf32, #tpu.memory_space<vmem>>, vector<512x128xf32>
      %add3A_87 = arith.addf %get3A_86, %dot_general3A_66 : vector<512x128xf32>
      %swap3A_88 = arith.constant 0 : index
      %swap3A_89 = arith.constant 0 : index
      %swap3A_90 = vector.load %arg14[%swap3A_88, %swap3A_89] : memref<512x128xf32, #tpu.memory_space<vmem>>, vector<512x128xf32>
      tpu.vector_store %arg14[%swap3A_88, %swap3A_89], %add3A_87 {strides = array<i32>} : memref<512x128xf32, #tpu.memory_space<vmem>>, vector<512x128xf32>,
    } else {
    }
    return
  }
  func.func @transform_0(%arg0: i32) -> (i32, i32) {
    %c0_i32 = arith.constant 0 : i32
    %c0_i32_0 = arith.constant 0 : i32
    return %arg0, %c0_i32 : i32, i32
  }
  func.func @transform_1(%arg0: i32) -> (i32, i32, i32) {
    %c0_i32 = arith.constant 0 : i32
    %c0_i32_0 = arith.constant 0 : i32
    %c0_i32_1 = arith.constant 0 : i32
    return %c0_i32, %arg0, %c0_i32_0 : i32, i32, i32
  }
  func.func @transform_2(%arg0: i32) -> (i32, i32, i32) {
    %c0_i32 = arith.constant 0 : i32
    %c0_i32_0 = arith.constant 0 : i32
    %c0_i32_1 = arith.constant 0 : i32
    return %arg0, %c0_i32, %c0_i32_0 : i32, i32, i32
  }
  func.func @transform_3(%arg0: i32) -> (i32, i32) {
    %c0_i32 = arith.constant 0 : i32
    %c0_i32_0 = arith.constant 0 : i32
    %c0_i32_1 = arith.constant 0 : i32
    return %c0_i32, %c0_i32_0 : i32, i32
  }
  func.func @transform_4(%arg0: i32) -> (i32, i32) {
    %c0_i32 = arith.constant 0 : i32
    %c0_i32_0 = arith.constant 0 : i32
    %c0_i32_1 = arith.constant 0 : i32
    return %c0_i32, %c0_i32_0 : i32, i32
  }
  func.func @transform_5(%arg0: i32) -> (i32, i32) {
    %c0_i32 = arith.constant 0 : i32
    %c0_i32_0 = arith.constant 0 : i32
    %c0_i32_1 = arith.constant 0 : i32
    return %c0_i32, %c0_i32_0 : i32, i32
  }
  func.func @transform_6(%arg0: i32) -> (i32, i32) {
    %c0_i32 = arith.constant 0 : i32
    %c0_i32_0 = arith.constant 0 : i32
    %c0_i32_1 = arith.constant 0 : i32
    return %c0_i32, %c0_i32_0 : i32, i32
  }
  func.func @transform_7(%arg0: i32) -> (i32, i32) {
    %c0_i32 = arith.constant 0 : i32
    %c0_i32_0 = arith.constant 0 : i32
    %c0_i32_1 = arith.constant 0 : i32
    return %c0_i32, %c0_i32_0 : i32, i32
  }
  func.func @transform_8(%arg0: i32) -> (i32, i32) {
    %c0_i32 = arith.constant 0 : i32
    %c0_i32_0 = arith.constant 0 : i32
    %c0_i32_1 = arith.constant 0 : i32
    return %c0_i32, %c0_i32_0 : i32, i32
  }
  func.func @transform_9(%arg0: i32) -> (i32, i32) {
    %c0_i32 = arith.constant 0 : i32
    %c0_i32_0 = arith.constant 0 : i32
    %c0_i32_1 = arith.constant 0 : i32
    return %c0_i32, %c0_i32_0 : i32, i32
  }
  func.func @transform_10(%arg0: i32) -> (i32, i32) {
    %c0_i32 = arith.constant 0 : i32
    %c0_i32_0 = arith.constant 0 : i32
    %c0_i32_1 = arith.constant 0 : i32
    return %c0_i32, %c0_i32_0 : i32, i32
  }
  func.func @transform_11(%arg0: i32) -> (i32, i32) {
    %c0_i32 = arith.constant 0 : i32
    %c0_i32_0 = arith.constant 0 : i32
    return %arg0, %c0_i32 : i32, i32
  }
  func.func @transform_12(%arg0: i32) -> (i32, i32) {
    %c0_i32 = arith.constant 0 : i32
    %c0_i32_0 = arith.constant 0 : i32
    %c0_i32_1 = arith.constant 0 : i32
    return %c0_i32, %c0_i32_0 : i32, i32
  }
  func.func @transform_13(%arg0: i32) -> (i32, i32) {
    %c0_i32 = arith.constant 0 : i32
    %c0_i32_0 = arith.constant 0 : i32
    %c0_i32_1 = arith.constant 0 : i32
    return %c0_i32, %c0_i32_0 : i32, i32
  }
}

module attributes {stable_mosaic.version = 14 : i64} {
  func.func @_mlp_body(%arg0: i32, %arg1: memref<2000x128xf32, #tpu.memory_space<vmem>>, %arg2: memref<2x2000x128xf32, #tpu.memory_space<vmem>>, %arg3: memref<1x1x2000xi32, #tpu.memory_space<vmem>>, %arg4: memref<128x128xf32, #tpu.memory_space<vmem>>, %arg5: memref<1x128xf32, #tpu.memory_space<vmem>>, %arg6: memref<1x128xf32, #tpu.memory_space<vmem>>, %arg7: memref<1x128xf32, #tpu.memory_space<vmem>>, %arg8: memref<128x128xf32, #tpu.memory_space<vmem>>, %arg9: memref<1x128xf32, #tpu.memory_space<vmem>>, %arg10: memref<1x128xf32, #tpu.memory_space<vmem>>, %arg11: memref<1x128xf32, #tpu.memory_space<vmem>>, %arg12: memref<2000x128xf32, #tpu.memory_space<vmem>>, %arg13: memref<512x128xf32, #tpu.memory_space<vmem>>) attributes {dimension_semantics = [#tpu.dimension_semantics<arbitrary>], iteration_bounds = array<i64: 5>, scalar_prefetch = 0 : i64, scratch_operands = 0 : i64, tpu.core_type = #tpu.core_type<tc>, window_params = [{transform_indices = @transform_0, window_bounds = array<i64: 2000, 128>}, {transform_indices = @transform_1, window_bounds = array<i64: 2, 2000, 128>}, {transform_indices = @transform_2, window_bounds = array<i64: 1, 1, 2000>}, {pipeline_mode = #tpu.pipeline_mode<synchronous>, transform_indices = @transform_3, window_bounds = array<i64: 128, 128>}, {pipeline_mode = #tpu.pipeline_mode<synchronous>, transform_indices = @transform_4, window_bounds = array<i64: 1, 128>}, {pipeline_mode = #tpu.pipeline_mode<synchronous>, transform_indices = @transform_5, window_bounds = array<i64: 1, 128>}, {pipeline_mode = #tpu.pipeline_mode<synchronous>, transform_indices = @transform_6, window_bounds = array<i64: 1, 128>}, {pipeline_mode = #tpu.pipeline_mode<synchronous>, transform_indices = @transform_7, window_bounds = array<i64: 128, 128>}, {pipeline_mode = #tpu.pipeline_mode<synchronous>, transform_indices = @transform_8, window_bounds = array<i64: 1, 128>}, {pipeline_mode = #tpu.pipeline_mode<synchronous>, transform_indices = @transform_9, window_bounds = array<i64: 1, 128>}, {pipeline_mode = #tpu.pipeline_mode<synchronous>, transform_indices = @transform_10, window_bounds = array<i64: 1, 128>}, {transform_indices = @transform_11, window_bounds = array<i64: 2000, 128>}, {pipeline_mode = #tpu.pipeline_mode<synchronous>, transform_indices = @transform_12, window_bounds = array<i64: 512, 128>}]} {
    %get3A = arith.constant 0 : index
    %get3A_0 = arith.constant 0 : index
    %get3A_1 = vector.load %arg1[%get3A, %get3A_0] : memref<2000x128xf32, #tpu.memory_space<vmem>>, vector<2000x128xf32>
    %get3A_2 = arith.constant 0 : index
    %get3A_3 = arith.constant 0 : index
    %get3A_4 = arith.constant 0 : index
    %get3A_5 = vector.load %arg2[%get3A_2, %get3A_3, %get3A_4] : memref<2x2000x128xf32, #tpu.memory_space<vmem>>, vector<1x2000x128xf32>
    %get3A_6 = vector.shape_cast %get3A_5 : vector<1x2000x128xf32> to vector<2000x128xf32>
    %add3A = arith.addf %get3A_1, %get3A_6 : vector<2000x128xf32>
    %get3A_7 = arith.constant 1 : index
    %get3A_8 = arith.constant 0 : index
    %get3A_9 = arith.constant 0 : index
    %get3A_10 = vector.load %arg2[%get3A_7, %get3A_8, %get3A_9] : memref<2x2000x128xf32, #tpu.memory_space<vmem>>, vector<1x2000x128xf32>
    %get3A_11 = vector.shape_cast %get3A_10 : vector<1x2000x128xf32> to vector<2000x128xf32>
    %add3A_12 = arith.addf %add3A, %get3A_11 : vector<2000x128xf32>
    %get3A_13 = arith.constant 0 : index
    %get3A_14 = arith.constant 0 : index
    %get3A_15 = vector.load %arg4[%get3A_13, %get3A_14] : memref<128x128xf32, #tpu.memory_space<vmem>>, vector<128x128xf32>
    %dot_general3A = arith.constant dense<0.000000e+00> : vector<2000x128xf32>
    %dot_general3A_16 = tpu.matmul %add3A_12, %get3A_15, %dot_general3A {dimension_numbers = #tpu.dot_dimension_numbers<[1], [0], [0], [1], [0, 0, 1, 1], [], []>, transpose_lhs_hint = false} : vector<2000x128xf32>, vector<128x128xf32>, vector<2000x128xf32> -> vector<2000x128xf32>
    %get3A_17 = arith.constant 0 : index
    %get3A_18 = arith.constant 0 : index
    %get3A_19 = vector.load %arg5[%get3A_17, %get3A_18] : memref<1x128xf32, #tpu.memory_space<vmem>>, vector<1x128xf32>
    %add3A_20 = vector.broadcast %get3A_19 : vector<1x128xf32> to vector<2000x128xf32>
    %add3A_21 = arith.addf %dot_general3A_16, %add3A_20 : vector<2000x128xf32>
    %get3A_22 = arith.constant 0 : index
    %get3A_23 = arith.constant 0 : index
    %get3A_24 = vector.load %arg6[%get3A_22, %get3A_23] : memref<1x128xf32, #tpu.memory_space<vmem>>, vector<1x128xf32>
    %mul3A = vector.broadcast %get3A_24 : vector<1x128xf32> to vector<2000x128xf32>
    %mul3A_25 = arith.mulf %add3A_21, %mul3A : vector<2000x128xf32>
    %get3A_26 = arith.constant 0 : index
    %get3A_27 = arith.constant 0 : index
    %get3A_28 = vector.load %arg7[%get3A_26, %get3A_27] : memref<1x128xf32, #tpu.memory_space<vmem>>, vector<1x128xf32>
    %add3A_29 = vector.broadcast %get3A_28 : vector<1x128xf32> to vector<2000x128xf32>
    %add3A_30 = arith.addf %mul3A_25, %add3A_29 : vector<2000x128xf32>
    %max3A = arith.constant 0.000000e+00 : f32
    %max3A_31 = vector.broadcast %max3A : f32 to vector<2000x128xf32>
    %max3A_32 = arith.maximumf %add3A_30, %max3A_31 : vector<2000x128xf32>
    %get3A_33 = arith.constant 0 : index
    %get3A_34 = arith.constant 0 : index
    %get3A_35 = vector.load %arg8[%get3A_33, %get3A_34] : memref<128x128xf32, #tpu.memory_space<vmem>>, vector<128x128xf32>
    %dot_general3A_36 = arith.constant dense<0.000000e+00> : vector<2000x128xf32>
    %dot_general3A_37 = tpu.matmul %max3A_32, %get3A_35, %dot_general3A_36 {dimension_numbers = #tpu.dot_dimension_numbers<[1], [0], [0], [1], [0, 0, 1, 1], [], []>, transpose_lhs_hint = false} : vector<2000x128xf32>, vector<128x128xf32>, vector<2000x128xf32> -> vector<2000x128xf32>
    %get3A_38 = arith.constant 0 : index
    %get3A_39 = arith.constant 0 : index
    %get3A_40 = vector.load %arg9[%get3A_38, %get3A_39] : memref<1x128xf32, #tpu.memory_space<vmem>>, vector<1x128xf32>
    %add3A_41 = vector.broadcast %get3A_40 : vector<1x128xf32> to vector<2000x128xf32>
    %add3A_42 = arith.addf %dot_general3A_37, %add3A_41 : vector<2000x128xf32>
    %get3A_43 = arith.constant 0 : index
    %get3A_44 = arith.constant 0 : index
    %get3A_45 = vector.load %arg10[%get3A_43, %get3A_44] : memref<1x128xf32, #tpu.memory_space<vmem>>, vector<1x128xf32>
    %mul3A_46 = vector.broadcast %get3A_45 : vector<1x128xf32> to vector<2000x128xf32>
    %mul3A_47 = arith.mulf %add3A_42, %mul3A_46 : vector<2000x128xf32>
    %get3A_48 = arith.constant 0 : index
    %get3A_49 = arith.constant 0 : index
    %get3A_50 = vector.load %arg11[%get3A_48, %get3A_49] : memref<1x128xf32, #tpu.memory_space<vmem>>, vector<1x128xf32>
    %add3A_51 = vector.broadcast %get3A_50 : vector<1x128xf32> to vector<2000x128xf32>
    %add3A_52 = arith.addf %mul3A_47, %add3A_51 : vector<2000x128xf32>
    %max3A_53 = arith.constant 0.000000e+00 : f32
    %max3A_54 = vector.broadcast %max3A_53 : f32 to vector<2000x128xf32>
    %max3A_55 = arith.maximumf %add3A_52, %max3A_54 : vector<2000x128xf32>
    %swap3A = arith.constant 0 : index
    %swap3A_56 = arith.constant 0 : index
    %swap3A_57 = vector.load %arg12[%swap3A, %swap3A_56] : memref<2000x128xf32, #tpu.memory_space<vmem>>, vector<2000x128xf32>
    tpu.vector_store %arg12[%swap3A, %swap3A_56], %max3A_55 {strides = array<i32>} : memref<2000x128xf32, #tpu.memory_space<vmem>>, vector<2000x128xf32>,
    %get3A_58 = arith.constant 0 : index
    %get3A_59 = arith.constant 0 : index
    %get3A_60 = arith.constant 0 : index
    %get3A_61 = vector.load %arg3[%get3A_58, %get3A_59, %get3A_60] : memref<1x1x2000xi32, #tpu.memory_space<vmem>>, vector<1x1x2000xi32>
    %get3A_62 = vector.shape_cast %get3A_61 : vector<1x1x2000xi32> to vector<2000xi32>
    %broadcast_in_dim3A = vector.shape_cast %get3A_62 : vector<2000xi32> to vector<2000x1xi32>
    %iota3A = tpu.iota {dimensions = array<i32: 1>} : vector<2000x512xi32>
    %eq3A = vector.broadcast %broadcast_in_dim3A : vector<2000x1xi32> to vector<2000x512xi32>
    %eq3A_63 = arith.cmpi eq, %eq3A, %iota3A : vector<2000x512xi32>
    %convert_element_type3A = arith.extui %eq3A_63 : vector<2000x512xi1> to vector<2000x512xi32>
    %convert_element_type3A_64 = arith.sitofp %convert_element_type3A : vector<2000x512xi32> to vector<2000x512xf32>
    %dot_general3A_65 = arith.constant dense<0.000000e+00> : vector<512x128xf32>
    %dot_general3A_66 = tpu.matmul %convert_element_type3A_64, %max3A_55, %dot_general3A_65 {dimension_numbers = #tpu.dot_dimension_numbers<[0], [0], [1], [1], [0, 1, 1, 1], [], []>, precision = #tpu.contract_precision<fp32>, transpose_lhs_hint = false} : vector<2000x512xf32>, vector<2000x128xf32>, vector<512x128xf32> -> vector<512x128xf32>
    %eq3A_67 = arith.constant 0 : i32
    %eq3A_68 = arith.cmpi eq, %arg0, %eq3A_67 : i32
    %convert_element_type3A_69 = arith.extui %eq3A_68 : i1 to i32
    %cond3A = arith.constant 0 : i32
    %cond3A_70 = arith.cmpi ne, %convert_element_type3A_69, %cond3A : i32
    scf.if %cond3A_70 {
      %swap3A_75 = arith.constant 0 : index
      %swap3A_76 = arith.constant 0 : index
      %swap3A_77 = vector.load %arg13[%swap3A_75, %swap3A_76] : memref<512x128xf32, #tpu.memory_space<vmem>>, vector<512x128xf32>
      tpu.vector_store %arg13[%swap3A_75, %swap3A_76], %dot_general3A_66 {strides = array<i32>} : memref<512x128xf32, #tpu.memory_space<vmem>>, vector<512x128xf32>,
    } else {
    }
    %gt3A = arith.constant 0 : i32
    %gt3A_71 = arith.cmpi sgt, %arg0, %gt3A : i32
    %convert_element_type3A_72 = arith.extui %gt3A_71 : i1 to i32
    %cond3A_73 = arith.constant 0 : i32
    %cond3A_74 = arith.cmpi ne, %convert_element_type3A_72, %cond3A_73 : i32
    scf.if %cond3A_74 {
      %get3A_75 = arith.constant 0 : index
      %get3A_76 = arith.constant 0 : index
      %get3A_77 = vector.load %arg13[%get3A_75, %get3A_76] : memref<512x128xf32, #tpu.memory_space<vmem>>, vector<512x128xf32>
      %add3A_78 = arith.addf %get3A_77, %dot_general3A_66 : vector<512x128xf32>
      %swap3A_79 = arith.constant 0 : index
      %swap3A_80 = arith.constant 0 : index
      %swap3A_81 = vector.load %arg13[%swap3A_79, %swap3A_80] : memref<512x128xf32, #tpu.memory_space<vmem>>, vector<512x128xf32>
      tpu.vector_store %arg13[%swap3A_79, %swap3A_80], %add3A_78 {strides = array<i32>} : memref<512x128xf32, #tpu.memory_space<vmem>>, vector<512x128xf32>,
    } else {
    }
    return
  }
  func.func @transform_0(%arg0: i32) -> (i32, i32) {
    %c0_i32 = arith.constant 0 : i32
    %c0_i32_0 = arith.constant 0 : i32
    return %arg0, %c0_i32 : i32, i32
  }
  func.func @transform_1(%arg0: i32) -> (i32, i32, i32) {
    %c0_i32 = arith.constant 0 : i32
    %c0_i32_0 = arith.constant 0 : i32
    %c0_i32_1 = arith.constant 0 : i32
    return %c0_i32, %arg0, %c0_i32_0 : i32, i32, i32
  }
  func.func @transform_2(%arg0: i32) -> (i32, i32, i32) {
    %c0_i32 = arith.constant 0 : i32
    %c0_i32_0 = arith.constant 0 : i32
    %c0_i32_1 = arith.constant 0 : i32
    return %arg0, %c0_i32, %c0_i32_0 : i32, i32, i32
  }
  func.func @transform_3(%arg0: i32) -> (i32, i32) {
    %c0_i32 = arith.constant 0 : i32
    %c0_i32_0 = arith.constant 0 : i32
    %c0_i32_1 = arith.constant 0 : i32
    return %c0_i32, %c0_i32_0 : i32, i32
  }
  func.func @transform_4(%arg0: i32) -> (i32, i32) {
    %c0_i32 = arith.constant 0 : i32
    %c0_i32_0 = arith.constant 0 : i32
    %c0_i32_1 = arith.constant 0 : i32
    return %c0_i32, %c0_i32_0 : i32, i32
  }
  func.func @transform_5(%arg0: i32) -> (i32, i32) {
    %c0_i32 = arith.constant 0 : i32
    %c0_i32_0 = arith.constant 0 : i32
    %c0_i32_1 = arith.constant 0 : i32
    return %c0_i32, %c0_i32_0 : i32, i32
  }
  func.func @transform_6(%arg0: i32) -> (i32, i32) {
    %c0_i32 = arith.constant 0 : i32
    %c0_i32_0 = arith.constant 0 : i32
    %c0_i32_1 = arith.constant 0 : i32
    return %c0_i32, %c0_i32_0 : i32, i32
  }
  func.func @transform_7(%arg0: i32) -> (i32, i32) {
    %c0_i32 = arith.constant 0 : i32
    %c0_i32_0 = arith.constant 0 : i32
    %c0_i32_1 = arith.constant 0 : i32
    return %c0_i32, %c0_i32_0 : i32, i32
  }
  func.func @transform_8(%arg0: i32) -> (i32, i32) {
    %c0_i32 = arith.constant 0 : i32
    %c0_i32_0 = arith.constant 0 : i32
    %c0_i32_1 = arith.constant 0 : i32
    return %c0_i32, %c0_i32_0 : i32, i32
  }
  func.func @transform_9(%arg0: i32) -> (i32, i32) {
    %c0_i32 = arith.constant 0 : i32
    %c0_i32_0 = arith.constant 0 : i32
    %c0_i32_1 = arith.constant 0 : i32
    return %c0_i32, %c0_i32_0 : i32, i32
  }
  func.func @transform_10(%arg0: i32) -> (i32, i32) {
    %c0_i32 = arith.constant 0 : i32
    %c0_i32_0 = arith.constant 0 : i32
    %c0_i32_1 = arith.constant 0 : i32
    return %c0_i32, %c0_i32_0 : i32, i32
  }
  func.func @transform_11(%arg0: i32) -> (i32, i32) {
    %c0_i32 = arith.constant 0 : i32
    %c0_i32_0 = arith.constant 0 : i32
    return %arg0, %c0_i32 : i32, i32
  }
  func.func @transform_12(%arg0: i32) -> (i32, i32) {
    %c0_i32 = arith.constant 0 : i32
    %c0_i32_0 = arith.constant 0 : i32
    %c0_i32_1 = arith.constant 0 : i32
    return %c0_i32, %c0_i32_0 : i32, i32
  }
}

module attributes {stable_mosaic.version = 14 : i64} {
  func.func @_mlp_head_body(%arg0: i32, %arg1: memref<2000x128xf32, #tpu.memory_space<vmem>>, %arg2: memref<2x2000x128xf32, #tpu.memory_space<vmem>>, %arg3: memref<1x1x2000xi32, #tpu.memory_space<vmem>>, %arg4: memref<128x128xf32, #tpu.memory_space<vmem>>, %arg5: memref<1x128xf32, #tpu.memory_space<vmem>>, %arg6: memref<1x128xf32, #tpu.memory_space<vmem>>, %arg7: memref<1x128xf32, #tpu.memory_space<vmem>>, %arg8: memref<128x128xf32, #tpu.memory_space<vmem>>, %arg9: memref<1x128xf32, #tpu.memory_space<vmem>>, %arg10: memref<1x128xf32, #tpu.memory_space<vmem>>, %arg11: memref<1x128xf32, #tpu.memory_space<vmem>>, %arg12: memref<512x128xf32, #tpu.memory_space<vmem>>, %arg13: memref<512x128xf32, #tpu.memory_space<vmem>>, %arg14: memref<512x128xf32, #tpu.memory_space<vmem>>, %arg15: memref<512x32xf32, #tpu.memory_space<vmem>>, %arg16: memref<1x32xf32, #tpu.memory_space<vmem>>, %arg17: memref<32x1xf32, #tpu.memory_space<vmem>>, %arg18: memref<1x1xf32, #tpu.memory_space<vmem>>, %arg19: memref<512x128xf32, #tpu.memory_space<vmem>>, %arg20: memref<512x1xf32, #tpu.memory_space<vmem>>) attributes {dimension_semantics = [#tpu.dimension_semantics<arbitrary>], iteration_bounds = array<i64: 5>, scalar_prefetch = 0 : i64, scratch_operands = 0 : i64, tpu.core_type = #tpu.core_type<tc>, window_params = [{transform_indices = @transform_0, window_bounds = array<i64: 2000, 128>}, {transform_indices = @transform_1, window_bounds = array<i64: 2, 2000, 128>}, {transform_indices = @transform_2, window_bounds = array<i64: 1, 1, 2000>}, {pipeline_mode = #tpu.pipeline_mode<synchronous>, transform_indices = @transform_3, window_bounds = array<i64: 128, 128>}, {pipeline_mode = #tpu.pipeline_mode<synchronous>, transform_indices = @transform_4, window_bounds = array<i64: 1, 128>}, {pipeline_mode = #tpu.pipeline_mode<synchronous>, transform_indices = @transform_5, window_bounds = array<i64: 1, 128>}, {pipeline_mode = #tpu.pipeline_mode<synchronous>, transform_indices = @transform_6, window_bounds = array<i64: 1, 128>}, {pipeline_mode = #tpu.pipeline_mode<synchronous>, transform_indices = @transform_7, window_bounds = array<i64: 128, 128>}, {pipeline_mode = #tpu.pipeline_mode<synchronous>, transform_indices = @transform_8, window_bounds = array<i64: 1, 128>}, {pipeline_mode = #tpu.pipeline_mode<synchronous>, transform_indices = @transform_9, window_bounds = array<i64: 1, 128>}, {pipeline_mode = #tpu.pipeline_mode<synchronous>, transform_indices = @transform_10, window_bounds = array<i64: 1, 128>}, {pipeline_mode = #tpu.pipeline_mode<synchronous>, transform_indices = @transform_11, window_bounds = array<i64: 512, 128>}, {pipeline_mode = #tpu.pipeline_mode<synchronous>, transform_indices = @transform_12, window_bounds = array<i64: 512, 128>}, {pipeline_mode = #tpu.pipeline_mode<synchronous>, transform_indices = @transform_13, window_bounds = array<i64: 512, 128>}, {pipeline_mode = #tpu.pipeline_mode<synchronous>, transform_indices = @transform_14, window_bounds = array<i64: 512, 32>}, {pipeline_mode = #tpu.pipeline_mode<synchronous>, transform_indices = @transform_15, window_bounds = array<i64: 1, 32>}, {pipeline_mode = #tpu.pipeline_mode<synchronous>, transform_indices = @transform_16, window_bounds = array<i64: 32, 1>}, {pipeline_mode = #tpu.pipeline_mode<synchronous>, transform_indices = @transform_17, window_bounds = array<i64: 1, 1>}, {pipeline_mode = #tpu.pipeline_mode<synchronous>, transform_indices = @transform_18, window_bounds = array<i64: 512, 128>}, {pipeline_mode = #tpu.pipeline_mode<synchronous>, transform_indices = @transform_19, window_bounds = array<i64: 512, 1>}]} {
    %get3A = arith.constant 0 : index
    %get3A_0 = arith.constant 0 : index
    %get3A_1 = vector.load %arg1[%get3A, %get3A_0] : memref<2000x128xf32, #tpu.memory_space<vmem>>, vector<2000x128xf32>
    %get3A_2 = arith.constant 0 : index
    %get3A_3 = arith.constant 0 : index
    %get3A_4 = arith.constant 0 : index
    %get3A_5 = vector.load %arg2[%get3A_2, %get3A_3, %get3A_4] : memref<2x2000x128xf32, #tpu.memory_space<vmem>>, vector<1x2000x128xf32>
    %get3A_6 = vector.shape_cast %get3A_5 : vector<1x2000x128xf32> to vector<2000x128xf32>
    %add3A = arith.addf %get3A_1, %get3A_6 : vector<2000x128xf32>
    %get3A_7 = arith.constant 1 : index
    %get3A_8 = arith.constant 0 : index
    %get3A_9 = arith.constant 0 : index
    %get3A_10 = vector.load %arg2[%get3A_7, %get3A_8, %get3A_9] : memref<2x2000x128xf32, #tpu.memory_space<vmem>>, vector<1x2000x128xf32>
    %get3A_11 = vector.shape_cast %get3A_10 : vector<1x2000x128xf32> to vector<2000x128xf32>
    %add3A_12 = arith.addf %add3A, %get3A_11 : vector<2000x128xf32>
    %get3A_13 = arith.constant 0 : index
    %get3A_14 = arith.constant 0 : index
    %get3A_15 = vector.load %arg4[%get3A_13, %get3A_14] : memref<128x128xf32, #tpu.memory_space<vmem>>, vector<128x128xf32>
    %dot_general3A = arith.constant dense<0.000000e+00> : vector<2000x128xf32>
    %dot_general3A_16 = tpu.matmul %add3A_12, %get3A_15, %dot_general3A {dimension_numbers = #tpu.dot_dimension_numbers<[1], [0], [0], [1], [0, 0, 1, 1], [], []>, transpose_lhs_hint = false} : vector<2000x128xf32>, vector<128x128xf32>, vector<2000x128xf32> -> vector<2000x128xf32>
    %get3A_17 = arith.constant 0 : index
    %get3A_18 = arith.constant 0 : index
    %get3A_19 = vector.load %arg5[%get3A_17, %get3A_18] : memref<1x128xf32, #tpu.memory_space<vmem>>, vector<1x128xf32>
    %add3A_20 = vector.broadcast %get3A_19 : vector<1x128xf32> to vector<2000x128xf32>
    %add3A_21 = arith.addf %dot_general3A_16, %add3A_20 : vector<2000x128xf32>
    %get3A_22 = arith.constant 0 : index
    %get3A_23 = arith.constant 0 : index
    %get3A_24 = vector.load %arg6[%get3A_22, %get3A_23] : memref<1x128xf32, #tpu.memory_space<vmem>>, vector<1x128xf32>
    %mul3A = vector.broadcast %get3A_24 : vector<1x128xf32> to vector<2000x128xf32>
    %mul3A_25 = arith.mulf %add3A_21, %mul3A : vector<2000x128xf32>
    %get3A_26 = arith.constant 0 : index
    %get3A_27 = arith.constant 0 : index
    %get3A_28 = vector.load %arg7[%get3A_26, %get3A_27] : memref<1x128xf32, #tpu.memory_space<vmem>>, vector<1x128xf32>
    %add3A_29 = vector.broadcast %get3A_28 : vector<1x128xf32> to vector<2000x128xf32>
    %add3A_30 = arith.addf %mul3A_25, %add3A_29 : vector<2000x128xf32>
    %max3A = arith.constant 0.000000e+00 : f32
    %max3A_31 = vector.broadcast %max3A : f32 to vector<2000x128xf32>
    %max3A_32 = arith.maximumf %add3A_30, %max3A_31 : vector<2000x128xf32>
    %get3A_33 = arith.constant 0 : index
    %get3A_34 = arith.constant 0 : index
    %get3A_35 = vector.load %arg8[%get3A_33, %get3A_34] : memref<128x128xf32, #tpu.memory_space<vmem>>, vector<128x128xf32>
    %dot_general3A_36 = arith.constant dense<0.000000e+00> : vector<2000x128xf32>
    %dot_general3A_37 = tpu.matmul %max3A_32, %get3A_35, %dot_general3A_36 {dimension_numbers = #tpu.dot_dimension_numbers<[1], [0], [0], [1], [0, 0, 1, 1], [], []>, transpose_lhs_hint = false} : vector<2000x128xf32>, vector<128x128xf32>, vector<2000x128xf32> -> vector<2000x128xf32>
    %get3A_38 = arith.constant 0 : index
    %get3A_39 = arith.constant 0 : index
    %get3A_40 = vector.load %arg9[%get3A_38, %get3A_39] : memref<1x128xf32, #tpu.memory_space<vmem>>, vector<1x128xf32>
    %add3A_41 = vector.broadcast %get3A_40 : vector<1x128xf32> to vector<2000x128xf32>
    %add3A_42 = arith.addf %dot_general3A_37, %add3A_41 : vector<2000x128xf32>
    %get3A_43 = arith.constant 0 : index
    %get3A_44 = arith.constant 0 : index
    %get3A_45 = vector.load %arg10[%get3A_43, %get3A_44] : memref<1x128xf32, #tpu.memory_space<vmem>>, vector<1x128xf32>
    %mul3A_46 = vector.broadcast %get3A_45 : vector<1x128xf32> to vector<2000x128xf32>
    %mul3A_47 = arith.mulf %add3A_42, %mul3A_46 : vector<2000x128xf32>
    %get3A_48 = arith.constant 0 : index
    %get3A_49 = arith.constant 0 : index
    %get3A_50 = vector.load %arg11[%get3A_48, %get3A_49] : memref<1x128xf32, #tpu.memory_space<vmem>>, vector<1x128xf32>
    %add3A_51 = vector.broadcast %get3A_50 : vector<1x128xf32> to vector<2000x128xf32>
    %add3A_52 = arith.addf %mul3A_47, %add3A_51 : vector<2000x128xf32>
    %max3A_53 = arith.constant 0.000000e+00 : f32
    %max3A_54 = vector.broadcast %max3A_53 : f32 to vector<2000x128xf32>
    %max3A_55 = arith.maximumf %add3A_52, %max3A_54 : vector<2000x128xf32>
    %get3A_56 = arith.constant 0 : index
    %get3A_57 = arith.constant 0 : index
    %get3A_58 = arith.constant 0 : index
    %get3A_59 = vector.load %arg3[%get3A_56, %get3A_57, %get3A_58] : memref<1x1x2000xi32, #tpu.memory_space<vmem>>, vector<1x1x2000xi32>
    %get3A_60 = vector.shape_cast %get3A_59 : vector<1x1x2000xi32> to vector<2000xi32>
    %broadcast_in_dim3A = vector.shape_cast %get3A_60 : vector<2000xi32> to vector<2000x1xi32>
    %iota3A = tpu.iota {dimensions = array<i32: 1>} : vector<2000x512xi32>
    %eq3A = vector.broadcast %broadcast_in_dim3A : vector<2000x1xi32> to vector<2000x512xi32>
    %eq3A_61 = arith.cmpi eq, %eq3A, %iota3A : vector<2000x512xi32>
    %convert_element_type3A = arith.extui %eq3A_61 : vector<2000x512xi1> to vector<2000x512xi32>
    %convert_element_type3A_62 = arith.sitofp %convert_element_type3A : vector<2000x512xi32> to vector<2000x512xf32>
    %dot_general3A_63 = arith.constant dense<0.000000e+00> : vector<512x128xf32>
    %dot_general3A_64 = tpu.matmul %convert_element_type3A_62, %max3A_55, %dot_general3A_63 {dimension_numbers = #tpu.dot_dimension_numbers<[0], [0], [1], [1], [0, 1, 1, 1], [], []>, precision = #tpu.contract_precision<fp32>, transpose_lhs_hint = false} : vector<2000x512xf32>, vector<2000x128xf32>, vector<512x128xf32> -> vector<512x128xf32>
    %eq3A_65 = arith.constant 0 : i32
    %eq3A_66 = arith.cmpi eq, %arg0, %eq3A_65 : i32
    %convert_element_type3A_67 = arith.extui %eq3A_66 : i1 to i32
    %cond3A = arith.constant 0 : i32
    %cond3A_68 = arith.cmpi ne, %convert_element_type3A_67, %cond3A : i32
    scf.if %cond3A_68 {
      %swap3A = arith.constant 0 : index
      %swap3A_78 = arith.constant 0 : index
      %swap3A_79 = vector.load %arg19[%swap3A, %swap3A_78] : memref<512x128xf32, #tpu.memory_space<vmem>>, vector<512x128xf32>
      tpu.vector_store %arg19[%swap3A, %swap3A_78], %dot_general3A_64 {strides = array<i32>} : memref<512x128xf32, #tpu.memory_space<vmem>>, vector<512x128xf32>,
    } else {
    }
    %gt3A = arith.constant 0 : i32
    %gt3A_69 = arith.cmpi sgt, %arg0, %gt3A : i32
    %convert_element_type3A_70 = arith.extui %gt3A_69 : i1 to i32
    %cond3A_71 = arith.constant 0 : i32
    %cond3A_72 = arith.cmpi ne, %convert_element_type3A_70, %cond3A_71 : i32
    scf.if %cond3A_72 {
      %get3A_78 = arith.constant 0 : index
      %get3A_79 = arith.constant 0 : index
      %get3A_80 = vector.load %arg19[%get3A_78, %get3A_79] : memref<512x128xf32, #tpu.memory_space<vmem>>, vector<512x128xf32>
      %add3A_81 = arith.addf %get3A_80, %dot_general3A_64 : vector<512x128xf32>
      %swap3A = arith.constant 0 : index
      %swap3A_82 = arith.constant 0 : index
      %swap3A_83 = vector.load %arg19[%swap3A, %swap3A_82] : memref<512x128xf32, #tpu.memory_space<vmem>>, vector<512x128xf32>
      tpu.vector_store %arg19[%swap3A, %swap3A_82], %add3A_81 {strides = array<i32>} : memref<512x128xf32, #tpu.memory_space<vmem>>, vector<512x128xf32>,
    } else {
    }
    %eq3A_73 = arith.constant 4 : i32
    %eq3A_74 = arith.cmpi eq, %arg0, %eq3A_73 : i32
    %convert_element_type3A_75 = arith.extui %eq3A_74 : i1 to i32
    %cond3A_76 = arith.constant 0 : i32
    %cond3A_77 = arith.cmpi ne, %convert_element_type3A_75, %cond3A_76 : i32
    scf.if %cond3A_77 {
      %get3A_78 = arith.constant 0 : index
      %get3A_79 = arith.constant 0 : index
      %get3A_80 = vector.load %arg15[%get3A_78, %get3A_79] : memref<512x32xf32, #tpu.memory_space<vmem>>, vector<512x32xf32>
      %get3A_81 = arith.constant 0 : index
      %get3A_82 = arith.constant 0 : index
      %get3A_83 = vector.load %arg12[%get3A_81, %get3A_82] : memref<512x128xf32, #tpu.memory_space<vmem>>, vector<512x128xf32>
      %slice3A = vector.extract_strided_slice %get3A_80 {offsets = [0, 0], sizes = [128, 32], strides = [1, 1]} : vector<512x32xf32> to vector<128x32xf32>
      %dot_general3A_84 = arith.constant dense<0.000000e+00> : vector<512x32xf32>
      %dot_general3A_85 = tpu.matmul %get3A_83, %slice3A, %dot_general3A_84 {dimension_numbers = #tpu.dot_dimension_numbers<[1], [0], [0], [1], [0, 0, 1, 1], [], []>, transpose_lhs_hint = false} : vector<512x128xf32>, vector<128x32xf32>, vector<512x32xf32> -> vector<512x32xf32>
      %get3A_86 = arith.constant 0 : index
      %get3A_87 = arith.constant 0 : index
      %get3A_88 = vector.load %arg13[%get3A_86, %get3A_87] : memref<512x128xf32, #tpu.memory_space<vmem>>, vector<512x128xf32>
      %slice3A_89 = vector.extract_strided_slice %get3A_80 {offsets = [128, 0], sizes = [128, 32], strides = [1, 1]} : vector<512x32xf32> to vector<128x32xf32>
      %dot_general3A_90 = arith.constant dense<0.000000e+00> : vector<512x32xf32>
      %dot_general3A_91 = tpu.matmul %get3A_88, %slice3A_89, %dot_general3A_90 {dimension_numbers = #tpu.dot_dimension_numbers<[1], [0], [0], [1], [0, 0, 1, 1], [], []>, transpose_lhs_hint = false} : vector<512x128xf32>, vector<128x32xf32>, vector<512x32xf32> -> vector<512x32xf32>
      %add3A_92 = arith.addf %dot_general3A_85, %dot_general3A_91 : vector<512x32xf32>
      %get3A_93 = arith.constant 0 : index
      %get3A_94 = arith.constant 0 : index
      %get3A_95 = vector.load %arg14[%get3A_93, %get3A_94] : memref<512x128xf32, #tpu.memory_space<vmem>>, vector<512x128xf32>
      %slice3A_96 = vector.extract_strided_slice %get3A_80 {offsets = [256, 0], sizes = [128, 32], strides = [1, 1]} : vector<512x32xf32> to vector<128x32xf32>
      %dot_general3A_97 = arith.constant dense<0.000000e+00> : vector<512x32xf32>
      %dot_general3A_98 = tpu.matmul %get3A_95, %slice3A_96, %dot_general3A_97 {dimension_numbers = #tpu.dot_dimension_numbers<[1], [0], [0], [1], [0, 0, 1, 1], [], []>, transpose_lhs_hint = false} : vector<512x128xf32>, vector<128x32xf32>, vector<512x32xf32> -> vector<512x32xf32>
      %add3A_99 = arith.addf %add3A_92, %dot_general3A_98 : vector<512x32xf32>
      %get3A_100 = arith.constant 0 : index
      %get3A_101 = arith.constant 0 : index
      %get3A_102 = vector.load %arg19[%get3A_100, %get3A_101] : memref<512x128xf32, #tpu.memory_space<vmem>>, vector<512x128xf32>
      %slice3A_103 = vector.extract_strided_slice %get3A_80 {offsets = [384, 0], sizes = [128, 32], strides = [1, 1]} : vector<512x32xf32> to vector<128x32xf32>
      %dot_general3A_104 = arith.constant dense<0.000000e+00> : vector<512x32xf32>
      %dot_general3A_105 = tpu.matmul %get3A_102, %slice3A_103, %dot_general3A_104 {dimension_numbers = #tpu.dot_dimension_numbers<[1], [0], [0], [1], [0, 0, 1, 1], [], []>, transpose_lhs_hint = false} : vector<512x128xf32>, vector<128x32xf32>, vector<512x32xf32> -> vector<512x32xf32>
      %add3A_106 = arith.addf %add3A_99, %dot_general3A_105 : vector<512x32xf32>
      %get3A_107 = arith.constant 0 : index
      %get3A_108 = arith.constant 0 : index
      %get3A_109 = vector.load %arg16[%get3A_107, %get3A_108] : memref<1x32xf32, #tpu.memory_space<vmem>>, vector<1x32xf32>
      %add3A_110 = vector.broadcast %get3A_109 : vector<1x32xf32> to vector<512x32xf32>
      %add3A_111 = arith.addf %add3A_106, %add3A_110 : vector<512x32xf32>
      %max3A_112 = arith.constant 0.000000e+00 : f32
      %max3A_113 = vector.broadcast %max3A_112 : f32 to vector<512x32xf32>
      %max3A_114 = arith.maximumf %add3A_111, %max3A_113 : vector<512x32xf32>
      %get3A_115 = arith.constant 0 : index
      %get3A_116 = arith.constant 0 : index
      %get3A_117 = vector.load %arg17[%get3A_115, %get3A_116] : memref<32x1xf32, #tpu.memory_space<vmem>>, vector<32x1xf32>
      %dot_general3A_118 = arith.constant dense<0.000000e+00> : vector<512x1xf32>
      %dot_general3A_119 = tpu.matmul %max3A_114, %get3A_117, %dot_general3A_118 {dimension_numbers = #tpu.dot_dimension_numbers<[1], [0], [0], [1], [0, 0, 1, 1], [], []>, transpose_lhs_hint = false} : vector<512x32xf32>, vector<32x1xf32>, vector<512x1xf32> -> vector<512x1xf32>
      %get3A_120 = arith.constant 0 : index
      %get3A_121 = arith.constant 0 : index
      %get3A_122 = vector.load %arg18[%get3A_120, %get3A_121] : memref<1x1xf32, #tpu.memory_space<vmem>>, vector<1x1xf32>
      %add3A_123 = vector.broadcast %get3A_122 : vector<1x1xf32> to vector<512x1xf32>
      %add3A_124 = arith.addf %dot_general3A_119, %add3A_123 : vector<512x1xf32>
      %swap3A = arith.constant 0 : index
      %swap3A_125 = arith.constant 0 : index
      %swap3A_126 = vector.load %arg20[%swap3A, %swap3A_125] : memref<512x1xf32, #tpu.memory_space<vmem>>, vector<512x1xf32>
      tpu.vector_store %arg20[%swap3A, %swap3A_125], %add3A_124 {strides = array<i32>} : memref<512x1xf32, #tpu.memory_space<vmem>>, vector<512x1xf32>,
    } else {
    }
    return
  }
  func.func @transform_0(%arg0: i32) -> (i32, i32) {
    %c0_i32 = arith.constant 0 : i32
    %c0_i32_0 = arith.constant 0 : i32
    return %arg0, %c0_i32 : i32, i32
  }
  func.func @transform_1(%arg0: i32) -> (i32, i32, i32) {
    %c0_i32 = arith.constant 0 : i32
    %c0_i32_0 = arith.constant 0 : i32
    %c0_i32_1 = arith.constant 0 : i32
    return %c0_i32, %arg0, %c0_i32_0 : i32, i32, i32
  }
  func.func @transform_2(%arg0: i32) -> (i32, i32, i32) {
    %c0_i32 = arith.constant 0 : i32
    %c0_i32_0 = arith.constant 0 : i32
    %c0_i32_1 = arith.constant 0 : i32
    return %arg0, %c0_i32, %c0_i32_0 : i32, i32, i32
  }
  func.func @transform_3(%arg0: i32) -> (i32, i32) {
    %c0_i32 = arith.constant 0 : i32
    %c0_i32_0 = arith.constant 0 : i32
    %c0_i32_1 = arith.constant 0 : i32
    return %c0_i32, %c0_i32_0 : i32, i32
  }
  func.func @transform_4(%arg0: i32) -> (i32, i32) {
    %c0_i32 = arith.constant 0 : i32
    %c0_i32_0 = arith.constant 0 : i32
    %c0_i32_1 = arith.constant 0 : i32
    return %c0_i32, %c0_i32_0 : i32, i32
  }
  func.func @transform_5(%arg0: i32) -> (i32, i32) {
    %c0_i32 = arith.constant 0 : i32
    %c0_i32_0 = arith.constant 0 : i32
    %c0_i32_1 = arith.constant 0 : i32
    return %c0_i32, %c0_i32_0 : i32, i32
  }
  func.func @transform_6(%arg0: i32) -> (i32, i32) {
    %c0_i32 = arith.constant 0 : i32
    %c0_i32_0 = arith.constant 0 : i32
    %c0_i32_1 = arith.constant 0 : i32
    return %c0_i32, %c0_i32_0 : i32, i32
  }
  func.func @transform_7(%arg0: i32) -> (i32, i32) {
    %c0_i32 = arith.constant 0 : i32
    %c0_i32_0 = arith.constant 0 : i32
    %c0_i32_1 = arith.constant 0 : i32
    return %c0_i32, %c0_i32_0 : i32, i32
  }
  func.func @transform_8(%arg0: i32) -> (i32, i32) {
    %c0_i32 = arith.constant 0 : i32
    %c0_i32_0 = arith.constant 0 : i32
    %c0_i32_1 = arith.constant 0 : i32
    return %c0_i32, %c0_i32_0 : i32, i32
  }
  func.func @transform_9(%arg0: i32) -> (i32, i32) {
    %c0_i32 = arith.constant 0 : i32
    %c0_i32_0 = arith.constant 0 : i32
    %c0_i32_1 = arith.constant 0 : i32
    return %c0_i32, %c0_i32_0 : i32, i32
  }
  func.func @transform_10(%arg0: i32) -> (i32, i32) {
    %c0_i32 = arith.constant 0 : i32
    %c0_i32_0 = arith.constant 0 : i32
    %c0_i32_1 = arith.constant 0 : i32
    return %c0_i32, %c0_i32_0 : i32, i32
  }
  func.func @transform_11(%arg0: i32) -> (i32, i32) {
    %c0_i32 = arith.constant 0 : i32
    %c0_i32_0 = arith.constant 0 : i32
    %c0_i32_1 = arith.constant 0 : i32
    return %c0_i32, %c0_i32_0 : i32, i32
  }
  func.func @transform_12(%arg0: i32) -> (i32, i32) {
    %c0_i32 = arith.constant 0 : i32
    %c0_i32_0 = arith.constant 0 : i32
    %c0_i32_1 = arith.constant 0 : i32
    return %c0_i32, %c0_i32_0 : i32, i32
  }
  func.func @transform_13(%arg0: i32) -> (i32, i32) {
    %c0_i32 = arith.constant 0 : i32
    %c0_i32_0 = arith.constant 0 : i32
    %c0_i32_1 = arith.constant 0 : i32
    return %c0_i32, %c0_i32_0 : i32, i32
  }
  func.func @transform_14(%arg0: i32) -> (i32, i32) {
    %c0_i32 = arith.constant 0 : i32
    %c0_i32_0 = arith.constant 0 : i32
    %c0_i32_1 = arith.constant 0 : i32
    return %c0_i32, %c0_i32_0 : i32, i32
  }
  func.func @transform_15(%arg0: i32) -> (i32, i32) {
    %c0_i32 = arith.constant 0 : i32
    %c0_i32_0 = arith.constant 0 : i32
    %c0_i32_1 = arith.constant 0 : i32
    return %c0_i32, %c0_i32_0 : i32, i32
  }
  func.func @transform_16(%arg0: i32) -> (i32, i32) {
    %c0_i32 = arith.constant 0 : i32
    %c0_i32_0 = arith.constant 0 : i32
    %c0_i32_1 = arith.constant 0 : i32
    return %c0_i32, %c0_i32_0 : i32, i32
  }
  func.func @transform_17(%arg0: i32) -> (i32, i32) {
    %c0_i32 = arith.constant 0 : i32
    %c0_i32_0 = arith.constant 0 : i32
    %c0_i32_1 = arith.constant 0 : i32
    return %c0_i32, %c0_i32_0 : i32, i32
  }
  func.func @transform_18(%arg0: i32) -> (i32, i32) {
    %c0_i32 = arith.constant 0 : i32
    %c0_i32_0 = arith.constant 0 : i32
    %c0_i32_1 = arith.constant 0 : i32
    return %c0_i32, %c0_i32_0 : i32, i32
  }
  func.func @transform_19(%arg0: i32) -> (i32, i32) {
    %c0_i32 = arith.constant 0 : i32
    %c0_i32_0 = arith.constant 0 : i32
    %c0_i32_1 = arith.constant 0 : i32
    return %c0_i32, %c0_i32_0 : i32, i32
  }
}

</mosaic_0001>

<sc_bundles>
// kernel: kernel.11.cloned.1.call-start
scs
__scs_entry_jumppad:
0x0: {  	(pc) =	sbr.rel $0x88, $3  }
0x1: {  	(tag) =	ssettag $0x0;
	lr =	simm.s32 $0x1  }
0x2: {  	[smem:$0x3F76] =	sst lr;
	_ =	strace $0xD0000000  }
0x3: {  	_ = 	snop  }
0x4: {  	_ = 	snop  }
0x5: {  	_ = 	snop  }
0x6: {  	_ = 	snop  }
0x7: {  	_ = 	snop  }
__scs_overlays_trampoline_lowered:
0x8: {  	[smem:$0x3F85] =	sst s0  }
0x9: {  	[smem:$0x3F86] =	sst s1  }
0xa: {  	[smem:$0x3F87] =	sst s2  }
0xb: {  	[smem:$0x3F88] =	sst s3  }
0xc: {  	[smem:$0x3F89] =	sst s4  }
0xd: {  	[smem:$0x3F8A] =	sst s5  }
0xe: {  	[smem:$0x3F8B] =	sst s6  }
0xf: {  	[smem:$0x3F8C] =	sst s7  }
0x10: {  	[smem:$0x3F8D] =	sst s8  }
0x11: {  	[smem:$0x3F8E] =	sst s9;
	s0 =	simm.s32 @!p0 $0x0  }
0x12: {  	s1 =	sld [smem:$0x3F74];
	s0 =	simm.s32 @p0 $0x1  }
0x13: {  	[smem:$0x3F8F] =	sst s0;
	s0 =	simm.s32 @!p1 $0x0  }
0x14: {  	s2 =	sld [smem:$0x3F73];
	s0 =	simm.s32 @p1 $0x1  }
0x15: {  	[smem:$0x3F90] =	sst s0;
	s0 =	simm.s32 @!p2 $0x0  }
0x16: {  	s3 =	sld [smem:$0x3FDB];
	s0 =	simm.s32 @p2 $0x1  }
0x17: {  	s4 =	simm.s32 $0x1BF5;
	[smem:$0x3F92] =	sst s0  }
0x18: {  	s0 =	sld [smem:$0x3F75];
	_ =	swait.ge [sflag:s4], $0x0  }
0x19: {  	s7 =	sld [smem:$0x3F76]  }
0x1a: {  	s8 =	sadd.s32 $0xFFFFE003, lr  }
0x1b: {  	s9 =	sadd.s32 $0xFFFFFEF7, lr;
	s5 =	simm.s32 $0xFFFFFFFF;
	p2 =	slt.u32 s8, $0xFFFFF086  }
0x1c: {  	p1 =	slt.u32 s9, $0xF7A;
	s5 =	simm.s32 @!p2 $0x0  }
0x1d: {  	s5 =	simm.s32 @p1 $0x1;
	p0 =	seq.s32 s7, s2  }
0x1e: {  	s7 =	smul.u32 @!p0 $0xF7A, s2;
	p2 =	seq.s32 @!p0 s5, $0x0  }
0x1f: {  	s9 =	smul.u32 $0xF7A, s1;
	s8 =	simm.s32 @!p0 $0x1BF5;
	p2 =	por !p2, p0  }
0x20: {  	[sflag:s8] =	ssyncset.s32 @!p0 $0xFFFFF086;
	s6 =	sadd.s32 @!p0 s3, s7;
	s7 =	simm.s32 @!p0 $0x108  }
0x21: {  	s3 =	sadd.s32 s3, s9;
	s6 =	sadd.s32 @!p0 $0x88, s6;
	s7 =	simm.s32 @p2 $0x1082  }
0x22: {  	[simem:s7], [sflag:s8] =	dma.local @!p0 [hbm:s6], $0xF7A  }
0x23: {  	s9 =	sor.u32 $0xD0000000, s2;
	s6 =	simm.s32 $0x108;
	_ =	swait.ge @!p0 [sflag:s8], $0x0  }
0x24: {  	s3 =	sadd.s32 $0x88, s3;
	s6 =	simm.s32 @!p1 $0x1082;
	[sflag:s4] =	ssyncset.s32 $0xFFFFF086  }
0x25: {  	[simem:s6], [sflag:s4] =	dma.local [hbm:s3], $0xF7A  }
0x26: {  	[smem:$0x3F76] =	sst s1;
	(tag) =	ssettag s2;
	_ =	strace s9  }
0x27: {  	s1 =	sld [smem:$0x3F86]  }
0x28: {  	s2 =	sld [smem:$0x3F87]  }
0x29: {  	s4 =	sld [smem:$0x3F89]  }
0x2a: {  	p0 =	seq.s32 s5, $0x0;
	s5 =	sld [smem:$0x3F8A]  }
0x2b: {  	s6 =	sld [smem:$0x3F8B]  }
0x2c: {  	s7 =	sld [smem:$0x3F8C]  }
0x2d: {  	s3 =	simm.s32 $0x108;
	s8 =	sld [smem:$0x3F8D]  }
0x2e: {  	s3 =	simm.s32 @!p0 $0x1082;
	s9 =	sld [smem:$0x3F8E]  }
0x2f: {  	lr =	sadd.s32 s0, s3;
	s0 =	sld [smem:$0x3F85]  }
0x30: {  	s3 =	sld [smem:$0x3F88]  }
0x31: {  	[smem:$0x3F91] =	sst s10  }
0x32: {  	s10 =	sld [smem:$0x3F8F];
	_ =	sdelay $0x3  }
0x33: {  	p0 =	seq.s32 s10, $0x1;
	s10 =	sld [smem:$0x3F91];
	_ =	sdelay $0x3  }
0x34: {  	[smem:$0x3F91] =	sst s10  }
0x35: {  	s10 =	sld [smem:$0x3F90];
	_ =	sdelay $0x3  }
0x36: {  	p1 =	seq.s32 s10, $0x1;
	s10 =	sld [smem:$0x3F91];
	_ =	sdelay $0x3  }
0x37: {  	[smem:$0x3F91] =	sst s10  }
0x38: {  	s10 =	sld [smem:$0x3F92]  }
0x39: {  	_ = 	snop;
	(pc) =	sbr.ind lr, $3  }
0x3a: {  	_ = 	snop  }
0x3b: {  	_ = 	snop  }
0x3c: {  	p2 =	seq.s32 s10, $0x1;
	s10 =	sld [smem:$0x3F91]  }
0x3d: {  	_ =	shalt  }
0x3e: {  	_ =	shalt  }
0x3f: {  	_ =	shalt  }
0x40: {  	_ =	shalt  }
0x41: {  	_ =	shalt  }
0x42: {  	_ =	shalt  }
0x43: {  	_ =	shalt  }
0x44: {  	_ =	shalt  }
0x45: {  	_ =	shalt  }
0x46: {  	_ =	shalt  }
0x47: {  	_ =	shalt  }
0x48: {  	_ =	shalt  }
0x49: {  	_ =	shalt  }
0x4a: {  	_ =	shalt  }
0x4b: {  	_ =	shalt  }
0x4c: {  	_ =	shalt  }
0x4d: {  	_ =	shalt  }
0x4e: {  	_ =	shalt  }
0x4f: {  	_ =	shalt  }
0x50: {  	_ =	shalt  }
0x51: {  	_ =	shalt  }
0x52: {  	_ =	shalt  }
0x53: {  	_ =	shalt  }
0x54: {  	_ =	shalt  }
0x55: {  	_ =	shalt  }
0x56: {  	_ =	shalt  }
0x57: {  	_ =	shalt  }
0x58: {  	_ =	shalt  }
0x59: {  	_ =	shalt  }
0x5a: {  	_ =	shalt  }
0x5b: {  	_ =	shalt  }
0x5c: {  	_ =	shalt  }
0x5d: {  	_ =	shalt  }
0x5e: {  	_ =	shalt  }
0x5f: {  	_ =	shalt  }
0x60: {  	_ =	shalt  }
0x61: {  	_ =	shalt  }
0x62: {  	_ =	shalt  }
0x63: {  	_ =	shalt  }
0x64: {  	_ =	shalt  }
0x65: {  	_ =	shalt  }
0x66: {  	_ =	shalt  }
0x67: {  	_ =	shalt  }
0x68: {  	_ =	shalt  }
0x69: {  	_ =	shalt  }
0x6a: {  	_ =	shalt  }
0x6b: {  	_ =	shalt  }
0x6c: {  	_ =	shalt  }
0x6d: {  	_ =	shalt  }
0x6e: {  	_ =	shalt  }
0x6f: {  	_ =	shalt  }
0x70: {  	_ =	shalt  }
0x71: {  	_ =	shalt  }
0x72: {  	_ =	shalt  }
0x73: {  	_ =	shalt  }
0x74: {  	_ =	shalt  }
0x75: {  	_ =	shalt  }
0x76: {  	_ =	shalt  }
0x77: {  	_ =	shalt  }
0x78: {  	_ =	shalt  }
0x79: {  	_ =	shalt  }
0x7a: {  	_ =	shalt  }
0x7b: {  	_ =	shalt  }
0x7c: {  	_ =	shalt  }
0x7d: {  	_ =	shalt  }
0x7e: {  	_ =	shalt  }
0x7f: {  	_ =	shalt  }
0x80: {  	_ =	shalt  }
0x81: {  	_ =	shalt  }
0x82: {  	_ =	shalt  }
0x83: {  	_ =	shalt  }
0x84: {  	_ =	shalt  }
0x85: {  	_ =	shalt  }
0x86: {  	_ =	shalt  }
0x87: {  	_ =	shalt  }
.Lfunc_end0:
.L_simem_size_0:
called_computation.1_lowered:
.L_overlay_start_0:
0x88: {  	s2 =	sld [smem:$0x3FD9]  }
0x89: {  	s3 =	sld [smem:$0x3FFE];
	_ =	sdelay $0x1  }
0x8a: {  	s1 =	srdreg.scid  }
0x8b: {  	s0 =	sand.u32 $0x1, s1  }
0x8c: {  	s16 =	sshll.u32 s0, $0xA;
	s2 =	sadd.s32 s3, s2  }
0x8d: {  	s2 =	sadd.s32 s2, s16  }
0x8e: {  	[smem:$0x3F9D] =	sst s2  }
0x8f: {  	_ = 	snop  }
0x90: {  	(tm) =	ssettm $0x1  }
0x91: {  	s17 =	sld [smem:$0x3FFB];
	_ =	sdelay $0x3  }
0x92: {  	_ =	strace s17  }
0x93: {  	s2 =	sld [smem:$0x3FFC];
	_ =	sdelay $0x3  }
0x94: {  	_ =	strace s2  }
0x95: {  	s2 =	sld [smem:$0x3FFD];
	_ =	sdelay $0x3  }
0x96: {  	_ =	strace s2  }
0x97: {  	_ =	strace $0x8FFFFFFF  }
0x98: {  	s18 =	sld [smem:$0x3FDB];
	_ =	sdelay $0x1  }
0x99: {  	s19 =	simm.s32 $_scs_section_size  }
0x9a: {  	s4 =	simm.s32 $_size__tile_overlayer_lowered;
	s5 =	simm.s32 $_tile_overlayer_lowered  }
0x9b: {  	s22 =	simm.s32 $0x1BFF;
	s21 =	sshll.u32 s5, $0x1;
	s2 =	sadd.s32 s19, s18  }
0x9c: {  	s6 =	simm.s32 $0x0;
	s20 =	sshll.u32 s4, $0x1;
	s4 =	sadd.s32 s21, s2  }
0x9d: {  	[timem:s6], [sflag:s22] =	dma.local [hbm:s4], s20  }
0x9e: {  	_ =	swait.ge [sflag:s22], s20  }
0x9f: {  	s3 =	ssub.s32 $0x0, s20;
	[sflag:s22] =	ssyncset.done $0x0  }
0xa0: {  	[sflag:s22] =	ssyncadd.s32 s3;
	_ =	sdelay $0x1  }
0xa1: {  	s23 =	simm.s32 $0x1B8B  }
0xa2: {  	_ =	swait.ge [sflag:s23], $0x1  }
0xa3: {  	[sflag:s23] =	ssyncset.done $0x0  }
0xa4: {  	s25 =	simm.s32 $0x1B8E;
	s24 =	sld [smem:$0x3FFE];
	[sflag:s23] =	ssyncadd.s32 $0xFFFFFFFF  }
0xa5: {  	s26 =	simm.s32 $execute0_lowered;
	[smem:$0x3FD2] =	sst s25  }
0xa6: {  	s4 =	sshll.u32 s26, $0x1;
	_ =	strace $0x80000049;
	[dreg:$0x1] =	wrdreg $0xFFFFFFFF  }
0xa7: {  	s28 =	simm.s32 $_size_execute0_lowered;
	s2 =	sadd.s32 s2, s4;
	[dreg:$0x0] =	wrdreg $0x0  }
0xa8: {  	s4 =	sshll.u32 s28, $0x1;
	[dreg:$0x2] =	wrdreg s2  }
0xa9: {  	[dreg:$0x3] =	wrdreg s4  }
0xaa: {  	[dreg:$0x4] =	wrdreg $0xC0  }
0xab: {  	_ =	task [dreg:s6], $0x5FFFF  }
0xac: {  	[dreg:$0x1] =	wrdreg $0xFFFFFFFF  }
0xad: {  	[dreg:$0x0] =	wrdreg $0x60  }
0xae: {  	[dreg:$0x2] =	wrdreg s24  }
0xaf: {  	[dreg:$0x3] =	wrdreg $0x0  }
0xb0: {  	[dreg:$0x4] =	wrdreg $0x9  }
0xb1: {  	_ =	task.clear_ibuf [dreg:s6], $0x5FFFF;
	_ =	strace $0x90000049  }
0xb2: {  	s29 =	simm.s32 $0x9;
	_ =	strace $0x8000004B  }
0xb3: {  	_ =	swait.ge [sflag:s29], $0x1  }
0xb4: {  	[sflag:s29] =	ssyncadd.s32 $0xFFFFFFFF  }
0xb5: {  	_ =	strace $0x9000004B  }
0xb6: {  	_ =	sfence  }
0xb7: {  	s30 =	sld [smem:$0x0];
	_ =	sdelay $0x2  }
0xb8: {  	s31 =	sshll.u32 s1, $0xD;
	s1 =	sshrl.u32 s1, $0x2  }
0xb9: {  	s3 =	sand.u32 $0x4000, s31;
	s1 =	sadd.s32 s1, s30  }
0xba: {  	s0 =	sor.u32 s3, s0;
	s1 =	sshll.u32 s1, $0x11  }
0xbb: {  	s0 =	sor.u32 s1, s0  }
0xbc: {  	s0 =	sadd.s32 $0x8F2B, s0  }
0xbd: {  	[sflag:s0] =	ssyncadd.remote.s32 $0x1  }
0xbe: {  	_ =	sfence.sel $0xFFFF  }
0xbf: {  	[dreg:$0x0] =	wrdreg $0xFFFFFFFF;
	(pc) =	sbr.abs _section_cstart, $3  }
0xc0: {  	[dreg:$0x1] =	wrdreg $0xFFFFFFFF  }
0xc1: {  	_ =	task.clear_ibuf [dreg:s6], $0x2FFFF;
	_ =	strace $0x9FFFFFFF  }
0xc2: {  	(tm) =	ssettm $0x7FFFFFFF  }
0xc3: {  	_ =	shalt  }
tec
execute0_lowered:
.L_overlay_start_1:
0x0: {  	(tag) =	ssettag $0x1  }
0x1: {  	s6 =	rddreg [dreg:$0x0]  }
0x2: {  	s2 =	rddreg [dreg:$0x1]  }
0x3: {  	s0 =	rddreg [dreg:$0x2];
	s3 =	simm.s32 $0x0;
	s4 =	srdreg.scid  }
0x4: {  	s1 =	stileid.u32;
	s16 =	simm.s32 $0x15400;
	s17 =	simm.s32 $0x80  }
0x5: {  	s18 =	simm.s32 $0x16800;
	s19 =	simm.s32 $0x1A800;
	s20 =	simm.s32 $0x1  }
0x6: {  	s21 =	simm.s32 $0x2;
	s22 =	simm.s32 $0x15380;
	s23 =	simm.s32 $0x16700  }
0x7: {  	s24 =	simm.s32 $0x16780;
	[smem:$0x7FF] =	sst s3;
	s7 =	sand.u32 $0x1, s4  }
0x8: {  	s8 =	smul.u32 $0x2800, s1;
	s4 =	sadd.s32 $0x1E600, s6;
	s10 =	sadd.s32 $0x7E00, s6  }
0x9: {  	s11 =	sadd.s32 $0x11E00, s6;
	s5 =	sadd.s32 $0x1BE00, s6;
	s12 =	smul.u32 $0x50000, s1  }
0xa: {  	s9 =	smul.u32 $0x28000, s7;
	s25 =	sshll.u32 s7, $0x4;
	s7 =	ssub.s32 $0x2, s7  }
0xb: {  	s30 =	sshll.u32 s1, $0x6;
	_ =	strace $0x8000004A;
	s26 =	sshrl.u32 s7, $0x1  }
0xc: {  	s29 =	sshrl.u32 s12, $0x2;
	s8 =	sadd.s32 s8, s9;
	s9 =	sor.u32 s1, s25  }
0xd: {  	s14 =	ssub.s32 s7, s26;
	s15 =	sadd.s32 s29, s2;
	s28 =	smul.u32 $0x2800, s9  }
0xe: {  	s25 =	simm.s32 $0x0;
	s13 =	sadd.s32 s8, s6;
	s9 =	smul.u32 $0x500, s9  }
0xf: {  	s6 =	sor.u32 $0x1C03, s30;
	s12 =	smax.u32 s14, $0x1;
	s8 =	sshrl.u32 s28, $0x3  }
0x10: {  	s14 =	simm.s32 $0x3;
	s7 =	sadd.s32 s10, s9;
	s31 =	sadd.s32 $0x280, s8  }
0x11: {  	s8 =	sadd.s32 s11, s9;
	s9 =	sadd.s32 s10, s31;
	s10 =	sadd.s32 s11, s31  }
0x12: {  	s11 =	sadd.s32 $0x45800, s13;
	s13 =	sshrl.u32 s15, $0x3;
	s15 =	simm.s32 $0x14000  }
.LBB2_1:
0x13: {  	[spmem:s13], [sflag:s6] =	dma.local [hbm:s5], $0x2800  }
0x14: {  	_ =	swait.ge [sflag:s14], $0x2800  }
0x15: {  	[sflag:s14] =	ssyncset.done $0x0  }
0x16: {  	[sflag:s14] =	ssyncadd.s32 $0xFFFFD800  }
0x17: {  	[bflag:$0x0] =	sbarrier.arrive $0xFFFF  }
0x18: {  	[tilespmem:s15], [sflag:$0x3] =	stream.linear.gather [hbm4b:s7+s3], $0x1400, $0x38;
	[tilespmem:$0x1E800] =	vst v63  }
0x19: {  	_ =	swait.ge [sflag:s14], $0x1400  }
0x1a: {  	[sflag:s14] =	ssyncset.done $0x0  }
0x1b: {  	[sflag:s14] =	ssyncadd.s32 $0xFFFFEC00  }
0x1c: {  	[tilespmem:s16], [sflag:$0x3] =	stream.linear.gather [hbm4b:s8+s3], $0x1400, $0x38;
	[tilespmem:$0x1E800] =	vst v63  }
0x1d: {  	_ =	swait.ge [sflag:s14], $0x1400  }
0x1e: {  	[sflag:s14] =	ssyncset.done $0x0  }
0x1f: {  	[sflag:s14] =	ssyncadd.s32 $0xFFFFEC00  }
0x20: {  	[tilespmem:s18], [sflag:$0x1] =	stream.indirect.gather [hbm4b:s4+s17], $0x80, s15, s17, $0xb8;
	[tilespmem:$0x1E800] =	vst v63  }
0x21: {  	s26 =	simm.s32 $0x14080  }
0x22: {  	[tilespmem:s19], [sflag:$0x2] =	stream.indirect.gather [hbm4b:s4+s17], $0x80, s26, s17, $0xb8;
	[tilespmem:$0x1E800] =	vst v63  }
0x23: {  	_ =	swait.ge [sflag:s20], $0x4000  }
0x24: {  	[sflag:s20] =	ssyncset.done $0x0  }
0x25: {  	s29 =	simm.s32 $0x15400;
	[sflag:s20] =	ssyncadd.s32 $0xFFFFC000  }
0x26: {  	[spmem:s2] =	stream.indirect.scatter.add.f32 [tilespmem:s18], [sflag:$0x3], $0x80, s29, s17, $0xb8;
	[tilespmem:$0x1E800] =	vst v63  }
0x27: {  	_ =	swait.ge [sflag:s14], $0x4000  }
0x28: {  	[sflag:s14] =	ssyncset.done $0x0  }
0x29: {  	s30 =	simm.s32 $0x14100;
	[sflag:s14] =	ssyncadd.s32 $0xFFFFC000  }
0x2a: {  	[tilespmem:s18], [sflag:$0x1] =	stream.indirect.gather [hbm4b:s4+s17], $0x80, s30, s17, $0xb8;
	[tilespmem:$0x1E800] =	vst v63  }
0x2b: {  	_ =	swait.ge [sflag:s21], $0x4000  }
0x2c: {  	[sflag:s21] =	ssyncset.done $0x0  }
0x2d: {  	s31 =	simm.s32 $0x15480;
	[sflag:s21] =	ssyncadd.s32 $0xFFFFC000  }
0x2e: {  	[spmem:s2] =	stream.indirect.scatter.add.f32 [tilespmem:s19], [sflag:$0x3], $0x80, s31, s17, $0xb8;
	[tilespmem:$0x1E800] =	vst v63  }
0x2f: {  	_ =	swait.ge [sflag:s14], $0x4000  }
0x30: {  	s28 =	simm.s32 $0x800;
	s26 =	simm.s32 $0x100;
	[sflag:s14] =	ssyncset.done $0x0  }
.LBB2_2:
0x31: {  	s29 =	sadd.s32 $0x14080, s26  }
0x32: {  	[sflag:s14] =	ssyncadd.s32 $0xFFFFC000;
	s30 =	smov.u32 s28;
	s31 =	sadd.s32 $0x400, s28  }
0x33: {  	[tilespmem:s19], [sflag:$0x2] =	stream.indirect.gather [hbm4b:s4+s17], $0x80, s29, s17, $0xb8;
	[tilespmem:$0x1E800] =	vst v63  }
0x34: {  	p0 =	sne.s32 s28, $0x4800;
	_ =	swait.ge [sflag:s20], $0x4000  }
0x35: {  	[sflag:s20] =	ssyncset.done $0x0  }
0x36: {  	s28 =	sadd.s32 $0x15400, s26;
	[sflag:s20] =	ssyncadd.s32 $0xFFFFC000  }
0x37: {  	[spmem:s2] =	stream.indirect.scatter.add.f32 [tilespmem:s18], [sflag:$0x3], $0x80, s28, s17, $0xb8;
	[tilespmem:$0x1E800] =	vst v63  }
0x38: {  	_ =	swait.ge [sflag:s14], $0x4000  }
0x39: {  	[sflag:s14] =	ssyncset.done $0x0  }
0x3a: {  	s28 =	sadd.s32 $0x14100, s26;
	[sflag:s14] =	ssyncadd.s32 $0xFFFFC000  }
0x3b: {  	[tilespmem:s18], [sflag:$0x1] =	stream.indirect.gather [hbm4b:s4+s17], $0x80, s28, s17, $0xb8;
	[tilespmem:$0x1E800] =	vst v63  }
0x3c: {  	_ =	swait.ge [sflag:s21], $0x4000  }
.Ltmp0:
0x3d: {  	[sflag:s21] =	ssyncset.done $0x0;
	(pc) =	sbr.rel @p0 .LBB2_2-.Ltmp0, $4  }
0x3e: {  	s26 =	sadd.s32 $0x15480, s26;
	[sflag:s21] =	ssyncadd.s32 $0xFFFFC000  }
0x3f: {  	[spmem:s2] =	stream.indirect.scatter.add.f32 [tilespmem:s19], [sflag:$0x3], $0x80, s26, s17, $0xb8;
	[tilespmem:$0x1E800] =	vst v63  }
0x40: {  	_ =	swait.ge [sflag:s14], $0x4000  }
0x41: {  	s28 =	smov.u32 s31;
	s26 =	sshra.s32 s30, $0x2;
	[sflag:s14] =	ssyncset.done $0x0  }
0x42: {  	s28 =	sadd.s32 $0x14080, s26;
	[sflag:s14] =	ssyncadd.s32 $0xFFFFC000  }
0x43: {  	[tilespmem:s19], [sflag:$0x2] =	stream.indirect.gather [hbm4b:s4+s17], $0x80, s28, s17, $0xb8;
	[tilespmem:$0x1E800] =	vst v63  }
0x44: {  	_ =	swait.ge [sflag:s20], $0x4000  }
0x45: {  	[sflag:s20] =	ssyncset.done $0x0  }
0x46: {  	s28 =	sadd.s32 $0x15400, s26;
	[sflag:s20] =	ssyncadd.s32 $0xFFFFC000  }
0x47: {  	[spmem:s2] =	stream.indirect.scatter.add.f32 [tilespmem:s18], [sflag:$0x3], $0x80, s28, s17, $0xb8;
	[tilespmem:$0x1E800] =	vst v63  }
0x48: {  	_ =	swait.ge [sflag:s14], $0x4000  }
0x49: {  	[sflag:s14] =	ssyncset.done $0x0  }
0x4a: {  	s28 =	sadd.s32 $0x14100, s26;
	[sflag:s14] =	ssyncadd.s32 $0xFFFFC000  }
0x4b: {  	[tilespmem:s18], [sflag:$0x1] =	stream.indirect.gather [hbm4b:s4+s17], $0x80, s28, s17, $0xb8;
	[tilespmem:$0x1E800] =	vst v63  }
0x4c: {  	_ =	swait.ge [sflag:s21], $0x4000  }
0x4d: {  	[sflag:s21] =	ssyncset.done $0x0  }
0x4e: {  	s29 =	sadd.s32 $0x15480, s26;
	[sflag:s21] =	ssyncadd.s32 $0xFFFFC000  }
0x4f: {  	[spmem:s2] =	stream.indirect.scatter.add.f32 [tilespmem:s19], [sflag:$0x3], $0x80, s29, s17, $0xb8;
	[tilespmem:$0x1E800] =	vst v63  }
0x50: {  	_ =	swait.ge [sflag:s14], $0x4000  }
0x51: {  	[sflag:s14] =	ssyncset.done $0x0  }
0x52: {  	[sflag:s14] =	ssyncadd.s32 $0xFFFFC000  }
0x53: {  	[tilespmem:s19], [sflag:$0x2] =	stream.indirect.gather [hbm4b:s4+s17], $0x80, s22, s17, $0xb8;
	[tilespmem:$0x1E800] =	vst v63  }
0x54: {  	_ =	swait.ge [sflag:s20], $0x4000  }
0x55: {  	[sflag:s20] =	ssyncset.done $0x0  }
0x56: {  	[sflag:s20] =	ssyncadd.s32 $0xFFFFC000  }
0x57: {  	[spmem:s2] =	stream.indirect.scatter.add.f32 [tilespmem:s18], [sflag:$0x3], $0x80, s23, s17, $0xb8;
	[tilespmem:$0x1E800] =	vst v63  }
0x58: {  	_ =	swait.ge [sflag:s14], $0x4000  }
0x59: {  	[sflag:s14] =	ssyncset.done $0x0  }
0x5a: {  	[sflag:s14] =	ssyncadd.s32 $0xFFFFC000  }
0x5b: {  	_ =	swait.ge [sflag:s21], $0x4000  }
0x5c: {  	[sflag:s21] =	ssyncset.done $0x0  }
0x5d: {  	[sflag:s21] =	ssyncadd.s32 $0xFFFFC000  }
0x5e: {  	[spmem:s2] =	stream.indirect.scatter.add.f32 [tilespmem:s19], [sflag:$0x3], $0x80, s24, s17, $0xb8;
	[tilespmem:$0x1E800] =	vst v63  }
0x5f: {  	_ =	swait.ge [sflag:s14], $0x4000  }
0x60: {  	[sflag:s14] =	ssyncset.done $0x0  }
0x61: {  	s30 =	simm.s32 $0x0;
	[sflag:s14] =	ssyncadd.s32 $0xFFFFC000  }
0x62: {  	[tilespmem:s15], [sflag:$0x3] =	stream.linear.gather [hbm4b:s9+s30], $0x1400, $0x38;
	[tilespmem:$0x1E800] =	vst v63  }
0x63: {  	_ =	swait.ge [sflag:s14], $0x1400  }
0x64: {  	[sflag:s14] =	ssyncset.done $0x0  }
0x65: {  	[sflag:s14] =	ssyncadd.s32 $0xFFFFEC00  }
0x66: {  	[tilespmem:s16], [sflag:$0x3] =	stream.linear.gather [hbm4b:s10+s30], $0x1400, $0x38;
	[tilespmem:$0x1E800] =	vst v63  }
0x67: {  	_ =	swait.ge [sflag:s14], $0x1400  }
0x68: {  	[sflag:s14] =	ssyncset.done $0x0  }
0x69: {  	[sflag:s14] =	ssyncadd.s32 $0xFFFFEC00  }
0x6a: {  	[tilespmem:s18], [sflag:$0x1] =	stream.indirect.gather [hbm4b:s4+s17], $0x80, s15, s17, $0xb8;
	[tilespmem:$0x1E800] =	vst v63  }
0x6b: {  	s31 =	simm.s32 $0x14080  }
0x6c: {  	[tilespmem:s19], [sflag:$0x2] =	stream.indirect.gather [hbm4b:s4+s17], $0x80, s31, s17, $0xb8;
	[tilespmem:$0x1E800] =	vst v63  }
0x6d: {  	_ =	swait.ge [sflag:s20], $0x4000  }
0x6e: {  	[sflag:s20] =	ssyncset.done $0x0  }
0x6f: {  	s29 =	simm.s32 $0x15400;
	[sflag:s20] =	ssyncadd.s32 $0xFFFFC000  }
0x70: {  	[spmem:s2] =	stream.indirect.scatter.add.f32 [tilespmem:s18], [sflag:$0x3], $0x80, s29, s17, $0xb8;
	[tilespmem:$0x1E800] =	vst v63  }
0x71: {  	_ =	swait.ge [sflag:s14], $0x4000  }
0x72: {  	[sflag:s14] =	ssyncset.done $0x0  }
0x73: {  	s30 =	simm.s32 $0x14100;
	[sflag:s14] =	ssyncadd.s32 $0xFFFFC000  }
0x74: {  	[tilespmem:s18], [sflag:$0x1] =	stream.indirect.gather [hbm4b:s4+s17], $0x80, s30, s17, $0xb8;
	[tilespmem:$0x1E800] =	vst v63  }
0x75: {  	_ =	swait.ge [sflag:s21], $0x4000  }
0x76: {  	[sflag:s21] =	ssyncset.done $0x0  }
0x77: {  	s31 =	simm.s32 $0x15480;
	[sflag:s21] =	ssyncadd.s32 $0xFFFFC000  }
0x78: {  	[spmem:s2] =	stream.indirect.scatter.add.f32 [tilespmem:s19], [sflag:$0x3], $0x80, s31, s17, $0xb8;
	[tilespmem:$0x1E800] =	vst v63  }
0x79: {  	_ =	swait.ge [sflag:s14], $0x4000  }
0x7a: {  	s26 =	simm.s32 $0x100;
	s28 =	simm.s32 $0x800;
	[sflag:s14] =	ssyncset.done $0x0  }
.LBB2_4:
0x7b: {  	s29 =	sadd.s32 $0x14080, s26  }
0x7c: {  	[sflag:s14] =	ssyncadd.s32 $0xFFFFC000;
	s30 =	smov.u32 s28;
	s31 =	sadd.s32 $0x400, s28  }
0x7d: {  	[tilespmem:s19], [sflag:$0x2] =	stream.indirect.gather [hbm4b:s4+s17], $0x80, s29, s17, $0xb8;
	[tilespmem:$0x1E800] =	vst v63  }
0x7e: {  	p0 =	sne.s32 s28, $0x4800;
	_ =	swait.ge [sflag:s20], $0x4000  }
0x7f: {  	[sflag:s20] =	ssyncset.done $0x0  }
0x80: {  	s28 =	sadd.s32 $0x15400, s26;
	[sflag:s20] =	ssyncadd.s32 $0xFFFFC000  }
0x81: {  	[spmem:s2] =	stream.indirect.scatter.add.f32 [tilespmem:s18], [sflag:$0x3], $0x80, s28, s17, $0xb8;
	[tilespmem:$0x1E800] =	vst v63  }
0x82: {  	_ =	swait.ge [sflag:s14], $0x4000  }
0x83: {  	[sflag:s14] =	ssyncset.done $0x0  }
0x84: {  	s28 =	sadd.s32 $0x14100, s26;
	[sflag:s14] =	ssyncadd.s32 $0xFFFFC000  }
0x85: {  	[tilespmem:s18], [sflag:$0x1] =	stream.indirect.gather [hbm4b:s4+s17], $0x80, s28, s17, $0xb8;
	[tilespmem:$0x1E800] =	vst v63  }
0x86: {  	_ =	swait.ge [sflag:s21], $0x4000  }
.Ltmp1:
0x87: {  	[sflag:s21] =	ssyncset.done $0x0;
	(pc) =	sbr.rel @p0 .LBB2_4-.Ltmp1, $4  }
0x88: {  	s26 =	sadd.s32 $0x15480, s26;
	[sflag:s21] =	ssyncadd.s32 $0xFFFFC000  }
0x89: {  	[spmem:s2] =	stream.indirect.scatter.add.f32 [tilespmem:s19], [sflag:$0x3], $0x80, s26, s17, $0xb8;
	[tilespmem:$0x1E800] =	vst v63  }
0x8a: {  	_ =	swait.ge [sflag:s14], $0x4000  }
0x8b: {  	s28 =	smov.u32 s31;
	s26 =	sshra.s32 s30, $0x2;
	[sflag:s14] =	ssyncset.done $0x0  }
0x8c: {  	s28 =	sadd.s32 $0x14080, s26;
	[sflag:s14] =	ssyncadd.s32 $0xFFFFC000  }
0x8d: {  	[tilespmem:s19], [sflag:$0x2] =	stream.indirect.gather [hbm4b:s4+s17], $0x80, s28, s17, $0xb8;
	[tilespmem:$0x1E800] =	vst v63  }
0x8e: {  	_ =	swait.ge [sflag:s20], $0x4000  }
0x8f: {  	[sflag:s20] =	ssyncset.done $0x0  }
0x90: {  	s29 =	sadd.s32 $0x15400, s26;
	[sflag:s20] =	ssyncadd.s32 $0xFFFFC000  }
0x91: {  	[spmem:s2] =	stream.indirect.scatter.add.f32 [tilespmem:s18], [sflag:$0x3], $0x80, s29, s17, $0xb8;
	[tilespmem:$0x1E800] =	vst v63  }
0x92: {  	_ =	swait.ge [sflag:s14], $0x4000  }
0x93: {  	[sflag:s14] =	ssyncset.done $0x0  }
0x94: {  	s30 =	sadd.s32 $0x14100, s26;
	[sflag:s14] =	ssyncadd.s32 $0xFFFFC000  }
0x95: {  	[tilespmem:s18], [sflag:$0x1] =	stream.indirect.gather [hbm4b:s4+s17], $0x80, s30, s17, $0xb8;
	[tilespmem:$0x1E800] =	vst v63  }
0x96: {  	_ =	swait.ge [sflag:s21], $0x4000  }
0x97: {  	[sflag:s21] =	ssyncset.done $0x0  }
0x98: {  	s31 =	sadd.s32 $0x15480, s26;
	[sflag:s21] =	ssyncadd.s32 $0xFFFFC000  }
0x99: {  	[spmem:s2] =	stream.indirect.scatter.add.f32 [tilespmem:s19], [sflag:$0x3], $0x80, s31, s17, $0xb8;
	[tilespmem:$0x1E800] =	vst v63  }
0x9a: {  	_ =	swait.ge [sflag:s14], $0x4000  }
0x9b: {  	[sflag:s14] =	ssyncset.done $0x0  }
0x9c: {  	[sflag:s14] =	ssyncadd.s32 $0xFFFFC000  }
0x9d: {  	[tilespmem:s19], [sflag:$0x2] =	stream.indirect.gather [hbm4b:s4+s17], $0x80, s22, s17, $0xb8;
	[tilespmem:$0x1E800] =	vst v63  }
0x9e: {  	_ =	swait.ge [sflag:s20], $0x4000  }
0x9f: {  	[sflag:s20] =	ssyncset.done $0x0  }
0xa0: {  	[sflag:s20] =	ssyncadd.s32 $0xFFFFC000  }
0xa1: {  	[spmem:s2] =	stream.indirect.scatter.add.f32 [tilespmem:s18], [sflag:$0x3], $0x80, s23, s17, $0xb8;
	[tilespmem:$0x1E800] =	vst v63  }
0xa2: {  	_ =	swait.ge [sflag:s14], $0x4000  }
0xa3: {  	[sflag:s14] =	ssyncset.done $0x0  }
0xa4: {  	[sflag:s14] =	ssyncadd.s32 $0xFFFFC000  }
0xa5: {  	_ =	swait.ge [sflag:s21], $0x4000  }
0xa6: {  	[sflag:s21] =	ssyncset.done $0x0  }
0xa7: {  	[sflag:s21] =	ssyncadd.s32 $0xFFFFC000  }
0xa8: {  	[spmem:s2] =	stream.indirect.scatter.add.f32 [tilespmem:s19], [sflag:$0x3], $0x80, s24, s17, $0xb8;
	[tilespmem:$0x1E800] =	vst v63  }
0xa9: {  	_ =	swait.ge [sflag:s14], $0x4000  }
0xaa: {  	s25 =	sadd.s32 $0x1, s25;
	[sflag:s14] =	ssyncset.done $0x0  }
0xab: {  	p0 =	sne.s32 s25, s12;
	[sflag:s14] =	ssyncadd.s32 $0xFFFFC000  }
.Ltmp2:
0xac: {  	[bflag:$0x0] =	sbarrier.arrive $0xFFFF;
	(pc) =	sbr.rel @p0 .LBB2_1-.Ltmp2, $4  }
0xad: {  	[hbm:s11], [sflag:s6] =	dma.local [spmem:s13], $0x2800  }
0xae: {  	_ =	swait.ge [sflag:s14], $0x2800  }
0xaf: {  	[sflag:s14] =	ssyncset.done $0x0  }
0xb0: {  	[sflag:s14] =	ssyncadd.s32 $0xFFFFD800  }
0xb1: {  	_ =	sfence.sel $0x180000  }
0xb2: {  	[bflag:$0x0] =	sbarrier.arrive $0xFFFF  }
0xb3: {  	p0 =	sne.s32 s1, $0x0;
	_ =	strace $0x9000004A  }
0xb4: {  	s0 =	sadd.s32 @!p0 $0x100000, s0;
	[bflag:$0x2] =	sbarrier.arrive $0xFFFF  }
0xb5: {  	[sflag:s0] =	ssyncadd.tile.s32 @!p0 $0x1;
	_ =	shalt  }
.Lfunc_end2:
_tile_overlayer_lowered:
.L_overlay_start_2:
0xb6: {  	(tag) =	ssettag $0x2  }
0xb7: {  	s0 =	rddreg [dreg:$0x0];
	s2 =	stileid.u32  }
0xb8: {  	s1 =	rddreg [dreg:$0x1];
	p0 =	sne.s32 s2, $0x0  }
0xb9: {  	s3 =	rddreg [dreg:$0x2];
	[bflag:$0x3] =	sbarrier.arrive $0xFFFF;
	s2 =	simm.s32 @!p0 $0x1C03  }
0xba: {  	[timem:s3], [sflag:s2] =	dma.local @!p0 [hbm:s0], s1  }
0xbb: {  	s0 =	simm.s32 @!p0 $0x3  }
0xbc: {  	_ =	swait.ge @!p0 [sflag:s0], s1  }
0xbd: {  	s1 =	ssub.s32 @!p0 $0x0, s1;
	[sflag:s0] =	ssyncset.done @!p0 $0x0  }
0xbe: {  	[sflag:s0] =	ssyncadd.s32 @!p0 s1  }
0xbf: {  	[bflag:$0x3] =	sbarrier.arrive $0xFFFF  }
0xc0: {  	_ =	shalt  }

// kernel: kernel.14.cloned.1.call-start
scs
__scs_entry_jumppad:
0x0: {  	(pc) =	sbr.rel $0x88, $3  }
0x1: {  	(tag) =	ssettag $0x0;
	lr =	simm.s32 $0x1  }
0x2: {  	[smem:$0x3F76] =	sst lr;
	_ =	strace $0xD0000000  }
0x3: {  	_ = 	snop  }
0x4: {  	_ = 	snop  }
0x5: {  	_ = 	snop  }
0x6: {  	_ = 	snop  }
0x7: {  	_ = 	snop  }
__scs_overlays_trampoline_lowered:
0x8: {  	[smem:$0x3F85] =	sst s0  }
0x9: {  	[smem:$0x3F86] =	sst s1  }
0xa: {  	[smem:$0x3F87] =	sst s2  }
0xb: {  	[smem:$0x3F88] =	sst s3  }
0xc: {  	[smem:$0x3F89] =	sst s4  }
0xd: {  	[smem:$0x3F8A] =	sst s5  }
0xe: {  	[smem:$0x3F8B] =	sst s6  }
0xf: {  	[smem:$0x3F8C] =	sst s7  }
0x10: {  	[smem:$0x3F8D] =	sst s8  }
0x11: {  	[smem:$0x3F8E] =	sst s9;
	s0 =	simm.s32 @!p0 $0x0  }
0x12: {  	s1 =	sld [smem:$0x3F74];
	s0 =	simm.s32 @p0 $0x1  }
0x13: {  	[smem:$0x3F8F] =	sst s0;
	s0 =	simm.s32 @!p1 $0x0  }
0x14: {  	s2 =	sld [smem:$0x3F73];
	s0 =	simm.s32 @p1 $0x1  }
0x15: {  	[smem:$0x3F90] =	sst s0;
	s0 =	simm.s32 @!p2 $0x0  }
0x16: {  	s3 =	sld [smem:$0x3FDB];
	s0 =	simm.s32 @p2 $0x1  }
0x17: {  	s4 =	simm.s32 $0x1BF5;
	[smem:$0x3F92] =	sst s0  }
0x18: {  	s0 =	sld [smem:$0x3F75];
	_ =	swait.ge [sflag:s4], $0x0  }
0x19: {  	s7 =	sld [smem:$0x3F76]  }
0x1a: {  	s8 =	sadd.s32 $0xFFFFE003, lr  }
0x1b: {  	s9 =	sadd.s32 $0xFFFFFEF7, lr;
	s5 =	simm.s32 $0xFFFFFFFF;
	p2 =	slt.u32 s8, $0xFFFFF086  }
0x1c: {  	p1 =	slt.u32 s9, $0xF7A;
	s5 =	simm.s32 @!p2 $0x0  }
0x1d: {  	s5 =	simm.s32 @p1 $0x1;
	p0 =	seq.s32 s7, s2  }
0x1e: {  	s7 =	smul.u32 @!p0 $0xF7A, s2;
	p2 =	seq.s32 @!p0 s5, $0x0  }
0x1f: {  	s9 =	smul.u32 $0xF7A, s1;
	s8 =	simm.s32 @!p0 $0x1BF5;
	p2 =	por !p2, p0  }
0x20: {  	[sflag:s8] =	ssyncset.s32 @!p0 $0xFFFFF086;
	s6 =	sadd.s32 @!p0 s3, s7;
	s7 =	simm.s32 @!p0 $0x108  }
0x21: {  	s3 =	sadd.s32 s3, s9;
	s6 =	sadd.s32 @!p0 $0x88, s6;
	s7 =	simm.s32 @p2 $0x1082  }
0x22: {  	[simem:s7], [sflag:s8] =	dma.local @!p0 [hbm:s6], $0xF7A  }
0x23: {  	s9 =	sor.u32 $0xD0000000, s2;
	s6 =	simm.s32 $0x108;
	_ =	swait.ge @!p0 [sflag:s8], $0x0  }
0x24: {  	s3 =	sadd.s32 $0x88, s3;
	s6 =	simm.s32 @!p1 $0x1082;
	[sflag:s4] =	ssyncset.s32 $0xFFFFF086  }
0x25: {  	[simem:s6], [sflag:s4] =	dma.local [hbm:s3], $0xF7A  }
0x26: {  	[smem:$0x3F76] =	sst s1;
	(tag) =	ssettag s2;
	_ =	strace s9  }
0x27: {  	s1 =	sld [smem:$0x3F86]  }
0x28: {  	s2 =	sld [smem:$0x3F87]  }
0x29: {  	s4 =	sld [smem:$0x3F89]  }
0x2a: {  	p0 =	seq.s32 s5, $0x0;
	s5 =	sld [smem:$0x3F8A]  }
0x2b: {  	s6 =	sld [smem:$0x3F8B]  }
0x2c: {  	s7 =	sld [smem:$0x3F8C]  }
0x2d: {  	s3 =	simm.s32 $0x108;
	s8 =	sld [smem:$0x3F8D]  }
0x2e: {  	s3 =	simm.s32 @!p0 $0x1082;
	s9 =	sld [smem:$0x3F8E]  }
0x2f: {  	lr =	sadd.s32 s0, s3;
	s0 =	sld [smem:$0x3F85]  }
0x30: {  	s3 =	sld [smem:$0x3F88]  }
0x31: {  	[smem:$0x3F91] =	sst s10  }
0x32: {  	s10 =	sld [smem:$0x3F8F];
	_ =	sdelay $0x3  }
0x33: {  	p0 =	seq.s32 s10, $0x1;
	s10 =	sld [smem:$0x3F91];
	_ =	sdelay $0x3  }
0x34: {  	[smem:$0x3F91] =	sst s10  }
0x35: {  	s10 =	sld [smem:$0x3F90];
	_ =	sdelay $0x3  }
0x36: {  	p1 =	seq.s32 s10, $0x1;
	s10 =	sld [smem:$0x3F91];
	_ =	sdelay $0x3  }
0x37: {  	[smem:$0x3F91] =	sst s10  }
0x38: {  	s10 =	sld [smem:$0x3F92]  }
0x39: {  	_ = 	snop;
	(pc) =	sbr.ind lr, $3  }
0x3a: {  	_ = 	snop  }
0x3b: {  	_ = 	snop  }
0x3c: {  	p2 =	seq.s32 s10, $0x1;
	s10 =	sld [smem:$0x3F91]  }
0x3d: {  	_ =	shalt  }
0x3e: {  	_ =	shalt  }
0x3f: {  	_ =	shalt  }
0x40: {  	_ =	shalt  }
0x41: {  	_ =	shalt  }
0x42: {  	_ =	shalt  }
0x43: {  	_ =	shalt  }
0x44: {  	_ =	shalt  }
0x45: {  	_ =	shalt  }
0x46: {  	_ =	shalt  }
0x47: {  	_ =	shalt  }
0x48: {  	_ =	shalt  }
0x49: {  	_ =	shalt  }
0x4a: {  	_ =	shalt  }
0x4b: {  	_ =	shalt  }
0x4c: {  	_ =	shalt  }
0x4d: {  	_ =	shalt  }
0x4e: {  	_ =	shalt  }
0x4f: {  	_ =	shalt  }
0x50: {  	_ =	shalt  }
0x51: {  	_ =	shalt  }
0x52: {  	_ =	shalt  }
0x53: {  	_ =	shalt  }
0x54: {  	_ =	shalt  }
0x55: {  	_ =	shalt  }
0x56: {  	_ =	shalt  }
0x57: {  	_ =	shalt  }
0x58: {  	_ =	shalt  }
0x59: {  	_ =	shalt  }
0x5a: {  	_ =	shalt  }
0x5b: {  	_ =	shalt  }
0x5c: {  	_ =	shalt  }
0x5d: {  	_ =	shalt  }
0x5e: {  	_ =	shalt  }
0x5f: {  	_ =	shalt  }
0x60: {  	_ =	shalt  }
0x61: {  	_ =	shalt  }
0x62: {  	_ =	shalt  }
0x63: {  	_ =	shalt  }
0x64: {  	_ =	shalt  }
0x65: {  	_ =	shalt  }
0x66: {  	_ =	shalt  }
0x67: {  	_ =	shalt  }
0x68: {  	_ =	shalt  }
0x69: {  	_ =	shalt  }
0x6a: {  	_ =	shalt  }
0x6b: {  	_ =	shalt  }
0x6c: {  	_ =	shalt  }
0x6d: {  	_ =	shalt  }
0x6e: {  	_ =	shalt  }
0x6f: {  	_ =	shalt  }
0x70: {  	_ =	shalt  }
0x71: {  	_ =	shalt  }
0x72: {  	_ =	shalt  }
0x73: {  	_ =	shalt  }
0x74: {  	_ =	shalt  }
0x75: {  	_ =	shalt  }
0x76: {  	_ =	shalt  }
0x77: {  	_ =	shalt  }
0x78: {  	_ =	shalt  }
0x79: {  	_ =	shalt  }
0x7a: {  	_ =	shalt  }
0x7b: {  	_ =	shalt  }
0x7c: {  	_ =	shalt  }
0x7d: {  	_ =	shalt  }
0x7e: {  	_ =	shalt  }
0x7f: {  	_ =	shalt  }
0x80: {  	_ =	shalt  }
0x81: {  	_ =	shalt  }
0x82: {  	_ =	shalt  }
0x83: {  	_ =	shalt  }
0x84: {  	_ =	shalt  }
0x85: {  	_ =	shalt  }
0x86: {  	_ =	shalt  }
0x87: {  	_ =	shalt  }
.Lfunc_end0:
.L_simem_size_0:
called_computation.2_lowered:
.L_overlay_start_0:
0x88: {  	s2 =	sld [smem:$0x3FD9]  }
0x89: {  	s3 =	sld [smem:$0x3FFE];
	_ =	sdelay $0x1  }
0x8a: {  	s1 =	srdreg.scid  }
0x8b: {  	s0 =	sand.u32 $0x1, s1  }
0x8c: {  	s16 =	sshll.u32 s0, $0xA;
	s2 =	sadd.s32 s3, s2  }
0x8d: {  	s2 =	sadd.s32 s2, s16  }
0x8e: {  	[smem:$0x3F9D] =	sst s2  }
0x8f: {  	_ = 	snop  }
0x90: {  	(tm) =	ssettm $0x1  }
0x91: {  	s17 =	sld [smem:$0x3FFB];
	_ =	sdelay $0x3  }
0x92: {  	_ =	strace s17  }
0x93: {  	s2 =	sld [smem:$0x3FFC];
	_ =	sdelay $0x3  }
0x94: {  	_ =	strace s2  }
0x95: {  	s2 =	sld [smem:$0x3FFD];
	_ =	sdelay $0x3  }
0x96: {  	_ =	strace s2  }
0x97: {  	_ =	strace $0x8FFFFFFF  }
0x98: {  	s18 =	sld [smem:$0x3FDB];
	_ =	sdelay $0x1  }
0x99: {  	s19 =	simm.s32 $_scs_section_size  }
0x9a: {  	s4 =	simm.s32 $_size__tile_overlayer_lowered;
	s5 =	simm.s32 $_tile_overlayer_lowered  }
0x9b: {  	s22 =	simm.s32 $0x1BFF;
	s21 =	sshll.u32 s5, $0x1;
	s2 =	sadd.s32 s19, s18  }
0x9c: {  	s6 =	simm.s32 $0x0;
	s20 =	sshll.u32 s4, $0x1;
	s4 =	sadd.s32 s21, s2  }
0x9d: {  	[timem:s6], [sflag:s22] =	dma.local [hbm:s4], s20  }
0x9e: {  	_ =	swait.ge [sflag:s22], s20  }
0x9f: {  	s3 =	ssub.s32 $0x0, s20;
	[sflag:s22] =	ssyncset.done $0x0  }
0xa0: {  	[sflag:s22] =	ssyncadd.s32 s3;
	_ =	sdelay $0x1  }
0xa1: {  	s23 =	simm.s32 $0x1B8B  }
0xa2: {  	_ =	swait.ge [sflag:s23], $0x1  }
0xa3: {  	[sflag:s23] =	ssyncset.done $0x0  }
0xa4: {  	s25 =	simm.s32 $0x1B8E;
	s24 =	sld [smem:$0x3FFE];
	[sflag:s23] =	ssyncadd.s32 $0xFFFFFFFF  }
0xa5: {  	s26 =	simm.s32 $execute0_lowered;
	[smem:$0x3FD2] =	sst s25  }
0xa6: {  	s4 =	sshll.u32 s26, $0x1;
	_ =	strace $0x8000004C;
	[dreg:$0x1] =	wrdreg $0xFFFFFFFF  }
0xa7: {  	s28 =	simm.s32 $_size_execute0_lowered;
	s2 =	sadd.s32 s2, s4;
	[dreg:$0x0] =	wrdreg $0x0  }
0xa8: {  	s4 =	sshll.u32 s28, $0x1;
	[dreg:$0x2] =	wrdreg s2  }
0xa9: {  	[dreg:$0x3] =	wrdreg s4  }
0xaa: {  	[dreg:$0x4] =	wrdreg $0xC0  }
0xab: {  	_ =	task [dreg:s6], $0x5FFFF  }
0xac: {  	[dreg:$0x1] =	wrdreg $0xFFFFFFFF  }
0xad: {  	[dreg:$0x0] =	wrdreg $0x60  }
0xae: {  	[dreg:$0x2] =	wrdreg s24  }
0xaf: {  	[dreg:$0x3] =	wrdreg $0x0  }
0xb0: {  	[dreg:$0x4] =	wrdreg $0x9  }
0xb1: {  	_ =	task.clear_ibuf [dreg:s6], $0x5FFFF;
	_ =	strace $0x9000004C  }
0xb2: {  	s29 =	simm.s32 $0x9;
	_ =	strace $0x8000004E  }
0xb3: {  	_ =	swait.ge [sflag:s29], $0x1  }
0xb4: {  	[sflag:s29] =	ssyncadd.s32 $0xFFFFFFFF  }
0xb5: {  	_ =	strace $0x9000004E  }
0xb6: {  	_ =	sfence  }
0xb7: {  	s30 =	sld [smem:$0x0];
	_ =	sdelay $0x2  }
0xb8: {  	s31 =	sshll.u32 s1, $0xD;
	s1 =	sshrl.u32 s1, $0x2  }
0xb9: {  	s3 =	sand.u32 $0x4000, s31;
	s1 =	sadd.s32 s1, s30  }
0xba: {  	s0 =	sor.u32 s3, s0;
	s1 =	sshll.u32 s1, $0x11  }
0xbb: {  	s0 =	sor.u32 s1, s0  }
0xbc: {  	s0 =	sadd.s32 $0x8F2B, s0  }
0xbd: {  	[sflag:s0] =	ssyncadd.remote.s32 $0x1  }
0xbe: {  	_ =	sfence.sel $0xFFFF  }
0xbf: {  	[dreg:$0x0] =	wrdreg $0xFFFFFFFF;
	(pc) =	sbr.abs _section_cstart, $3  }
0xc0: {  	[dreg:$0x1] =	wrdreg $0xFFFFFFFF  }
0xc1: {  	_ =	task.clear_ibuf [dreg:s6], $0x2FFFF;
	_ =	strace $0x9FFFFFFF  }
0xc2: {  	(tm) =	ssettm $0x7FFFFFFF  }
0xc3: {  	_ =	shalt  }
tec
execute0_lowered:
.L_overlay_start_1:
0x0: {  	(tag) =	ssettag $0x1  }
0x1: {  	s6 =	rddreg [dreg:$0x0]  }
0x2: {  	s2 =	rddreg [dreg:$0x1]  }
0x3: {  	s0 =	rddreg [dreg:$0x2];
	s3 =	simm.s32 $0x0;
	s4 =	srdreg.scid  }
0x4: {  	s1 =	stileid.u32;
	s16 =	simm.s32 $0x15400;
	s17 =	simm.s32 $0x80  }
0x5: {  	s18 =	simm.s32 $0x16800;
	s19 =	simm.s32 $0x1A800;
	s20 =	simm.s32 $0x1  }
0x6: {  	s21 =	simm.s32 $0x2;
	s22 =	simm.s32 $0x15380;
	s23 =	simm.s32 $0x16700  }
0x7: {  	s24 =	simm.s32 $0x16780;
	[smem:$0x7FF] =	sst s3;
	s7 =	sand.u32 $0x1, s4  }
0x8: {  	s8 =	smul.u32 $0x2800, s1;
	s4 =	sadd.s32 $0x1E600, s6;
	s10 =	sadd.s32 $0x7E00, s6  }
0x9: {  	s11 =	sadd.s32 $0x11E00, s6;
	s5 =	sadd.s32 $0x1BE00, s6;
	s12 =	smul.u32 $0x50000, s1  }
0xa: {  	s9 =	smul.u32 $0x28000, s7;
	s25 =	sshll.u32 s7, $0x4;
	s7 =	ssub.s32 $0x2, s7  }
0xb: {  	s30 =	sshll.u32 s1, $0x6;
	_ =	strace $0x8000004D;
	s26 =	sshrl.u32 s7, $0x1  }
0xc: {  	s29 =	sshrl.u32 s12, $0x2;
	s8 =	sadd.s32 s8, s9;
	s9 =	sor.u32 s1, s25  }
0xd: {  	s14 =	ssub.s32 s7, s26;
	s15 =	sadd.s32 s29, s2;
	s28 =	smul.u32 $0x2800, s9  }
0xe: {  	s25 =	simm.s32 $0x0;
	s13 =	sadd.s32 s8, s6;
	s9 =	smul.u32 $0x500, s9  }
0xf: {  	s6 =	sor.u32 $0x1C03, s30;
	s12 =	smax.u32 s14, $0x1;
	s8 =	sshrl.u32 s28, $0x3  }
0x10: {  	s14 =	simm.s32 $0x3;
	s7 =	sadd.s32 s10, s9;
	s31 =	sadd.s32 $0x280, s8  }
0x11: {  	s8 =	sadd.s32 s11, s9;
	s9 =	sadd.s32 s10, s31;
	s10 =	sadd.s32 s11, s31  }
0x12: {  	s11 =	sadd.s32 $0x45800, s13;
	s13 =	sshrl.u32 s15, $0x3;
	s15 =	simm.s32 $0x14000  }
.LBB2_1:
0x13: {  	[spmem:s13], [sflag:s6] =	dma.local [hbm:s5], $0x2800  }
0x14: {  	_ =	swait.ge [sflag:s14], $0x2800  }
0x15: {  	[sflag:s14] =	ssyncset.done $0x0  }
0x16: {  	[sflag:s14] =	ssyncadd.s32 $0xFFFFD800  }
0x17: {  	[bflag:$0x0] =	sbarrier.arrive $0xFFFF  }
0x18: {  	[tilespmem:s15], [sflag:$0x3] =	stream.linear.gather [hbm4b:s7+s3], $0x1400, $0x38;
	[tilespmem:$0x1E800] =	vst v63  }
0x19: {  	_ =	swait.ge [sflag:s14], $0x1400  }
0x1a: {  	[sflag:s14] =	ssyncset.done $0x0  }
0x1b: {  	[sflag:s14] =	ssyncadd.s32 $0xFFFFEC00  }
0x1c: {  	[tilespmem:s16], [sflag:$0x3] =	stream.linear.gather [hbm4b:s8+s3], $0x1400, $0x38;
	[tilespmem:$0x1E800] =	vst v63  }
0x1d: {  	_ =	swait.ge [sflag:s14], $0x1400  }
0x1e: {  	[sflag:s14] =	ssyncset.done $0x0  }
0x1f: {  	[sflag:s14] =	ssyncadd.s32 $0xFFFFEC00  }
0x20: {  	[tilespmem:s18], [sflag:$0x1] =	stream.indirect.gather [hbm4b:s4+s17], $0x80, s15, s17, $0xb8;
	[tilespmem:$0x1E800] =	vst v63  }
0x21: {  	s26 =	simm.s32 $0x14080  }
0x22: {  	[tilespmem:s19], [sflag:$0x2] =	stream.indirect.gather [hbm4b:s4+s17], $0x80, s26, s17, $0xb8;
	[tilespmem:$0x1E800] =	vst v63  }
0x23: {  	_ =	swait.ge [sflag:s20], $0x4000  }
0x24: {  	[sflag:s20] =	ssyncset.done $0x0  }
0x25: {  	s29 =	simm.s32 $0x15400;
	[sflag:s20] =	ssyncadd.s32 $0xFFFFC000  }
0x26: {  	[spmem:s2] =	stream.indirect.scatter.add.f32 [tilespmem:s18], [sflag:$0x3], $0x80, s29, s17, $0xb8;
	[tilespmem:$0x1E800] =	vst v63  }
0x27: {  	_ =	swait.ge [sflag:s14], $0x4000  }
0x28: {  	[sflag:s14] =	ssyncset.done $0x0  }
0x29: {  	s30 =	simm.s32 $0x14100;
	[sflag:s14] =	ssyncadd.s32 $0xFFFFC000  }
0x2a: {  	[tilespmem:s18], [sflag:$0x1] =	stream.indirect.gather [hbm4b:s4+s17], $0x80, s30, s17, $0xb8;
	[tilespmem:$0x1E800] =	vst v63  }
0x2b: {  	_ =	swait.ge [sflag:s21], $0x4000  }
0x2c: {  	[sflag:s21] =	ssyncset.done $0x0  }
0x2d: {  	s31 =	simm.s32 $0x15480;
	[sflag:s21] =	ssyncadd.s32 $0xFFFFC000  }
0x2e: {  	[spmem:s2] =	stream.indirect.scatter.add.f32 [tilespmem:s19], [sflag:$0x3], $0x80, s31, s17, $0xb8;
	[tilespmem:$0x1E800] =	vst v63  }
0x2f: {  	_ =	swait.ge [sflag:s14], $0x4000  }
0x30: {  	s28 =	simm.s32 $0x800;
	s26 =	simm.s32 $0x100;
	[sflag:s14] =	ssyncset.done $0x0  }
.LBB2_2:
0x31: {  	s29 =	sadd.s32 $0x14080, s26  }
0x32: {  	[sflag:s14] =	ssyncadd.s32 $0xFFFFC000;
	s30 =	smov.u32 s28;
	s31 =	sadd.s32 $0x400, s28  }
0x33: {  	[tilespmem:s19], [sflag:$0x2] =	stream.indirect.gather [hbm4b:s4+s17], $0x80, s29, s17, $0xb8;
	[tilespmem:$0x1E800] =	vst v63  }
0x34: {  	p0 =	sne.s32 s28, $0x4800;
	_ =	swait.ge [sflag:s20], $0x4000  }
0x35: {  	[sflag:s20] =	ssyncset.done $0x0  }
0x36: {  	s28 =	sadd.s32 $0x15400, s26;
	[sflag:s20] =	ssyncadd.s32 $0xFFFFC000  }
0x37: {  	[spmem:s2] =	stream.indirect.scatter.add.f32 [tilespmem:s18], [sflag:$0x3], $0x80, s28, s17, $0xb8;
	[tilespmem:$0x1E800] =	vst v63  }
0x38: {  	_ =	swait.ge [sflag:s14], $0x4000  }
0x39: {  	[sflag:s14] =	ssyncset.done $0x0  }
0x3a: {  	s28 =	sadd.s32 $0x14100, s26;
	[sflag:s14] =	ssyncadd.s32 $0xFFFFC000  }
0x3b: {  	[tilespmem:s18], [sflag:$0x1] =	stream.indirect.gather [hbm4b:s4+s17], $0x80, s28, s17, $0xb8;
	[tilespmem:$0x1E800] =	vst v63  }
0x3c: {  	_ =	swait.ge [sflag:s21], $0x4000  }
.Ltmp0:
0x3d: {  	[sflag:s21] =	ssyncset.done $0x0;
	(pc) =	sbr.rel @p0 .LBB2_2-.Ltmp0, $4  }
0x3e: {  	s26 =	sadd.s32 $0x15480, s26;
	[sflag:s21] =	ssyncadd.s32 $0xFFFFC000  }
0x3f: {  	[spmem:s2] =	stream.indirect.scatter.add.f32 [tilespmem:s19], [sflag:$0x3], $0x80, s26, s17, $0xb8;
	[tilespmem:$0x1E800] =	vst v63  }
0x40: {  	_ =	swait.ge [sflag:s14], $0x4000  }
0x41: {  	s28 =	smov.u32 s31;
	s26 =	sshra.s32 s30, $0x2;
	[sflag:s14] =	ssyncset.done $0x0  }
0x42: {  	s28 =	sadd.s32 $0x14080, s26;
	[sflag:s14] =	ssyncadd.s32 $0xFFFFC000  }
0x43: {  	[tilespmem:s19], [sflag:$0x2] =	stream.indirect.gather [hbm4b:s4+s17], $0x80, s28, s17, $0xb8;
	[tilespmem:$0x1E800] =	vst v63  }
0x44: {  	_ =	swait.ge [sflag:s20], $0x4000  }
0x45: {  	[sflag:s20] =	ssyncset.done $0x0  }
0x46: {  	s28 =	sadd.s32 $0x15400, s26;
	[sflag:s20] =	ssyncadd.s32 $0xFFFFC000  }
0x47: {  	[spmem:s2] =	stream.indirect.scatter.add.f32 [tilespmem:s18], [sflag:$0x3], $0x80, s28, s17, $0xb8;
	[tilespmem:$0x1E800] =	vst v63  }
0x48: {  	_ =	swait.ge [sflag:s14], $0x4000  }
0x49: {  	[sflag:s14] =	ssyncset.done $0x0  }
0x4a: {  	s28 =	sadd.s32 $0x14100, s26;
	[sflag:s14] =	ssyncadd.s32 $0xFFFFC000  }
0x4b: {  	[tilespmem:s18], [sflag:$0x1] =	stream.indirect.gather [hbm4b:s4+s17], $0x80, s28, s17, $0xb8;
	[tilespmem:$0x1E800] =	vst v63  }
0x4c: {  	_ =	swait.ge [sflag:s21], $0x4000  }
0x4d: {  	[sflag:s21] =	ssyncset.done $0x0  }
0x4e: {  	s29 =	sadd.s32 $0x15480, s26;
	[sflag:s21] =	ssyncadd.s32 $0xFFFFC000  }
0x4f: {  	[spmem:s2] =	stream.indirect.scatter.add.f32 [tilespmem:s19], [sflag:$0x3], $0x80, s29, s17, $0xb8;
	[tilespmem:$0x1E800] =	vst v63  }
0x50: {  	_ =	swait.ge [sflag:s14], $0x4000  }
0x51: {  	[sflag:s14] =	ssyncset.done $0x0  }
0x52: {  	[sflag:s14] =	ssyncadd.s32 $0xFFFFC000  }
0x53: {  	[tilespmem:s19], [sflag:$0x2] =	stream.indirect.gather [hbm4b:s4+s17], $0x80, s22, s17, $0xb8;
	[tilespmem:$0x1E800] =	vst v63  }
0x54: {  	_ =	swait.ge [sflag:s20], $0x4000  }
0x55: {  	[sflag:s20] =	ssyncset.done $0x0  }
0x56: {  	[sflag:s20] =	ssyncadd.s32 $0xFFFFC000  }
0x57: {  	[spmem:s2] =	stream.indirect.scatter.add.f32 [tilespmem:s18], [sflag:$0x3], $0x80, s23, s17, $0xb8;
	[tilespmem:$0x1E800] =	vst v63  }
0x58: {  	_ =	swait.ge [sflag:s14], $0x4000  }
0x59: {  	[sflag:s14] =	ssyncset.done $0x0  }
0x5a: {  	[sflag:s14] =	ssyncadd.s32 $0xFFFFC000  }
0x5b: {  	_ =	swait.ge [sflag:s21], $0x4000  }
0x5c: {  	[sflag:s21] =	ssyncset.done $0x0  }
0x5d: {  	[sflag:s21] =	ssyncadd.s32 $0xFFFFC000  }
0x5e: {  	[spmem:s2] =	stream.indirect.scatter.add.f32 [tilespmem:s19], [sflag:$0x3], $0x80, s24, s17, $0xb8;
	[tilespmem:$0x1E800] =	vst v63  }
0x5f: {  	_ =	swait.ge [sflag:s14], $0x4000  }
0x60: {  	[sflag:s14] =	ssyncset.done $0x0  }
0x61: {  	s30 =	simm.s32 $0x0;
	[sflag:s14] =	ssyncadd.s32 $0xFFFFC000  }
0x62: {  	[tilespmem:s15], [sflag:$0x3] =	stream.linear.gather [hbm4b:s9+s30], $0x1400, $0x38;
	[tilespmem:$0x1E800] =	vst v63  }
0x63: {  	_ =	swait.ge [sflag:s14], $0x1400  }
0x64: {  	[sflag:s14] =	ssyncset.done $0x0  }
0x65: {  	[sflag:s14] =	ssyncadd.s32 $0xFFFFEC00  }
0x66: {  	[tilespmem:s16], [sflag:$0x3] =	stream.linear.gather [hbm4b:s10+s30], $0x1400, $0x38;
	[tilespmem:$0x1E800] =	vst v63  }
0x67: {  	_ =	swait.ge [sflag:s14], $0x1400  }
0x68: {  	[sflag:s14] =	ssyncset.done $0x0  }
0x69: {  	[sflag:s14] =	ssyncadd.s32 $0xFFFFEC00  }
0x6a: {  	[tilespmem:s18], [sflag:$0x1] =	stream.indirect.gather [hbm4b:s4+s17], $0x80, s15, s17, $0xb8;
	[tilespmem:$0x1E800] =	vst v63  }
0x6b: {  	s31 =	simm.s32 $0x14080  }
0x6c: {  	[tilespmem:s19], [sflag:$0x2] =	stream.indirect.gather [hbm4b:s4+s17], $0x80, s31, s17, $0xb8;
	[tilespmem:$0x1E800] =	vst v63  }
0x6d: {  	_ =	swait.ge [sflag:s20], $0x4000  }
0x6e: {  	[sflag:s20] =	ssyncset.done $0x0  }
0x6f: {  	s29 =	simm.s32 $0x15400;
	[sflag:s20] =	ssyncadd.s32 $0xFFFFC000  }
0x70: {  	[spmem:s2] =	stream.indirect.scatter.add.f32 [tilespmem:s18], [sflag:$0x3], $0x80, s29, s17, $0xb8;
	[tilespmem:$0x1E800] =	vst v63  }
0x71: {  	_ =	swait.ge [sflag:s14], $0x4000  }
0x72: {  	[sflag:s14] =	ssyncset.done $0x0  }
0x73: {  	s30 =	simm.s32 $0x14100;
	[sflag:s14] =	ssyncadd.s32 $0xFFFFC000  }
0x74: {  	[tilespmem:s18], [sflag:$0x1] =	stream.indirect.gather [hbm4b:s4+s17], $0x80, s30, s17, $0xb8;
	[tilespmem:$0x1E800] =	vst v63  }
0x75: {  	_ =	swait.ge [sflag:s21], $0x4000  }
0x76: {  	[sflag:s21] =	ssyncset.done $0x0  }
0x77: {  	s31 =	simm.s32 $0x15480;
	[sflag:s21] =	ssyncadd.s32 $0xFFFFC000  }
0x78: {  	[spmem:s2] =	stream.indirect.scatter.add.f32 [tilespmem:s19], [sflag:$0x3], $0x80, s31, s17, $0xb8;
	[tilespmem:$0x1E800] =	vst v63  }
0x79: {  	_ =	swait.ge [sflag:s14], $0x4000  }
0x7a: {  	s26 =	simm.s32 $0x100;
	s28 =	simm.s32 $0x800;
	[sflag:s14] =	ssyncset.done $0x0  }
.LBB2_4:
0x7b: {  	s29 =	sadd.s32 $0x14080, s26  }
0x7c: {  	[sflag:s14] =	ssyncadd.s32 $0xFFFFC000;
	s30 =	smov.u32 s28;
	s31 =	sadd.s32 $0x400, s28  }
0x7d: {  	[tilespmem:s19], [sflag:$0x2] =	stream.indirect.gather [hbm4b:s4+s17], $0x80, s29, s17, $0xb8;
	[tilespmem:$0x1E800] =	vst v63  }
0x7e: {  	p0 =	sne.s32 s28, $0x4800;
	_ =	swait.ge [sflag:s20], $0x4000  }
0x7f: {  	[sflag:s20] =	ssyncset.done $0x0  }
0x80: {  	s28 =	sadd.s32 $0x15400, s26;
	[sflag:s20] =	ssyncadd.s32 $0xFFFFC000  }
0x81: {  	[spmem:s2] =	stream.indirect.scatter.add.f32 [tilespmem:s18], [sflag:$0x3], $0x80, s28, s17, $0xb8;
	[tilespmem:$0x1E800] =	vst v63  }
0x82: {  	_ =	swait.ge [sflag:s14], $0x4000  }
0x83: {  	[sflag:s14] =	ssyncset.done $0x0  }
0x84: {  	s28 =	sadd.s32 $0x14100, s26;
	[sflag:s14] =	ssyncadd.s32 $0xFFFFC000  }
0x85: {  	[tilespmem:s18], [sflag:$0x1] =	stream.indirect.gather [hbm4b:s4+s17], $0x80, s28, s17, $0xb8;
	[tilespmem:$0x1E800] =	vst v63  }
0x86: {  	_ =	swait.ge [sflag:s21], $0x4000  }
.Ltmp1:
0x87: {  	[sflag:s21] =	ssyncset.done $0x0;
	(pc) =	sbr.rel @p0 .LBB2_4-.Ltmp1, $4  }
0x88: {  	s26 =	sadd.s32 $0x15480, s26;
	[sflag:s21] =	ssyncadd.s32 $0xFFFFC000  }
0x89: {  	[spmem:s2] =	stream.indirect.scatter.add.f32 [tilespmem:s19], [sflag:$0x3], $0x80, s26, s17, $0xb8;
	[tilespmem:$0x1E800] =	vst v63  }
0x8a: {  	_ =	swait.ge [sflag:s14], $0x4000  }
0x8b: {  	s28 =	smov.u32 s31;
	s26 =	sshra.s32 s30, $0x2;
	[sflag:s14] =	ssyncset.done $0x0  }
0x8c: {  	s28 =	sadd.s32 $0x14080, s26;
	[sflag:s14] =	ssyncadd.s32 $0xFFFFC000  }
0x8d: {  	[tilespmem:s19], [sflag:$0x2] =	stream.indirect.gather [hbm4b:s4+s17], $0x80, s28, s17, $0xb8;
	[tilespmem:$0x1E800] =	vst v63  }
0x8e: {  	_ =	swait.ge [sflag:s20], $0x4000  }
0x8f: {  	[sflag:s20] =	ssyncset.done $0x0  }
0x90: {  	s29 =	sadd.s32 $0x15400, s26;
	[sflag:s20] =	ssyncadd.s32 $0xFFFFC000  }
0x91: {  	[spmem:s2] =	stream.indirect.scatter.add.f32 [tilespmem:s18], [sflag:$0x3], $0x80, s29, s17, $0xb8;
	[tilespmem:$0x1E800] =	vst v63  }
0x92: {  	_ =	swait.ge [sflag:s14], $0x4000  }
0x93: {  	[sflag:s14] =	ssyncset.done $0x0  }
0x94: {  	s30 =	sadd.s32 $0x14100, s26;
	[sflag:s14] =	ssyncadd.s32 $0xFFFFC000  }
0x95: {  	[tilespmem:s18], [sflag:$0x1] =	stream.indirect.gather [hbm4b:s4+s17], $0x80, s30, s17, $0xb8;
	[tilespmem:$0x1E800] =	vst v63  }
0x96: {  	_ =	swait.ge [sflag:s21], $0x4000  }
0x97: {  	[sflag:s21] =	ssyncset.done $0x0  }
0x98: {  	s31 =	sadd.s32 $0x15480, s26;
	[sflag:s21] =	ssyncadd.s32 $0xFFFFC000  }
0x99: {  	[spmem:s2] =	stream.indirect.scatter.add.f32 [tilespmem:s19], [sflag:$0x3], $0x80, s31, s17, $0xb8;
	[tilespmem:$0x1E800] =	vst v63  }
0x9a: {  	_ =	swait.ge [sflag:s14], $0x4000  }
0x9b: {  	[sflag:s14] =	ssyncset.done $0x0  }
0x9c: {  	[sflag:s14] =	ssyncadd.s32 $0xFFFFC000  }
0x9d: {  	[tilespmem:s19], [sflag:$0x2] =	stream.indirect.gather [hbm4b:s4+s17], $0x80, s22, s17, $0xb8;
	[tilespmem:$0x1E800] =	vst v63  }
0x9e: {  	_ =	swait.ge [sflag:s20], $0x4000  }
0x9f: {  	[sflag:s20] =	ssyncset.done $0x0  }
0xa0: {  	[sflag:s20] =	ssyncadd.s32 $0xFFFFC000  }
0xa1: {  	[spmem:s2] =	stream.indirect.scatter.add.f32 [tilespmem:s18], [sflag:$0x3], $0x80, s23, s17, $0xb8;
	[tilespmem:$0x1E800] =	vst v63  }
0xa2: {  	_ =	swait.ge [sflag:s14], $0x4000  }
0xa3: {  	[sflag:s14] =	ssyncset.done $0x0  }
0xa4: {  	[sflag:s14] =	ssyncadd.s32 $0xFFFFC000  }
0xa5: {  	_ =	swait.ge [sflag:s21], $0x4000  }
0xa6: {  	[sflag:s21] =	ssyncset.done $0x0  }
0xa7: {  	[sflag:s21] =	ssyncadd.s32 $0xFFFFC000  }
0xa8: {  	[spmem:s2] =	stream.indirect.scatter.add.f32 [tilespmem:s19], [sflag:$0x3], $0x80, s24, s17, $0xb8;
	[tilespmem:$0x1E800] =	vst v63  }
0xa9: {  	_ =	swait.ge [sflag:s14], $0x4000  }
0xaa: {  	s25 =	sadd.s32 $0x1, s25;
	[sflag:s14] =	ssyncset.done $0x0  }
0xab: {  	p0 =	sne.s32 s25, s12;
	[sflag:s14] =	ssyncadd.s32 $0xFFFFC000  }
.Ltmp2:
0xac: {  	[bflag:$0x0] =	sbarrier.arrive $0xFFFF;
	(pc) =	sbr.rel @p0 .LBB2_1-.Ltmp2, $4  }
0xad: {  	[hbm:s11], [sflag:s6] =	dma.local [spmem:s13], $0x2800  }
0xae: {  	_ =	swait.ge [sflag:s14], $0x2800  }
0xaf: {  	[sflag:s14] =	ssyncset.done $0x0  }
0xb0: {  	[sflag:s14] =	ssyncadd.s32 $0xFFFFD800  }
0xb1: {  	_ =	sfence.sel $0x180000  }
0xb2: {  	[bflag:$0x0] =	sbarrier.arrive $0xFFFF  }
0xb3: {  	p0 =	sne.s32 s1, $0x0;
	_ =	strace $0x9000004D  }
0xb4: {  	s0 =	sadd.s32 @!p0 $0x100000, s0;
	[bflag:$0x2] =	sbarrier.arrive $0xFFFF  }
0xb5: {  	[sflag:s0] =	ssyncadd.tile.s32 @!p0 $0x1;
	_ =	shalt  }
.Lfunc_end2:
_tile_overlayer_lowered:
.L_overlay_start_2:
0xb6: {  	(tag) =	ssettag $0x2  }
0xb7: {  	s0 =	rddreg [dreg:$0x0];
	s2 =	stileid.u32  }
0xb8: {  	s1 =	rddreg [dreg:$0x1];
	p0 =	sne.s32 s2, $0x0  }
0xb9: {  	s3 =	rddreg [dreg:$0x2];
	[bflag:$0x3] =	sbarrier.arrive $0xFFFF;
	s2 =	simm.s32 @!p0 $0x1C03  }
0xba: {  	[timem:s3], [sflag:s2] =	dma.local @!p0 [hbm:s0], s1  }
0xbb: {  	s0 =	simm.s32 @!p0 $0x3  }
0xbc: {  	_ =	swait.ge @!p0 [sflag:s0], s1  }
0xbd: {  	s1 =	ssub.s32 @!p0 $0x0, s1;
	[sflag:s0] =	ssyncset.done @!p0 $0x0  }
0xbe: {  	[sflag:s0] =	ssyncadd.s32 @!p0 s1  }
0xbf: {  	[bflag:$0x3] =	sbarrier.arrive $0xFFFF  }
0xc0: {  	_ =	shalt  }

// kernel: kernel.8.cloned.1.call-start
scs
__scs_entry_jumppad:
0x0: {  	(pc) =	sbr.rel $0x88, $3  }
0x1: {  	(tag) =	ssettag $0x0;
	lr =	simm.s32 $0x1  }
0x2: {  	[smem:$0x3F76] =	sst lr;
	_ =	strace $0xD0000000  }
0x3: {  	_ = 	snop  }
0x4: {  	_ = 	snop  }
0x5: {  	_ = 	snop  }
0x6: {  	_ = 	snop  }
0x7: {  	_ = 	snop  }
__scs_overlays_trampoline_lowered:
0x8: {  	[smem:$0x3F85] =	sst s0  }
0x9: {  	[smem:$0x3F86] =	sst s1  }
0xa: {  	[smem:$0x3F87] =	sst s2  }
0xb: {  	[smem:$0x3F88] =	sst s3  }
0xc: {  	[smem:$0x3F89] =	sst s4  }
0xd: {  	[smem:$0x3F8A] =	sst s5  }
0xe: {  	[smem:$0x3F8B] =	sst s6  }
0xf: {  	[smem:$0x3F8C] =	sst s7  }
0x10: {  	[smem:$0x3F8D] =	sst s8  }
0x11: {  	[smem:$0x3F8E] =	sst s9;
	s0 =	simm.s32 @!p0 $0x0  }
0x12: {  	s1 =	sld [smem:$0x3F74];
	s0 =	simm.s32 @p0 $0x1  }
0x13: {  	[smem:$0x3F8F] =	sst s0;
	s0 =	simm.s32 @!p1 $0x0  }
0x14: {  	s2 =	sld [smem:$0x3F73];
	s0 =	simm.s32 @p1 $0x1  }
0x15: {  	[smem:$0x3F90] =	sst s0;
	s0 =	simm.s32 @!p2 $0x0  }
0x16: {  	s3 =	sld [smem:$0x3FDB];
	s0 =	simm.s32 @p2 $0x1  }
0x17: {  	s4 =	simm.s32 $0x1BF5;
	[smem:$0x3F92] =	sst s0  }
0x18: {  	s0 =	sld [smem:$0x3F75];
	_ =	swait.ge [sflag:s4], $0x0  }
0x19: {  	s7 =	sld [smem:$0x3F76]  }
0x1a: {  	s8 =	sadd.s32 $0xFFFFE003, lr  }
0x1b: {  	s9 =	sadd.s32 $0xFFFFFEF7, lr;
	s5 =	simm.s32 $0xFFFFFFFF;
	p2 =	slt.u32 s8, $0xFFFFF086  }
0x1c: {  	p1 =	slt.u32 s9, $0xF7A;
	s5 =	simm.s32 @!p2 $0x0  }
0x1d: {  	s5 =	simm.s32 @p1 $0x1;
	p0 =	seq.s32 s7, s2  }
0x1e: {  	s7 =	smul.u32 @!p0 $0xF7A, s2;
	p2 =	seq.s32 @!p0 s5, $0x0  }
0x1f: {  	s9 =	smul.u32 $0xF7A, s1;
	s8 =	simm.s32 @!p0 $0x1BF5;
	p2 =	por !p2, p0  }
0x20: {  	[sflag:s8] =	ssyncset.s32 @!p0 $0xFFFFF086;
	s6 =	sadd.s32 @!p0 s3, s7;
	s7 =	simm.s32 @!p0 $0x108  }
0x21: {  	s3 =	sadd.s32 s3, s9;
	s6 =	sadd.s32 @!p0 $0x88, s6;
	s7 =	simm.s32 @p2 $0x1082  }
0x22: {  	[simem:s7], [sflag:s8] =	dma.local @!p0 [hbm:s6], $0xF7A  }
0x23: {  	s9 =	sor.u32 $0xD0000000, s2;
	s6 =	simm.s32 $0x108;
	_ =	swait.ge @!p0 [sflag:s8], $0x0  }
0x24: {  	s3 =	sadd.s32 $0x88, s3;
	s6 =	simm.s32 @!p1 $0x1082;
	[sflag:s4] =	ssyncset.s32 $0xFFFFF086  }
0x25: {  	[simem:s6], [sflag:s4] =	dma.local [hbm:s3], $0xF7A  }
0x26: {  	[smem:$0x3F76] =	sst s1;
	(tag) =	ssettag s2;
	_ =	strace s9  }
0x27: {  	s1 =	sld [smem:$0x3F86]  }
0x28: {  	s2 =	sld [smem:$0x3F87]  }
0x29: {  	s4 =	sld [smem:$0x3F89]  }
0x2a: {  	p0 =	seq.s32 s5, $0x0;
	s5 =	sld [smem:$0x3F8A]  }
0x2b: {  	s6 =	sld [smem:$0x3F8B]  }
0x2c: {  	s7 =	sld [smem:$0x3F8C]  }
0x2d: {  	s3 =	simm.s32 $0x108;
	s8 =	sld [smem:$0x3F8D]  }
0x2e: {  	s3 =	simm.s32 @!p0 $0x1082;
	s9 =	sld [smem:$0x3F8E]  }
0x2f: {  	lr =	sadd.s32 s0, s3;
	s0 =	sld [smem:$0x3F85]  }
0x30: {  	s3 =	sld [smem:$0x3F88]  }
0x31: {  	[smem:$0x3F91] =	sst s10  }
0x32: {  	s10 =	sld [smem:$0x3F8F];
	_ =	sdelay $0x3  }
0x33: {  	p0 =	seq.s32 s10, $0x1;
	s10 =	sld [smem:$0x3F91];
	_ =	sdelay $0x3  }
0x34: {  	[smem:$0x3F91] =	sst s10  }
0x35: {  	s10 =	sld [smem:$0x3F90];
	_ =	sdelay $0x3  }
0x36: {  	p1 =	seq.s32 s10, $0x1;
	s10 =	sld [smem:$0x3F91];
	_ =	sdelay $0x3  }
0x37: {  	[smem:$0x3F91] =	sst s10  }
0x38: {  	s10 =	sld [smem:$0x3F92]  }
0x39: {  	_ = 	snop;
	(pc) =	sbr.ind lr, $3  }
0x3a: {  	_ = 	snop  }
0x3b: {  	_ = 	snop  }
0x3c: {  	p2 =	seq.s32 s10, $0x1;
	s10 =	sld [smem:$0x3F91]  }
0x3d: {  	_ =	shalt  }
0x3e: {  	_ =	shalt  }
0x3f: {  	_ =	shalt  }
0x40: {  	_ =	shalt  }
0x41: {  	_ =	shalt  }
0x42: {  	_ =	shalt  }
0x43: {  	_ =	shalt  }
0x44: {  	_ =	shalt  }
0x45: {  	_ =	shalt  }
0x46: {  	_ =	shalt  }
0x47: {  	_ =	shalt  }
0x48: {  	_ =	shalt  }
0x49: {  	_ =	shalt  }
0x4a: {  	_ =	shalt  }
0x4b: {  	_ =	shalt  }
0x4c: {  	_ =	shalt  }
0x4d: {  	_ =	shalt  }
0x4e: {  	_ =	shalt  }
0x4f: {  	_ =	shalt  }
0x50: {  	_ =	shalt  }
0x51: {  	_ =	shalt  }
0x52: {  	_ =	shalt  }
0x53: {  	_ =	shalt  }
0x54: {  	_ =	shalt  }
0x55: {  	_ =	shalt  }
0x56: {  	_ =	shalt  }
0x57: {  	_ =	shalt  }
0x58: {  	_ =	shalt  }
0x59: {  	_ =	shalt  }
0x5a: {  	_ =	shalt  }
0x5b: {  	_ =	shalt  }
0x5c: {  	_ =	shalt  }
0x5d: {  	_ =	shalt  }
0x5e: {  	_ =	shalt  }
0x5f: {  	_ =	shalt  }
0x60: {  	_ =	shalt  }
0x61: {  	_ =	shalt  }
0x62: {  	_ =	shalt  }
0x63: {  	_ =	shalt  }
0x64: {  	_ =	shalt  }
0x65: {  	_ =	shalt  }
0x66: {  	_ =	shalt  }
0x67: {  	_ =	shalt  }
0x68: {  	_ =	shalt  }
0x69: {  	_ =	shalt  }
0x6a: {  	_ =	shalt  }
0x6b: {  	_ =	shalt  }
0x6c: {  	_ =	shalt  }
0x6d: {  	_ =	shalt  }
0x6e: {  	_ =	shalt  }
0x6f: {  	_ =	shalt  }
0x70: {  	_ =	shalt  }
0x71: {  	_ =	shalt  }
0x72: {  	_ =	shalt  }
0x73: {  	_ =	shalt  }
0x74: {  	_ =	shalt  }
0x75: {  	_ =	shalt  }
0x76: {  	_ =	shalt  }
0x77: {  	_ =	shalt  }
0x78: {  	_ =	shalt  }
0x79: {  	_ =	shalt  }
0x7a: {  	_ =	shalt  }
0x7b: {  	_ =	shalt  }
0x7c: {  	_ =	shalt  }
0x7d: {  	_ =	shalt  }
0x7e: {  	_ =	shalt  }
0x7f: {  	_ =	shalt  }
0x80: {  	_ =	shalt  }
0x81: {  	_ =	shalt  }
0x82: {  	_ =	shalt  }
0x83: {  	_ =	shalt  }
0x84: {  	_ =	shalt  }
0x85: {  	_ =	shalt  }
0x86: {  	_ =	shalt  }
0x87: {  	_ =	shalt  }
.Lfunc_end0:
.L_simem_size_0:
called_computation_lowered:
.L_overlay_start_0:
0x88: {  	s2 =	sld [smem:$0x3FD9]  }
0x89: {  	s3 =	sld [smem:$0x3FFE];
	_ =	sdelay $0x1  }
0x8a: {  	s1 =	srdreg.scid  }
0x8b: {  	s0 =	sand.u32 $0x1, s1  }
0x8c: {  	s17 =	sshll.u32 s0, $0xA;
	s2 =	sadd.s32 s3, s2  }
0x8d: {  	s2 =	sadd.s32 s2, s17  }
0x8e: {  	[smem:$0x3F9D] =	sst s2  }
0x8f: {  	_ = 	snop  }
0x90: {  	s2 =	sld [smem:$0x3FC9];
	(tm) =	ssettm $0x1  }
0x91: {  	s18 =	sld [smem:$0x3FFB];
	_ =	sdelay $0x3  }
0x92: {  	_ =	strace s18  }
0x93: {  	s3 =	sld [smem:$0x3FFC];
	_ =	sdelay $0x3  }
0x94: {  	_ =	strace s3  }
0x95: {  	s3 =	sld [smem:$0x3FFD];
	_ =	sdelay $0x3  }
0x96: {  	_ =	strace s3  }
0x97: {  	_ =	strace $0x8FFFFFFF  }
0x98: {  	s19 =	sld [smem:$0x3FDB];
	_ =	sdelay $0x1  }
0x99: {  	s4 =	simm.s32 $_scs_section_size  }
0x9a: {  	s5 =	simm.s32 $_size__tile_overlayer_lowered;
	s6 =	simm.s32 $_tile_overlayer_lowered  }
0x9b: {  	s22 =	simm.s32 $0x1BFF;
	s21 =	sshll.u32 s6, $0x1;
	s3 =	sadd.s32 s4, s19  }
0x9c: {  	s7 =	simm.s32 $0x0;
	s20 =	sshll.u32 s5, $0x1;
	s5 =	sadd.s32 s21, s3  }
0x9d: {  	[timem:s7], [sflag:s22] =	dma.local [hbm:s5], s20  }
0x9e: {  	_ =	swait.ge [sflag:s22], s20  }
0x9f: {  	s4 =	ssub.s32 $0x0, s20;
	[sflag:s22] =	ssyncset.done $0x0  }
0xa0: {  	[sflag:s22] =	ssyncadd.s32 s4;
	_ =	sdelay $0x1  }
0xa1: {  	s23 =	simm.s32 $0x1B8B  }
0xa2: {  	_ =	swait.ge [sflag:s23], $0x1  }
0xa3: {  	[sflag:s23] =	ssyncset.done $0x0  }
0xa4: {  	s25 =	simm.s32 $0x1B8E;
	s24 =	sld [smem:$0x3FFE];
	[sflag:s23] =	ssyncadd.s32 $0xFFFFFFFF  }
0xa5: {  	s26 =	simm.s32 $execute0_lowered;
	[smem:$0x3FD2] =	sst s25  }
0xa6: {  	s5 =	sshll.u32 s26, $0x1;
	_ =	strace $0x80000046;
	[dreg:$0x1] =	wrdreg $0xFFFFFFFF  }
0xa7: {  	s28 =	simm.s32 $_size_execute0_lowered;
	s3 =	sadd.s32 s3, s5;
	[dreg:$0x0] =	wrdreg $0x0  }
0xa8: {  	s5 =	sshll.u32 s28, $0x1;
	[dreg:$0x2] =	wrdreg s3  }
0xa9: {  	[dreg:$0x3] =	wrdreg s5  }
0xaa: {  	[dreg:$0x4] =	wrdreg $0xC0  }
0xab: {  	_ =	task [dreg:s7], $0x5FFFF  }
0xac: {  	[dreg:$0x1] =	wrdreg $0xFFFFFFFF  }
0xad: {  	[dreg:$0x0] =	wrdreg $0x60  }
0xae: {  	[dreg:$0x2] =	wrdreg s2  }
0xaf: {  	[dreg:$0x3] =	wrdreg s24  }
0xb0: {  	[dreg:$0x4] =	wrdreg $0x0  }
0xb1: {  	[dreg:$0x5] =	wrdreg $0x9  }
0xb2: {  	_ =	task.clear_ibuf [dreg:s7], $0x6FFFF;
	_ =	strace $0x90000046  }
0xb3: {  	s29 =	simm.s32 $0x9;
	_ =	strace $0x80000048  }
0xb4: {  	_ =	swait.ge [sflag:s29], $0x1  }
0xb5: {  	[sflag:s29] =	ssyncadd.s32 $0xFFFFFFFF  }
0xb6: {  	_ =	strace $0x90000048  }
0xb7: {  	_ =	sfence  }
0xb8: {  	s30 =	sld [smem:$0x0];
	_ =	sdelay $0x2  }
0xb9: {  	s31 =	sshll.u32 s1, $0xD;
	s1 =	sshrl.u32 s1, $0x2  }
0xba: {  	s3 =	sand.u32 $0x4000, s31;
	s1 =	sadd.s32 s1, s30  }
0xbb: {  	s0 =	sor.u32 s3, s0;
	s1 =	sshll.u32 s1, $0x11  }
0xbc: {  	s0 =	sor.u32 s1, s0  }
0xbd: {  	s0 =	sadd.s32 $0x8F2B, s0  }
0xbe: {  	[sflag:s0] =	ssyncadd.remote.s32 $0x1  }
0xbf: {  	_ =	sfence.sel $0xFFFF  }
0xc0: {  	[dreg:$0x0] =	wrdreg $0xFFFFFFFF;
	(pc) =	sbr.abs _section_cstart, $3  }
0xc1: {  	[dreg:$0x1] =	wrdreg $0xFFFFFFFF  }
0xc2: {  	_ =	task.clear_ibuf [dreg:s7], $0x2FFFF;
	_ =	strace $0x9FFFFFFF  }
0xc3: {  	(tm) =	ssettm $0x7FFFFFFF  }
tec
execute0_lowered:
.L_overlay_start_1:
0x0: {  	(tag) =	ssettag $0x1  }
0x1: {  	s1 =	rddreg [dreg:$0x0]  }
0x2: {  	s6 =	rddreg [dreg:$0x1]  }
0x3: {  	s3 =	rddreg [dreg:$0x2]  }
0x4: {  	s0 =	rddreg [dreg:$0x3];
	s5 =	srdreg.scid  }
0x5: {  	s2 =	stileid.u32;
	s4 =	simm.s32 $0x0;
	s16 =	simm.s32 $0x15400  }
0x6: {  	s17 =	simm.s32 $0x80;
	s18 =	simm.s32 $0x16800;
	s19 =	simm.s32 $0x1A800  }
0x7: {  	s20 =	simm.s32 $0x1;
	s21 =	simm.s32 $0x2;
	s22 =	simm.s32 $0x15380  }
0x8: {  	s23 =	simm.s32 $0x16700;
	s24 =	simm.s32 $0x16780;
	s7 =	sand.u32 $0x1, s5  }
0x9: {  	s8 =	smul.u32 $0x2800, s2;
	[smem:$0x7FF] =	sst s4;
	s10 =	sadd.s32 $0x7E00, s6  }
0xa: {  	s11 =	sadd.s32 $0x11E00, s6;
	s5 =	sadd.s32 $0x1BE00, s6;
	s12 =	smul.u32 $0x50000, s2  }
0xb: {  	s9 =	smul.u32 $0x28000, s7;
	s25 =	sshll.u32 s7, $0x4;
	s7 =	ssub.s32 $0x2, s7  }
0xc: {  	s30 =	sshll.u32 s2, $0x6;
	_ =	strace $0x80000047;
	s26 =	sshrl.u32 s7, $0x1  }
0xd: {  	s29 =	sshrl.u32 s12, $0x2;
	s8 =	sadd.s32 s8, s9;
	s9 =	sor.u32 s2, s25  }
0xe: {  	s14 =	ssub.s32 s7, s26;
	s15 =	sadd.s32 s29, s3;
	s28 =	smul.u32 $0x2800, s9  }
0xf: {  	s25 =	simm.s32 $0x0;
	s13 =	sadd.s32 s8, s6;
	s9 =	smul.u32 $0x500, s9  }
0x10: {  	s6 =	sor.u32 $0x1C03, s30;
	s12 =	smax.u32 s14, $0x1;
	s8 =	sshrl.u32 s28, $0x3  }
0x11: {  	s14 =	simm.s32 $0x3;
	s7 =	sadd.s32 s10, s9;
	s31 =	sadd.s32 $0x280, s8  }
0x12: {  	s8 =	sadd.s32 s11, s9;
	s9 =	sadd.s32 s10, s31;
	s10 =	sadd.s32 s11, s31  }
0x13: {  	s11 =	sadd.s32 $0x1E600, s13;
	s13 =	sshrl.u32 s15, $0x3;
	s15 =	simm.s32 $0x14000  }
.LBB2_1:
0x14: {  	[spmem:s13], [sflag:s6] =	dma.local [hbm:s5], $0x2800  }
0x15: {  	_ =	swait.ge [sflag:s14], $0x2800  }
0x16: {  	[sflag:s14] =	ssyncset.done $0x0  }
0x17: {  	[sflag:s14] =	ssyncadd.s32 $0xFFFFD800  }
0x18: {  	[bflag:$0x0] =	sbarrier.arrive $0xFFFF  }
0x19: {  	[tilespmem:s15], [sflag:$0x3] =	stream.linear.gather [hbm4b:s7+s4], $0x1400, $0x38;
	[tilespmem:$0x1E800] =	vst v63  }
0x1a: {  	_ =	swait.ge [sflag:s14], $0x1400  }
0x1b: {  	[sflag:s14] =	ssyncset.done $0x0  }
0x1c: {  	[sflag:s14] =	ssyncadd.s32 $0xFFFFEC00  }
0x1d: {  	[tilespmem:s16], [sflag:$0x3] =	stream.linear.gather [hbm4b:s8+s4], $0x1400, $0x38;
	[tilespmem:$0x1E800] =	vst v63  }
0x1e: {  	_ =	swait.ge [sflag:s14], $0x1400  }
0x1f: {  	[sflag:s14] =	ssyncset.done $0x0  }
0x20: {  	[sflag:s14] =	ssyncadd.s32 $0xFFFFEC00  }
0x21: {  	[tilespmem:s18], [sflag:$0x1] =	stream.indirect.gather [hbm4b:s1+s17], $0x80, s15, s17, $0xb8;
	[tilespmem:$0x1E800] =	vst v63  }
0x22: {  	s26 =	simm.s32 $0x14080  }
0x23: {  	[tilespmem:s19], [sflag:$0x2] =	stream.indirect.gather [hbm4b:s1+s17], $0x80, s26, s17, $0xb8;
	[tilespmem:$0x1E800] =	vst v63  }
0x24: {  	_ =	swait.ge [sflag:s20], $0x4000  }
0x25: {  	[sflag:s20] =	ssyncset.done $0x0  }
0x26: {  	s29 =	simm.s32 $0x15400;
	[sflag:s20] =	ssyncadd.s32 $0xFFFFC000  }
0x27: {  	[spmem:s3] =	stream.indirect.scatter.add.f32 [tilespmem:s18], [sflag:$0x3], $0x80, s29, s17, $0xb8;
	[tilespmem:$0x1E800] =	vst v63  }
0x28: {  	_ =	swait.ge [sflag:s14], $0x4000  }
0x29: {  	[sflag:s14] =	ssyncset.done $0x0  }
0x2a: {  	s30 =	simm.s32 $0x14100;
	[sflag:s14] =	ssyncadd.s32 $0xFFFFC000  }
0x2b: {  	[tilespmem:s18], [sflag:$0x1] =	stream.indirect.gather [hbm4b:s1+s17], $0x80, s30, s17, $0xb8;
	[tilespmem:$0x1E800] =	vst v63  }
0x2c: {  	_ =	swait.ge [sflag:s21], $0x4000  }
0x2d: {  	[sflag:s21] =	ssyncset.done $0x0  }
0x2e: {  	s31 =	simm.s32 $0x15480;
	[sflag:s21] =	ssyncadd.s32 $0xFFFFC000  }
0x2f: {  	[spmem:s3] =	stream.indirect.scatter.add.f32 [tilespmem:s19], [sflag:$0x3], $0x80, s31, s17, $0xb8;
	[tilespmem:$0x1E800] =	vst v63  }
0x30: {  	_ =	swait.ge [sflag:s14], $0x4000  }
0x31: {  	s28 =	simm.s32 $0x800;
	s26 =	simm.s32 $0x100;
	[sflag:s14] =	ssyncset.done $0x0  }
.LBB2_2:
0x32: {  	s29 =	sadd.s32 $0x14080, s26  }
0x33: {  	[sflag:s14] =	ssyncadd.s32 $0xFFFFC000;
	s30 =	smov.u32 s28;
	s31 =	sadd.s32 $0x400, s28  }
0x34: {  	[tilespmem:s19], [sflag:$0x2] =	stream.indirect.gather [hbm4b:s1+s17], $0x80, s29, s17, $0xb8;
	[tilespmem:$0x1E800] =	vst v63  }
0x35: {  	p0 =	sne.s32 s28, $0x4800;
	_ =	swait.ge [sflag:s20], $0x4000  }
0x36: {  	[sflag:s20] =	ssyncset.done $0x0  }
0x37: {  	s28 =	sadd.s32 $0x15400, s26;
	[sflag:s20] =	ssyncadd.s32 $0xFFFFC000  }
0x38: {  	[spmem:s3] =	stream.indirect.scatter.add.f32 [tilespmem:s18], [sflag:$0x3], $0x80, s28, s17, $0xb8;
	[tilespmem:$0x1E800] =	vst v63  }
0x39: {  	_ =	swait.ge [sflag:s14], $0x4000  }
0x3a: {  	[sflag:s14] =	ssyncset.done $0x0  }
0x3b: {  	s28 =	sadd.s32 $0x14100, s26;
	[sflag:s14] =	ssyncadd.s32 $0xFFFFC000  }
0x3c: {  	[tilespmem:s18], [sflag:$0x1] =	stream.indirect.gather [hbm4b:s1+s17], $0x80, s28, s17, $0xb8;
	[tilespmem:$0x1E800] =	vst v63  }
0x3d: {  	_ =	swait.ge [sflag:s21], $0x4000  }
.Ltmp0:
0x3e: {  	[sflag:s21] =	ssyncset.done $0x0;
	(pc) =	sbr.rel @p0 .LBB2_2-.Ltmp0, $4  }
0x3f: {  	s26 =	sadd.s32 $0x15480, s26;
	[sflag:s21] =	ssyncadd.s32 $0xFFFFC000  }
0x40: {  	[spmem:s3] =	stream.indirect.scatter.add.f32 [tilespmem:s19], [sflag:$0x3], $0x80, s26, s17, $0xb8;
	[tilespmem:$0x1E800] =	vst v63  }
0x41: {  	_ =	swait.ge [sflag:s14], $0x4000  }
0x42: {  	s28 =	smov.u32 s31;
	s26 =	sshra.s32 s30, $0x2;
	[sflag:s14] =	ssyncset.done $0x0  }
0x43: {  	s28 =	sadd.s32 $0x14080, s26;
	[sflag:s14] =	ssyncadd.s32 $0xFFFFC000  }
0x44: {  	[tilespmem:s19], [sflag:$0x2] =	stream.indirect.gather [hbm4b:s1+s17], $0x80, s28, s17, $0xb8;
	[tilespmem:$0x1E800] =	vst v63  }
0x45: {  	_ =	swait.ge [sflag:s20], $0x4000  }
0x46: {  	[sflag:s20] =	ssyncset.done $0x0  }
0x47: {  	s28 =	sadd.s32 $0x15400, s26;
	[sflag:s20] =	ssyncadd.s32 $0xFFFFC000  }
0x48: {  	[spmem:s3] =	stream.indirect.scatter.add.f32 [tilespmem:s18], [sflag:$0x3], $0x80, s28, s17, $0xb8;
	[tilespmem:$0x1E800] =	vst v63  }
0x49: {  	_ =	swait.ge [sflag:s14], $0x4000  }
0x4a: {  	[sflag:s14] =	ssyncset.done $0x0  }
0x4b: {  	s28 =	sadd.s32 $0x14100, s26;
	[sflag:s14] =	ssyncadd.s32 $0xFFFFC000  }
0x4c: {  	[tilespmem:s18], [sflag:$0x1] =	stream.indirect.gather [hbm4b:s1+s17], $0x80, s28, s17, $0xb8;
	[tilespmem:$0x1E800] =	vst v63  }
0x4d: {  	_ =	swait.ge [sflag:s21], $0x4000  }
0x4e: {  	[sflag:s21] =	ssyncset.done $0x0  }
0x4f: {  	s29 =	sadd.s32 $0x15480, s26;
	[sflag:s21] =	ssyncadd.s32 $0xFFFFC000  }
0x50: {  	[spmem:s3] =	stream.indirect.scatter.add.f32 [tilespmem:s19], [sflag:$0x3], $0x80, s29, s17, $0xb8;
	[tilespmem:$0x1E800] =	vst v63  }
0x51: {  	_ =	swait.ge [sflag:s14], $0x4000  }
0x52: {  	[sflag:s14] =	ssyncset.done $0x0  }
0x53: {  	[sflag:s14] =	ssyncadd.s32 $0xFFFFC000  }
0x54: {  	[tilespmem:s19], [sflag:$0x2] =	stream.indirect.gather [hbm4b:s1+s17], $0x80, s22, s17, $0xb8;
	[tilespmem:$0x1E800] =	vst v63  }
0x55: {  	_ =	swait.ge [sflag:s20], $0x4000  }
0x56: {  	[sflag:s20] =	ssyncset.done $0x0  }
0x57: {  	[sflag:s20] =	ssyncadd.s32 $0xFFFFC000  }
0x58: {  	[spmem:s3] =	stream.indirect.scatter.add.f32 [tilespmem:s18], [sflag:$0x3], $0x80, s23, s17, $0xb8;
	[tilespmem:$0x1E800] =	vst v63  }
0x59: {  	_ =	swait.ge [sflag:s14], $0x4000  }
0x5a: {  	[sflag:s14] =	ssyncset.done $0x0  }
0x5b: {  	[sflag:s14] =	ssyncadd.s32 $0xFFFFC000  }
0x5c: {  	_ =	swait.ge [sflag:s21], $0x4000  }
0x5d: {  	[sflag:s21] =	ssyncset.done $0x0  }
0x5e: {  	[sflag:s21] =	ssyncadd.s32 $0xFFFFC000  }
0x5f: {  	[spmem:s3] =	stream.indirect.scatter.add.f32 [tilespmem:s19], [sflag:$0x3], $0x80, s24, s17, $0xb8;
	[tilespmem:$0x1E800] =	vst v63  }
0x60: {  	_ =	swait.ge [sflag:s14], $0x4000  }
0x61: {  	[sflag:s14] =	ssyncset.done $0x0  }
0x62: {  	s30 =	simm.s32 $0x0;
	[sflag:s14] =	ssyncadd.s32 $0xFFFFC000  }
0x63: {  	[tilespmem:s15], [sflag:$0x3] =	stream.linear.gather [hbm4b:s9+s30], $0x1400, $0x38;
	[tilespmem:$0x1E800] =	vst v63  }
0x64: {  	_ =	swait.ge [sflag:s14], $0x1400  }
0x65: {  	[sflag:s14] =	ssyncset.done $0x0  }
0x66: {  	[sflag:s14] =	ssyncadd.s32 $0xFFFFEC00  }
0x67: {  	[tilespmem:s16], [sflag:$0x3] =	stream.linear.gather [hbm4b:s10+s30], $0x1400, $0x38;
	[tilespmem:$0x1E800] =	vst v63  }
0x68: {  	_ =	swait.ge [sflag:s14], $0x1400  }
0x69: {  	[sflag:s14] =	ssyncset.done $0x0  }
0x6a: {  	[sflag:s14] =	ssyncadd.s32 $0xFFFFEC00  }
0x6b: {  	[tilespmem:s18], [sflag:$0x1] =	stream.indirect.gather [hbm4b:s1+s17], $0x80, s15, s17, $0xb8;
	[tilespmem:$0x1E800] =	vst v63  }
0x6c: {  	s31 =	simm.s32 $0x14080  }
0x6d: {  	[tilespmem:s19], [sflag:$0x2] =	stream.indirect.gather [hbm4b:s1+s17], $0x80, s31, s17, $0xb8;
	[tilespmem:$0x1E800] =	vst v63  }
0x6e: {  	_ =	swait.ge [sflag:s20], $0x4000  }
0x6f: {  	[sflag:s20] =	ssyncset.done $0x0  }
0x70: {  	s29 =	simm.s32 $0x15400;
	[sflag:s20] =	ssyncadd.s32 $0xFFFFC000  }
0x71: {  	[spmem:s3] =	stream.indirect.scatter.add.f32 [tilespmem:s18], [sflag:$0x3], $0x80, s29, s17, $0xb8;
	[tilespmem:$0x1E800] =	vst v63  }
0x72: {  	_ =	swait.ge [sflag:s14], $0x4000  }
0x73: {  	[sflag:s14] =	ssyncset.done $0x0  }
0x74: {  	s30 =	simm.s32 $0x14100;
	[sflag:s14] =	ssyncadd.s32 $0xFFFFC000  }
0x75: {  	[tilespmem:s18], [sflag:$0x1] =	stream.indirect.gather [hbm4b:s1+s17], $0x80, s30, s17, $0xb8;
	[tilespmem:$0x1E800] =	vst v63  }
0x76: {  	_ =	swait.ge [sflag:s21], $0x4000  }
0x77: {  	[sflag:s21] =	ssyncset.done $0x0  }
0x78: {  	s31 =	simm.s32 $0x15480;
	[sflag:s21] =	ssyncadd.s32 $0xFFFFC000  }
0x79: {  	[spmem:s3] =	stream.indirect.scatter.add.f32 [tilespmem:s19], [sflag:$0x3], $0x80, s31, s17, $0xb8;
	[tilespmem:$0x1E800] =	vst v63  }
0x7a: {  	_ =	swait.ge [sflag:s14], $0x4000  }
0x7b: {  	s26 =	simm.s32 $0x100;
	s28 =	simm.s32 $0x800;
	[sflag:s14] =	ssyncset.done $0x0  }
.LBB2_4:
0x7c: {  	s29 =	sadd.s32 $0x14080, s26  }
0x7d: {  	[sflag:s14] =	ssyncadd.s32 $0xFFFFC000;
	s30 =	smov.u32 s28;
	s31 =	sadd.s32 $0x400, s28  }
0x7e: {  	[tilespmem:s19], [sflag:$0x2] =	stream.indirect.gather [hbm4b:s1+s17], $0x80, s29, s17, $0xb8;
	[tilespmem:$0x1E800] =	vst v63  }
0x7f: {  	p0 =	sne.s32 s28, $0x4800;
	_ =	swait.ge [sflag:s20], $0x4000  }
0x80: {  	[sflag:s20] =	ssyncset.done $0x0  }
0x81: {  	s28 =	sadd.s32 $0x15400, s26;
	[sflag:s20] =	ssyncadd.s32 $0xFFFFC000  }
0x82: {  	[spmem:s3] =	stream.indirect.scatter.add.f32 [tilespmem:s18], [sflag:$0x3], $0x80, s28, s17, $0xb8;
	[tilespmem:$0x1E800] =	vst v63  }
0x83: {  	_ =	swait.ge [sflag:s14], $0x4000  }
0x84: {  	[sflag:s14] =	ssyncset.done $0x0  }
0x85: {  	s28 =	sadd.s32 $0x14100, s26;
	[sflag:s14] =	ssyncadd.s32 $0xFFFFC000  }
0x86: {  	[tilespmem:s18], [sflag:$0x1] =	stream.indirect.gather [hbm4b:s1+s17], $0x80, s28, s17, $0xb8;
	[tilespmem:$0x1E800] =	vst v63  }
0x87: {  	_ =	swait.ge [sflag:s21], $0x4000  }
.Ltmp1:
0x88: {  	[sflag:s21] =	ssyncset.done $0x0;
	(pc) =	sbr.rel @p0 .LBB2_4-.Ltmp1, $4  }
0x89: {  	s26 =	sadd.s32 $0x15480, s26;
	[sflag:s21] =	ssyncadd.s32 $0xFFFFC000  }
0x8a: {  	[spmem:s3] =	stream.indirect.scatter.add.f32 [tilespmem:s19], [sflag:$0x3], $0x80, s26, s17, $0xb8;
	[tilespmem:$0x1E800] =	vst v63  }
0x8b: {  	_ =	swait.ge [sflag:s14], $0x4000  }
0x8c: {  	s28 =	smov.u32 s31;
	s26 =	sshra.s32 s30, $0x2;
	[sflag:s14] =	ssyncset.done $0x0  }
0x8d: {  	s28 =	sadd.s32 $0x14080, s26;
	[sflag:s14] =	ssyncadd.s32 $0xFFFFC000  }
0x8e: {  	[tilespmem:s19], [sflag:$0x2] =	stream.indirect.gather [hbm4b:s1+s17], $0x80, s28, s17, $0xb8;
	[tilespmem:$0x1E800] =	vst v63  }
0x8f: {  	_ =	swait.ge [sflag:s20], $0x4000  }
0x90: {  	[sflag:s20] =	ssyncset.done $0x0  }
0x91: {  	s29 =	sadd.s32 $0x15400, s26;
	[sflag:s20] =	ssyncadd.s32 $0xFFFFC000  }
0x92: {  	[spmem:s3] =	stream.indirect.scatter.add.f32 [tilespmem:s18], [sflag:$0x3], $0x80, s29, s17, $0xb8;
	[tilespmem:$0x1E800] =	vst v63  }
0x93: {  	_ =	swait.ge [sflag:s14], $0x4000  }
0x94: {  	[sflag:s14] =	ssyncset.done $0x0  }
0x95: {  	s30 =	sadd.s32 $0x14100, s26;
	[sflag:s14] =	ssyncadd.s32 $0xFFFFC000  }
0x96: {  	[tilespmem:s18], [sflag:$0x1] =	stream.indirect.gather [hbm4b:s1+s17], $0x80, s30, s17, $0xb8;
	[tilespmem:$0x1E800] =	vst v63  }
0x97: {  	_ =	swait.ge [sflag:s21], $0x4000  }
0x98: {  	[sflag:s21] =	ssyncset.done $0x0  }
0x99: {  	s31 =	sadd.s32 $0x15480, s26;
	[sflag:s21] =	ssyncadd.s32 $0xFFFFC000  }
0x9a: {  	[spmem:s3] =	stream.indirect.scatter.add.f32 [tilespmem:s19], [sflag:$0x3], $0x80, s31, s17, $0xb8;
	[tilespmem:$0x1E800] =	vst v63  }
0x9b: {  	_ =	swait.ge [sflag:s14], $0x4000  }
0x9c: {  	[sflag:s14] =	ssyncset.done $0x0  }
0x9d: {  	[sflag:s14] =	ssyncadd.s32 $0xFFFFC000  }
0x9e: {  	[tilespmem:s19], [sflag:$0x2] =	stream.indirect.gather [hbm4b:s1+s17], $0x80, s22, s17, $0xb8;
	[tilespmem:$0x1E800] =	vst v63  }
0x9f: {  	_ =	swait.ge [sflag:s20], $0x4000  }
0xa0: {  	[sflag:s20] =	ssyncset.done $0x0  }
0xa1: {  	[sflag:s20] =	ssyncadd.s32 $0xFFFFC000  }
0xa2: {  	[spmem:s3] =	stream.indirect.scatter.add.f32 [tilespmem:s18], [sflag:$0x3], $0x80, s23, s17, $0xb8;
	[tilespmem:$0x1E800] =	vst v63  }
0xa3: {  	_ =	swait.ge [sflag:s14], $0x4000  }
0xa4: {  	[sflag:s14] =	ssyncset.done $0x0  }
0xa5: {  	[sflag:s14] =	ssyncadd.s32 $0xFFFFC000  }
0xa6: {  	_ =	swait.ge [sflag:s21], $0x4000  }
0xa7: {  	[sflag:s21] =	ssyncset.done $0x0  }
0xa8: {  	[sflag:s21] =	ssyncadd.s32 $0xFFFFC000  }
0xa9: {  	[spmem:s3] =	stream.indirect.scatter.add.f32 [tilespmem:s19], [sflag:$0x3], $0x80, s24, s17, $0xb8;
	[tilespmem:$0x1E800] =	vst v63  }
0xaa: {  	_ =	swait.ge [sflag:s14], $0x4000  }
0xab: {  	s25 =	sadd.s32 $0x1, s25;
	[sflag:s14] =	ssyncset.done $0x0  }
0xac: {  	p0 =	sne.s32 s25, s12;
	[sflag:s14] =	ssyncadd.s32 $0xFFFFC000  }
.Ltmp2:
0xad: {  	[bflag:$0x0] =	sbarrier.arrive $0xFFFF;
	(pc) =	sbr.rel @p0 .LBB2_1-.Ltmp2, $4  }
0xae: {  	[hbm:s11], [sflag:s6] =	dma.local [spmem:s13], $0x2800  }
0xaf: {  	_ =	swait.ge [sflag:s14], $0x2800  }
0xb0: {  	[sflag:s14] =	ssyncset.done $0x0  }
0xb1: {  	[sflag:s14] =	ssyncadd.s32 $0xFFFFD800  }
0xb2: {  	_ =	sfence.sel $0x180000  }
0xb3: {  	[bflag:$0x0] =	sbarrier.arrive $0xFFFF  }
0xb4: {  	p0 =	sne.s32 s2, $0x0;
	_ =	strace $0x90000047  }
0xb5: {  	s0 =	sadd.s32 @!p0 $0x100000, s0;
	[bflag:$0x2] =	sbarrier.arrive $0xFFFF  }
0xb6: {  	[sflag:s0] =	ssyncadd.tile.s32 @!p0 $0x1;
	_ =	shalt  }
.Lfunc_end2:
_tile_overlayer_lowered:
.L_overlay_start_2:
0xb7: {  	(tag) =	ssettag $0x2  }
0xb8: {  	s0 =	rddreg [dreg:$0x0];
	s2 =	stileid.u32  }
0xb9: {  	s1 =	rddreg [dreg:$0x1];
	p0 =	sne.s32 s2, $0x0  }
0xba: {  	s3 =	rddreg [dreg:$0x2];
	[bflag:$0x3] =	sbarrier.arrive $0xFFFF;
	s2 =	simm.s32 @!p0 $0x1C03  }
0xbb: {  	[timem:s3], [sflag:s2] =	dma.local @!p0 [hbm:s0], s1  }
0xbc: {  	s0 =	simm.s32 @!p0 $0x3  }
0xbd: {  	_ =	swait.ge @!p0 [sflag:s0], s1  }
0xbe: {  	s1 =	ssub.s32 @!p0 $0x0, s1;
	[sflag:s0] =	ssyncset.done @!p0 $0x0  }
0xbf: {  	[sflag:s0] =	ssyncadd.s32 @!p0 s1  }
0xc0: {  	[bflag:$0x3] =	sbarrier.arrive $0xFFFF  }
0xc1: {  	_ =	shalt  }

</sc_bundles>
